<compile_context>
chip_gen: v7x
topology: tpu7x:2x2x1
jax: 0.10.2.dev20260603
libtpu: 0.0.44.dev20260713+nightly
codegen_flags: <defaults>
</compile_context>

<pallas_src>
import functools

import jax
import jax.numpy as jnp
from jax import lax
from jax.experimental import pallas as pl
from jax.experimental.pallas import tpu as pltpu
from jax.experimental.pallas import tpu_sc as plsc

_HI = lax.Precision.HIGHEST


def _lrelu(v):
    return jnp.where(v >= 0, v, 0.01 * v)



def _gates_body(ea_ref, w1s_ref, b1c_ref, w2t_ref, b2c_ref, out_ref):
    blk = ea_ref[...]
    h = _lrelu(lax.dot(w1s_ref[...], blk, precision=_HI,
                       preferred_element_type=jnp.float32) + b1c_ref[...])
    gp = lax.dot(w2t_ref[...], h, precision=_HI,
                 preferred_element_type=jnp.float32) + b2c_ref[...]
    out_ref[...] = jnp.where(gp >= 0, gp,
                             jnp.exp(jnp.minimum(gp, 0.0)) - 1.0)


def _gates(eat, w1s, b1c, w2t, b2c):
    EP4 = eat.shape[1]
    BE = 32768
    grid = EP4 // BE
    return pl.pallas_call(
        _gates_body,
        grid=(grid,),
        in_specs=[
            pl.BlockSpec((4, BE), lambda i: (0, i)),
            pl.BlockSpec((32, 4), lambda i: (0, 0)),
            pl.BlockSpec((32, 1), lambda i: (0, 0)),
            pl.BlockSpec((4, 32), lambda i: (0, 0)),
            pl.BlockSpec((4, 1), lambda i: (0, 0)),
        ],
        out_specs=pl.BlockSpec((4, BE), lambda i: (0, i)),
        out_shape=jax.ShapeDtypeStruct((4, EP4), jnp.float32),
    )(eat, w1s, b1c, w2t, b2c)



def _y_body(x_ref, wcat_ref, y_ref):
    y_ref[...] = lax.dot(x_ref[...], wcat_ref[...], precision=_HI,
                         preferred_element_type=jnp.float32)


def _y_proj(x, wcat):
    N, D = x.shape
    BN = 1000
    grid = N // BN
    return pl.pallas_call(
        _y_body,
        grid=(grid,),
        in_specs=[
            pl.BlockSpec((BN, D), lambda i: (i, 0)),
            pl.BlockSpec((D, 4 * 128), lambda i: (0, 0)),
        ],
        out_specs=pl.BlockSpec((BN, 4 * 128), lambda i: (i, 0)),
        out_shape=jax.ShapeDtypeStruct((N, 4 * 128), jnp.float32),
    )(x, wcat)



_K = 32
_PAD = 10240


def _splat(vec16, lane):
    idx = (jnp.zeros((16,), jnp.int32) + lane).reshape(16, 1)
    dnums = lax.GatherDimensionNumbers(
        offset_dims=(), collapsed_slice_dims=(0,), start_index_map=(0,))
    return lax.gather(vec16, idx, dnums, (1,),
                      mode=lax.GatherScatterMode.PROMISE_IN_BOUNDS)


def _sc_spmm(y, src_p, dst_p, gflat, n, d):
    info = plsc.get_sparse_core_info()
    NC, NS = info.num_cores, info.num_subcores
    K = _K
    STEPS = _PAD // K
    PAIRS = STEPS // 2
    zeros = jnp.zeros((n, d), jnp.float32)

    mesh = plsc.VectorSubcoreMesh(core_axis_name="c", subcore_axis_name="s")

    @functools.partial(
        pl.kernel,
        out_type=jax.ShapeDtypeStruct((NC * n, d), jnp.float32),
        mesh=mesh,
        scratch_types=[
            pltpu.VMEM((2, K), jnp.int32),
            pltpu.VMEM((2, K), jnp.int32),
            pltpu.VMEM((2, 4, K), jnp.float32),
            pltpu.VMEM((2, K, 4 * d), jnp.float32),
            pltpu.VMEM((2, K, d), jnp.float32),
            pltpu.VMEM_SHARED((n, d), jnp.float32),
            pltpu.SemaphoreType.DMA,
            pltpu.SemaphoreType.DMA,
            pltpu.SemaphoreType.DMA,
            pltpu.SemaphoreType.DMA,
            pltpu.SemaphoreType.DMA,
            pltpu.SemaphoreType.DMA,
            pltpu.SemaphoreType.DMA,
            pltpu.SemaphoreType.DMA,
        ],
    )
    def spmm(y_hbm, src_hbm, dst_hbm, g0_hbm, g1_hbm, g2_hbm, g3_hbm,
             z_hbm, out_hbm, srow, drow, wv, rows, zb, accum,
             si0, si1, sg0, sg1, sd0, sd1, ss0, ss1):
        g_hbms = (g0_hbm, g1_hbm, g2_hbm, g3_hbm)
        c = lax.axis_index("c")
        s = lax.axis_index("s")
        wid = s * NC + c
        ebase = wid * _PAD
        si = (si0, si1)
        sg = (sg0, sg1)
        sd = (sd0, sd1)
        ss = (ss0, ss1)

        @pl.when(s < NS - 1)
        def _():
            pltpu.sync_copy(z_hbm.at[pl.ds(s * 640, 640)],
                            accum.at[pl.ds(s * 640, 640)])

        @pl.when(s == NS - 1)
        def _():
            pltpu.sync_copy(z_hbm.at[pl.ds((NS - 1) * 640, n - (NS - 1) * 640)],
                            accum.at[pl.ds((NS - 1) * 640, n - (NS - 1) * 640)])

        plsc.subcore_barrier()

        def idx_fetch(step, b):
            off = ebase + step * K
            pltpu.async_copy(src_hbm.at[pl.ds(off, K)], srow.at[b], si[b])
            for cc in range(4):
                pltpu.async_copy(g_hbms[cc].at[pl.ds(off, K)],
                                 wv.at[b, cc], si[b])

        def wait_idx(b):
            pltpu.make_async_copy(src_hbm.at[pl.ds(0, K)], srow.at[b],
                                  si[b]).wait()
            for cc in range(4):
                pltpu.make_async_copy(g_hbms[cc].at[pl.ds(0, K)],
                                      wv.at[b, cc], si[b]).wait()

        def dst_fetch(step, b):
            off = ebase + step * K
            pltpu.async_copy(dst_hbm.at[pl.ds(off, K)], drow.at[b], sd[b])

        def wait_dst(b):
            pltpu.make_async_copy(dst_hbm.at[pl.ds(0, K)], drow.at[b],
                                  sd[b]).wait()

        def gather(b):
            pltpu.async_copy(y_hbm.at[srow.at[b]], rows.at[b], sg[b])

        def wait_gather(b):
            pltpu.make_async_copy(y_hbm.at[pl.ds(0, K)], rows.at[b],
                                  sg[b]).wait()

        def compute(b):
            @plsc.parallel_loop(0, K, step=1, unroll=8)
            def _(e):
                goff = (e >> 4) * 16
                lane = e & 15
                w0 = _splat(wv[b, 0, pl.ds(goff, 16)], lane)
                w1 = _splat(wv[b, 1, pl.ds(goff, 16)], lane)
                w2 = _splat(wv[b, 2, pl.ds(goff, 16)], lane)
                w3 = _splat(wv[b, 3, pl.ds(goff, 16)], lane)
                for j in range(d // 16):
                    z = (rows[b, e, pl.ds(j * 16, 16)] * w0
                         + rows[b, e, pl.ds(d + j * 16, 16)] * w1
                         + rows[b, e, pl.ds(2 * d + j * 16, 16)] * w2
                         + rows[b, e, pl.ds(3 * d + j * 16, 16)] * w3)
                    zb[b, e, pl.ds(j * 16, 16)] = z

        def scatter(b):
            pltpu.async_copy(zb.at[b], accum.at[drow.at[b]], ss[b], add=True)

        def wait_scatter(b):
            pltpu.make_async_copy(zb.at[b], accum.at[drow.at[b]],
                                  ss[b]).wait()

        def half(t, b, first_pair, last_pair):
            @pl.when(jnp.logical_not(first_pair))
            def _():
                wait_scatter(b)
            dst_fetch(t, b)
            if b == 0:
                wait_idx(1)
                gather(1)
            else:
                @pl.when(jnp.logical_not(last_pair))
                def _():
                    wait_idx(0)
                    gather(0)
            wait_gather(b)
            compute(b)
            wait_dst(b)
            scatter(b)

            @pl.when(jnp.logical_not(last_pair))
            def _():
                idx_fetch(t + 2, b)

        idx_fetch(0, 0)
        idx_fetch(1, 1)
        wait_idx(0)
        gather(0)

        def pair(i2, carry):
            t = 2 * i2
            first = i2 < 1
            last = i2 >= PAIRS - 1
            half(t, 0, first, last)
            half(t + 1, 1, first, last)
            return carry

        lax.fori_loop(0, PAIRS, pair, 0)
        wait_scatter(0)
        wait_scatter(1)
        plsc.subcore_barrier()

        @pl.when(s < NS - 1)
        def _():
            pltpu.sync_copy(accum.at[pl.ds(s * 640, 640)],
                            out_hbm.at[pl.ds(c * n + s * 640, 640)])

        @pl.when(s == NS - 1)
        def _():
            pltpu.sync_copy(
                accum.at[pl.ds((NS - 1) * 640, n - (NS - 1) * 640)],
                out_hbm.at[pl.ds(c * n + (NS - 1) * 640, n - (NS - 1) * 640)])

    return spmm(y, src_p, dst_p, gflat[0], gflat[1], gflat[2], gflat[3],
                zeros)



def _final_body(h0_ref, h1_ref, y_ref, epsf_ref, b3_ref, w4t_ref, b4_ref, out_ref):
    yb = y_ref[...] * epsf_ref[...]
    base = (yb[:, 0:128] + yb[:, 128:256]
            + yb[:, 256:384] + yb[:, 384:512])
    pre = h0_ref[...] + h1_ref[...] + base + b3_ref[...]
    h = _lrelu(pre)
    out_ref[...] = lax.dot(h, w4t_ref[...], precision=_HI,
                           preferred_element_type=jnp.float32) + b4_ref[...]


def _final(h0, h1, y, epsf, b3r, w4t, b4r):
    N, D = h0.shape
    BN = 1000
    grid = N // BN
    return pl.pallas_call(
        _final_body,
        grid=(grid,),
        in_specs=[
            pl.BlockSpec((BN, D), lambda i: (i, 0)),
            pl.BlockSpec((BN, D), lambda i: (i, 0)),
            pl.BlockSpec((BN, 4 * D), lambda i: (i, 0)),
            pl.BlockSpec((1, 4 * D), lambda i: (0, 0)),
            pl.BlockSpec((1, D), lambda i: (0, 0)),
            pl.BlockSpec((D, D), lambda i: (0, 0)),
            pl.BlockSpec((1, D), lambda i: (0, 0)),
        ],
        out_specs=pl.BlockSpec((BN, D), lambda i: (i, 0)),
        out_shape=jax.ShapeDtypeStruct((N, D), jnp.float32),
    )(h0, h1, y, epsf, b3r, w4t, b4r)



def kernel(x, edge_index, edge_attr, W1, b1, W2, b2, eps, W3, b3, W4, b4):
    N, D = x.shape
    C = W1.shape[0]
    OUT = W3.shape[0]

    w1s = W1.reshape(C * 8, 4)
    b1c = b1.reshape(C * 8, 1)
    w2t = (jnp.eye(C, dtype=jnp.float32)[:, None, :]
           * W2.reshape(C, 8)[:, :, None]).reshape(C * 8, C).T
    b2c = b2.reshape(C, 1)
    wcat = W3.reshape(OUT, C, D).transpose(2, 1, 0).reshape(D, C * OUT)
    epsf = jnp.repeat(1.0 + eps, OUT).reshape(1, C * OUT)
    b3r = b3.reshape(1, OUT)
    w4t = W4.T
    b4r = b4.reshape(1, OUT)

    E = edge_index.shape[1]
    NW = 32
    EP = NW * _PAD - E
    eat = jnp.pad(edge_attr.T, ((0, 0), (0, EP)))
    gt4 = _gates(eat, w1s, b1c, w2t, b2c)
    grec = (gt4[0], gt4[1], gt4[2], gt4[3])

    y = _y_proj(x, wcat)

    padi = jnp.arange(EP, dtype=jnp.int32) % N
    src_p = jnp.concatenate([edge_index[0], padi])
    dst_p = jnp.concatenate([edge_index[1], padi])

    partials = _sc_spmm(y, src_p, dst_p, grec, N, OUT)
    h0 = partials[:N]
    h1 = partials[N:]
    return _final(h0, h1, y, epsf, b3r, w4t, b4r)

# --- scband reference (transcript-rebuilt; emitter-appended) ---
"""Pipeline reference for scband-mcnwmconv-4612794876596 (READ-ONLY COPY).

The authoritative reference and input builder live on the scoring server;
editing this copy changes nothing except your own understanding.
"""

import jax, jax.numpy as jnp
import numpy as np

C = 4      # num_channels
N = 10000  # n_nodes
E = 320000 # n_edges
D = 128    # in_dim (d_feat)
DE = 4     # num_edge_attr
OUT = 128  # out_dim


def leaky_relu(v):
    return jnp.where(v >= 0, v, 0.01 * v)


def elu(v):
    return jnp.where(v >= 0, v, jnp.expm1(v))


def setup_inputs(seed: int = 0) -> dict:
    key = jax.random.key(seed)
    ks = jax.random.split(key, 10)
    x = jax.random.normal(ks[0], (N, D), dtype=jnp.float32)
    edge_index = jax.random.randint(ks[1], (2, E), 0, N, dtype=jnp.int32)
    edge_attr = jax.random.uniform(ks[2], (E, DE), dtype=jnp.float32)
    # per-channel edge_nn params: Linear(DE,8) -> LeakyReLU -> Linear(8,1) -> ELU
    W1 = jax.random.normal(ks[3], (C, 8, DE), dtype=jnp.float32) * 0.3
    b1 = jnp.zeros((C, 8), dtype=jnp.float32)
    W2 = jax.random.normal(ks[4], (C, 1, 8), dtype=jnp.float32) * 0.3
    b2 = jnp.zeros((C, 1), dtype=jnp.float32)
    eps = jnp.zeros((C,), dtype=jnp.float32)  # trainable eps per channel, init 0
    # final nn: Linear(D*C, OUT) -> LeakyReLU -> Linear(OUT, OUT)
    W3 = jax.random.normal(ks[5], (OUT, D * C), dtype=jnp.float32) * 0.02
    b3 = jnp.zeros((OUT,), dtype=jnp.float32)
    W4 = jax.random.normal(ks[6], (OUT, OUT), dtype=jnp.float32) * 0.05
    b4 = jnp.zeros((OUT,), dtype=jnp.float32)
    return {"x": x, "edge_index": edge_index, "edge_attr": edge_attr,
            "W1": W1, "b1": b1, "W2": W2, "b2": b2, "eps": eps,
            "W3": W3, "b3": b3, "W4": W4, "b4": b4}


def reference(x, edge_index, edge_attr, W1, b1, W2, b2, eps, W3, b3, W4, b4):
    src = edge_index[0]  # j (source)
    dst = edge_index[1]  # i (target)
    x_j = jnp.take(x, src, axis=0)          # gather: [E, D]
    n = x.shape[0]
    chans = []
    for c in range(W1.shape[0]):
        h = leaky_relu(edge_attr @ W1[c].T + b1[c])   # [E, 8]
        w = elu(h @ W2[c].T + b2[c])                  # [E, 1]
        msg = x_j * w                                 # [E, D]
        agg = jnp.zeros((n, x.shape[1]), dtype=x.dtype).at[dst].add(msg)  # scatter-add
        chans.append(agg + (1.0 + eps[c]) * x)
    xc = jnp.concatenate(chans, axis=1)               # [N, D*C]
    h = leaky_relu(xc @ W3.T + b3)
    out = h @ W4.T + b4
    return out

if __name__ == "__main__":
    import jax
    _d = setup_inputs()
    print(jax.jit(kernel)(*tuple(_d.values())))

</pallas_src>

<mosaic_0001>
#map = affine_map<(d0, d1) -> (0, 0)>
#map1 = affine_map<(d0, d1) -> (0)>
module attributes {stable_mosaic.version = 14 : i64} {
  func.func @spmm(%arg0: i32, %arg1: i32, %arg2: memref<10000x512xf32, #tpu.memory_space<hbm>>, %arg3: memref<327680xi32, #tpu.memory_space<hbm>>, %arg4: memref<327680xi32, #tpu.memory_space<hbm>>, %arg5: memref<327680xf32, #tpu.memory_space<hbm>>, %arg6: memref<327680xf32, #tpu.memory_space<hbm>>, %arg7: memref<327680xf32, #tpu.memory_space<hbm>>, %arg8: memref<327680xf32, #tpu.memory_space<hbm>>, %arg9: memref<10000x128xf32, #tpu.memory_space<hbm>>, %arg10: memref<20000x128xf32, #tpu.memory_space<hbm>>, %arg11: memref<2x32xi32, #tpu.memory_space<vmem>>, %arg12: memref<2x32xi32, #tpu.memory_space<vmem>>, %arg13: memref<2x4x32xf32, #tpu.memory_space<vmem>>, %arg14: memref<2x32x512xf32, #tpu.memory_space<vmem>>, %arg15: memref<2x32x128xf32, #tpu.memory_space<vmem>>, %arg16: memref<10000x128xf32, #tpu.memory_space<vmem_shared>>, %arg17: memref<!tpu.dma_semaphore, #tpu.memory_space<semaphore_mem>>, %arg18: memref<!tpu.dma_semaphore, #tpu.memory_space<semaphore_mem>>, %arg19: memref<!tpu.dma_semaphore, #tpu.memory_space<semaphore_mem>>, %arg20: memref<!tpu.dma_semaphore, #tpu.memory_space<semaphore_mem>>, %arg21: memref<!tpu.dma_semaphore, #tpu.memory_space<semaphore_mem>>, %arg22: memref<!tpu.dma_semaphore, #tpu.memory_space<semaphore_mem>>, %arg23: memref<!tpu.dma_semaphore, #tpu.memory_space<semaphore_mem>>, %arg24: memref<!tpu.dma_semaphore, #tpu.memory_space<semaphore_mem>>) attributes {dimension_semantics = [#tpu.dimension_semantics<core_parallel>, #tpu.dimension_semantics<subcore_parallel>], iteration_bounds = array<i64: 2, 16>, scalar_prefetch = 0 : i64, scratch_operands = 14 : i64, tpu.core_type = #tpu.core_type<sc_vector_subcore>, window_params = [{transform_indices = #map}, {transform_indices = #map1}, {transform_indices = #map1}, {transform_indices = #map1}, {transform_indices = #map1}, {transform_indices = #map1}, {transform_indices = #map1}, {transform_indices = #map}, {transform_indices = #map}]} {
    %mul3A = arith.constant 2 : i32
    %mul3A_0 = arith.muli %arg1, %mul3A : i32
    %add3A = arith.addi %mul3A_0, %arg0 : i32
    %mul3A_1 = arith.constant 10240 : i32
    %mul3A_2 = arith.muli %add3A, %mul3A_1 : i32
    %lt3A = arith.constant 15 : i32
    %lt3A_3 = arith.cmpi slt, %arg1, %lt3A : i32
    %convert_element_type3A = arith.extui %lt3A_3 : i1 to i32
    %cond3A = arith.constant 0 : i32
    %cond3A_4 = arith.cmpi ne, %convert_element_type3A, %cond3A : i32
    scf.if %cond3A_4 {
      %mul3A_220 = arith.constant 640 : i32
      %mul3A_221 = arith.muli %arg1, %mul3A_220 : i32
      %mul3A_222 = arith.constant 640 : i32
      %mul3A_223 = arith.muli %arg1, %mul3A_222 : i32
      "tpu.region"() ({
        %run_scoped3A = tpu.sem_alloc : memref<!tpu.dma_semaphore, #tpu.memory_space<semaphore_mem>>
        %dma_start3A_224 = arith.constant 0 : i32
        %dma_start3A_225 = tpu.memref_slice %arg16[%mul3A_223, %dma_start3A_224] : memref<10000x128xf32, #tpu.memory_space<vmem_shared>> -> memref<640x128xf32, #tpu.memory_space<vmem_shared>>
        %dma_start3A_226 = arith.constant 0 : i32
        %dma_start3A_227 = tpu.memref_slice %arg9[%mul3A_221, %dma_start3A_226] : memref<10000x128xf32, #tpu.memory_space<hbm>> -> memref<640x128xf32, #tpu.memory_space<hbm>>
        tpu.enqueue_dma source(%dma_start3A_227 : memref<640x128xf32, #tpu.memory_space<hbm>>) target(%dma_start3A_225 : memref<640x128xf32, #tpu.memory_space<vmem_shared>>) target_semaphore(%run_scoped3A : memref<!tpu.dma_semaphore, #tpu.memory_space<semaphore_mem>>)
        %dma_wait3A_228 = arith.constant 0 : i32
        %dma_wait3A_229 = tpu.memref_slice %arg16[%mul3A_223, %dma_wait3A_228] : memref<10000x128xf32, #tpu.memory_space<vmem_shared>> -> memref<640x128xf32, #tpu.memory_space<vmem_shared>>
        %dma_wait3A_230 = arith.constant 0 : i32
        %dma_wait3A_231 = tpu.memref_slice %arg9[%mul3A_221, %dma_wait3A_230] : memref<10000x128xf32, #tpu.memory_space<hbm>> -> memref<640x128xf32, #tpu.memory_space<hbm>>
        tpu.wait_dma2 semaphore(%run_scoped3A : memref<!tpu.dma_semaphore, #tpu.memory_space<semaphore_mem>>) src(%dma_wait3A_231 : memref<640x128xf32, #tpu.memory_space<hbm>>) dst(%dma_wait3A_229 : memref<640x128xf32, #tpu.memory_space<vmem_shared>>)
        tpu.yield
      }) : () -> ()
    } else {
    }
    %eq3A = arith.constant 15 : i32
    %eq3A_5 = arith.cmpi eq, %arg1, %eq3A : i32
    %convert_element_type3A_6 = arith.extui %eq3A_5 : i1 to i32
    %cond3A_7 = arith.constant 0 : i32
    %cond3A_8 = arith.cmpi ne, %convert_element_type3A_6, %cond3A_7 : i32
    scf.if %cond3A_8 {
      "tpu.region"() ({
        %run_scoped3A = tpu.sem_alloc : memref<!tpu.dma_semaphore, #tpu.memory_space<semaphore_mem>>
        %dma_start3A_220 = arith.constant 9600 : i32
        %dma_start3A_221 = arith.constant 0 : i32
        %dma_start3A_222 = tpu.memref_slice %arg16[%dma_start3A_220, %dma_start3A_221] : memref<10000x128xf32, #tpu.memory_space<vmem_shared>> -> memref<400x128xf32, #tpu.memory_space<vmem_shared>>
        %dma_start3A_223 = arith.constant 9600 : i32
        %dma_start3A_224 = arith.constant 0 : i32
        %dma_start3A_225 = tpu.memref_slice %arg9[%dma_start3A_223, %dma_start3A_224] : memref<10000x128xf32, #tpu.memory_space<hbm>> -> memref<400x128xf32, #tpu.memory_space<hbm>>
        tpu.enqueue_dma source(%dma_start3A_225 : memref<400x128xf32, #tpu.memory_space<hbm>>) target(%dma_start3A_222 : memref<400x128xf32, #tpu.memory_space<vmem_shared>>) target_semaphore(%run_scoped3A : memref<!tpu.dma_semaphore, #tpu.memory_space<semaphore_mem>>)
        %dma_wait3A_226 = arith.constant 9600 : i32
        %dma_wait3A_227 = arith.constant 0 : i32
        %dma_wait3A_228 = tpu.memref_slice %arg16[%dma_wait3A_226, %dma_wait3A_227] : memref<10000x128xf32, #tpu.memory_space<vmem_shared>> -> memref<400x128xf32, #tpu.memory_space<vmem_shared>>
        %dma_wait3A_229 = arith.constant 9600 : i32
        %dma_wait3A_230 = arith.constant 0 : i32
        %dma_wait3A_231 = tpu.memref_slice %arg9[%dma_wait3A_229, %dma_wait3A_230] : memref<10000x128xf32, #tpu.memory_space<hbm>> -> memref<400x128xf32, #tpu.memory_space<hbm>>
        tpu.wait_dma2 semaphore(%run_scoped3A : memref<!tpu.dma_semaphore, #tpu.memory_space<semaphore_mem>>) src(%dma_wait3A_231 : memref<400x128xf32, #tpu.memory_space<hbm>>) dst(%dma_wait3A_228 : memref<400x128xf32, #tpu.memory_space<vmem_shared>>)
        tpu.yield
      }) : () -> ()
    } else {
    }
    %barrier3A = arith.constant 0 : index
    tpu.barrier barrier_id(%barrier3A)
    %add3A_9 = arith.constant 0 : i32
    %add3A_10 = arith.addi %mul3A_2, %add3A_9 : i32
    %dma_start3A = arith.constant 0 : i32
    %dma_start3A_11 = arith.constant 0 : i32
    %dma_start3A_12 = tpu.memref_slice %arg11[%dma_start3A, %dma_start3A_11] : memref<2x32xi32, #tpu.memory_space<vmem>> -> memref<1x32xi32, #tpu.memory_space<vmem>>
    %dma_start3A_13 = tpu.memref_squeeze %dma_start3A_12 : memref<1x32xi32, #tpu.memory_space<vmem>> -> memref<32xi32, #tpu.memory_space<vmem>>
    %dma_start3A_14 = tpu.memref_slice %arg3[%add3A_10] : memref<327680xi32, #tpu.memory_space<hbm>> -> memref<32xi32, #tpu.memory_space<hbm>>
    %dma_start3A_15 = arith.constant 0 : i32
    %dma_start3A_16 = tpu.memref_slice %arg11[%dma_start3A, %dma_start3A_15] : memref<2x32xi32, #tpu.memory_space<vmem>> -> memref<1x32xi32, #tpu.memory_space<vmem>>
    %dma_start3A_17 = tpu.memref_squeeze %dma_start3A_16 : memref<1x32xi32, #tpu.memory_space<vmem>> -> memref<32xi32, #tpu.memory_space<vmem>>
    %dma_start3A_18 = tpu.memref_slice %arg3[%add3A_10] : memref<327680xi32, #tpu.memory_space<hbm>> -> memref<32xi32, #tpu.memory_space<hbm>>
    tpu.enqueue_dma source(%dma_start3A_18 : memref<32xi32, #tpu.memory_space<hbm>>) target(%dma_start3A_17 : memref<32xi32, #tpu.memory_space<vmem>>) target_semaphore(%arg17 : memref<!tpu.dma_semaphore, #tpu.memory_space<semaphore_mem>>)
    %dma_start3A_19 = arith.constant 0 : i32
    %dma_start3A_20 = arith.constant 0 : i32
    %dma_start3A_21 = arith.constant 0 : i32
    %dma_start3A_22 = tpu.memref_slice %arg13[%dma_start3A_19, %dma_start3A_20, %dma_start3A_21] : memref<2x4x32xf32, #tpu.memory_space<vmem>> -> memref<1x1x32xf32, #tpu.memory_space<vmem>>
    %dma_start3A_23 = tpu.memref_squeeze %dma_start3A_22 : memref<1x1x32xf32, #tpu.memory_space<vmem>> -> memref<32xf32, #tpu.memory_space<vmem>>
    %dma_start3A_24 = tpu.memref_slice %arg5[%add3A_10] : memref<327680xf32, #tpu.memory_space<hbm>> -> memref<32xf32, #tpu.memory_space<hbm>>
    %dma_start3A_25 = arith.constant 0 : i32
    %dma_start3A_26 = tpu.memref_slice %arg13[%dma_start3A_19, %dma_start3A_20, %dma_start3A_25] : memref<2x4x32xf32, #tpu.memory_space<vmem>> -> memref<1x1x32xf32, #tpu.memory_space<vmem>>
    %dma_start3A_27 = tpu.memref_squeeze %dma_start3A_26 : memref<1x1x32xf32, #tpu.memory_space<vmem>> -> memref<32xf32, #tpu.memory_space<vmem>>
    %dma_start3A_28 = tpu.memref_slice %arg5[%add3A_10] : memref<327680xf32, #tpu.memory_space<hbm>> -> memref<32xf32, #tpu.memory_space<hbm>>
    tpu.enqueue_dma source(%dma_start3A_28 : memref<32xf32, #tpu.memory_space<hbm>>) target(%dma_start3A_27 : memref<32xf32, #tpu.memory_space<vmem>>) target_semaphore(%arg17 : memref<!tpu.dma_semaphore, #tpu.memory_space<semaphore_mem>>)
    %dma_start3A_29 = arith.constant 0 : i32
    %dma_start3A_30 = arith.constant 1 : i32
    %dma_start3A_31 = arith.constant 0 : i32
    %dma_start3A_32 = tpu.memref_slice %arg13[%dma_start3A_29, %dma_start3A_30, %dma_start3A_31] : memref<2x4x32xf32, #tpu.memory_space<vmem>> -> memref<1x1x32xf32, #tpu.memory_space<vmem>>
    %dma_start3A_33 = tpu.memref_squeeze %dma_start3A_32 : memref<1x1x32xf32, #tpu.memory_space<vmem>> -> memref<32xf32, #tpu.memory_space<vmem>>
    %dma_start3A_34 = tpu.memref_slice %arg6[%add3A_10] : memref<327680xf32, #tpu.memory_space<hbm>> -> memref<32xf32, #tpu.memory_space<hbm>>
    %dma_start3A_35 = arith.constant 0 : i32
    %dma_start3A_36 = tpu.memref_slice %arg13[%dma_start3A_29, %dma_start3A_30, %dma_start3A_35] : memref<2x4x32xf32, #tpu.memory_space<vmem>> -> memref<1x1x32xf32, #tpu.memory_space<vmem>>
    %dma_start3A_37 = tpu.memref_squeeze %dma_start3A_36 : memref<1x1x32xf32, #tpu.memory_space<vmem>> -> memref<32xf32, #tpu.memory_space<vmem>>
    %dma_start3A_38 = tpu.memref_slice %arg6[%add3A_10] : memref<327680xf32, #tpu.memory_space<hbm>> -> memref<32xf32, #tpu.memory_space<hbm>>
    tpu.enqueue_dma source(%dma_start3A_38 : memref<32xf32, #tpu.memory_space<hbm>>) target(%dma_start3A_37 : memref<32xf32, #tpu.memory_space<vmem>>) target_semaphore(%arg17 : memref<!tpu.dma_semaphore, #tpu.memory_space<semaphore_mem>>)
    %dma_start3A_39 = arith.constant 0 : i32
    %dma_start3A_40 = arith.constant 2 : i32
    %dma_start3A_41 = arith.constant 0 : i32
    %dma_start3A_42 = tpu.memref_slice %arg13[%dma_start3A_39, %dma_start3A_40, %dma_start3A_41] : memref<2x4x32xf32, #tpu.memory_space<vmem>> -> memref<1x1x32xf32, #tpu.memory_space<vmem>>
    %dma_start3A_43 = tpu.memref_squeeze %dma_start3A_42 : memref<1x1x32xf32, #tpu.memory_space<vmem>> -> memref<32xf32, #tpu.memory_space<vmem>>
    %dma_start3A_44 = tpu.memref_slice %arg7[%add3A_10] : memref<327680xf32, #tpu.memory_space<hbm>> -> memref<32xf32, #tpu.memory_space<hbm>>
    %dma_start3A_45 = arith.constant 0 : i32
    %dma_start3A_46 = tpu.memref_slice %arg13[%dma_start3A_39, %dma_start3A_40, %dma_start3A_45] : memref<2x4x32xf32, #tpu.memory_space<vmem>> -> memref<1x1x32xf32, #tpu.memory_space<vmem>>
    %dma_start3A_47 = tpu.memref_squeeze %dma_start3A_46 : memref<1x1x32xf32, #tpu.memory_space<vmem>> -> memref<32xf32, #tpu.memory_space<vmem>>
    %dma_start3A_48 = tpu.memref_slice %arg7[%add3A_10] : memref<327680xf32, #tpu.memory_space<hbm>> -> memref<32xf32, #tpu.memory_space<hbm>>
    tpu.enqueue_dma source(%dma_start3A_48 : memref<32xf32, #tpu.memory_space<hbm>>) target(%dma_start3A_47 : memref<32xf32, #tpu.memory_space<vmem>>) target_semaphore(%arg17 : memref<!tpu.dma_semaphore, #tpu.memory_space<semaphore_mem>>)
    %dma_start3A_49 = arith.constant 0 : i32
    %dma_start3A_50 = arith.constant 3 : i32
    %dma_start3A_51 = arith.constant 0 : i32
    %dma_start3A_52 = tpu.memref_slice %arg13[%dma_start3A_49, %dma_start3A_50, %dma_start3A_51] : memref<2x4x32xf32, #tpu.memory_space<vmem>> -> memref<1x1x32xf32, #tpu.memory_space<vmem>>
    %dma_start3A_53 = tpu.memref_squeeze %dma_start3A_52 : memref<1x1x32xf32, #tpu.memory_space<vmem>> -> memref<32xf32, #tpu.memory_space<vmem>>
    %dma_start3A_54 = tpu.memref_slice %arg8[%add3A_10] : memref<327680xf32, #tpu.memory_space<hbm>> -> memref<32xf32, #tpu.memory_space<hbm>>
    %dma_start3A_55 = arith.constant 0 : i32
    %dma_start3A_56 = tpu.memref_slice %arg13[%dma_start3A_49, %dma_start3A_50, %dma_start3A_55] : memref<2x4x32xf32, #tpu.memory_space<vmem>> -> memref<1x1x32xf32, #tpu.memory_space<vmem>>
    %dma_start3A_57 = tpu.memref_squeeze %dma_start3A_56 : memref<1x1x32xf32, #tpu.memory_space<vmem>> -> memref<32xf32, #tpu.memory_space<vmem>>
    %dma_start3A_58 = tpu.memref_slice %arg8[%add3A_10] : memref<327680xf32, #tpu.memory_space<hbm>> -> memref<32xf32, #tpu.memory_space<hbm>>
    tpu.enqueue_dma source(%dma_start3A_58 : memref<32xf32, #tpu.memory_space<hbm>>) target(%dma_start3A_57 : memref<32xf32, #tpu.memory_space<vmem>>) target_semaphore(%arg17 : memref<!tpu.dma_semaphore, #tpu.memory_space<semaphore_mem>>)
    %add3A_59 = arith.constant 32 : i32
    %add3A_60 = arith.addi %mul3A_2, %add3A_59 : i32
    %dma_start3A_61 = arith.constant 1 : i32
    %dma_start3A_62 = arith.constant 0 : i32
    %dma_start3A_63 = tpu.memref_slice %arg11[%dma_start3A_61, %dma_start3A_62] : memref<2x32xi32, #tpu.memory_space<vmem>> -> memref<1x32xi32, #tpu.memory_space<vmem>>
    %dma_start3A_64 = tpu.memref_squeeze %dma_start3A_63 : memref<1x32xi32, #tpu.memory_space<vmem>> -> memref<32xi32, #tpu.memory_space<vmem>>
    %dma_start3A_65 = tpu.memref_slice %arg3[%add3A_60] : memref<327680xi32, #tpu.memory_space<hbm>> -> memref<32xi32, #tpu.memory_space<hbm>>
    %dma_start3A_66 = arith.constant 0 : i32
    %dma_start3A_67 = tpu.memref_slice %arg11[%dma_start3A_61, %dma_start3A_66] : memref<2x32xi32, #tpu.memory_space<vmem>> -> memref<1x32xi32, #tpu.memory_space<vmem>>
    %dma_start3A_68 = tpu.memref_squeeze %dma_start3A_67 : memref<1x32xi32, #tpu.memory_space<vmem>> -> memref<32xi32, #tpu.memory_space<vmem>>
    %dma_start3A_69 = tpu.memref_slice %arg3[%add3A_60] : memref<327680xi32, #tpu.memory_space<hbm>> -> memref<32xi32, #tpu.memory_space<hbm>>
    tpu.enqueue_dma source(%dma_start3A_69 : memref<32xi32, #tpu.memory_space<hbm>>) target(%dma_start3A_68 : memref<32xi32, #tpu.memory_space<vmem>>) target_semaphore(%arg18 : memref<!tpu.dma_semaphore, #tpu.memory_space<semaphore_mem>>)
    %dma_start3A_70 = arith.constant 1 : i32
    %dma_start3A_71 = arith.constant 0 : i32
    %dma_start3A_72 = arith.constant 0 : i32
    %dma_start3A_73 = tpu.memref_slice %arg13[%dma_start3A_70, %dma_start3A_71, %dma_start3A_72] : memref<2x4x32xf32, #tpu.memory_space<vmem>> -> memref<1x1x32xf32, #tpu.memory_space<vmem>>
    %dma_start3A_74 = tpu.memref_squeeze %dma_start3A_73 : memref<1x1x32xf32, #tpu.memory_space<vmem>> -> memref<32xf32, #tpu.memory_space<vmem>>
    %dma_start3A_75 = tpu.memref_slice %arg5[%add3A_60] : memref<327680xf32, #tpu.memory_space<hbm>> -> memref<32xf32, #tpu.memory_space<hbm>>
    %dma_start3A_76 = arith.constant 0 : i32
    %dma_start3A_77 = tpu.memref_slice %arg13[%dma_start3A_70, %dma_start3A_71, %dma_start3A_76] : memref<2x4x32xf32, #tpu.memory_space<vmem>> -> memref<1x1x32xf32, #tpu.memory_space<vmem>>
    %dma_start3A_78 = tpu.memref_squeeze %dma_start3A_77 : memref<1x1x32xf32, #tpu.memory_space<vmem>> -> memref<32xf32, #tpu.memory_space<vmem>>
    %dma_start3A_79 = tpu.memref_slice %arg5[%add3A_60] : memref<327680xf32, #tpu.memory_space<hbm>> -> memref<32xf32, #tpu.memory_space<hbm>>
    tpu.enqueue_dma source(%dma_start3A_79 : memref<32xf32, #tpu.memory_space<hbm>>) target(%dma_start3A_78 : memref<32xf32, #tpu.memory_space<vmem>>) target_semaphore(%arg18 : memref<!tpu.dma_semaphore, #tpu.memory_space<semaphore_mem>>)
    %dma_start3A_80 = arith.constant 1 : i32
    %dma_start3A_81 = arith.constant 1 : i32
    %dma_start3A_82 = arith.constant 0 : i32
    %dma_start3A_83 = tpu.memref_slice %arg13[%dma_start3A_80, %dma_start3A_81, %dma_start3A_82] : memref<2x4x32xf32, #tpu.memory_space<vmem>> -> memref<1x1x32xf32, #tpu.memory_space<vmem>>
    %dma_start3A_84 = tpu.memref_squeeze %dma_start3A_83 : memref<1x1x32xf32, #tpu.memory_space<vmem>> -> memref<32xf32, #tpu.memory_space<vmem>>
    %dma_start3A_85 = tpu.memref_slice %arg6[%add3A_60] : memref<327680xf32, #tpu.memory_space<hbm>> -> memref<32xf32, #tpu.memory_space<hbm>>
    %dma_start3A_86 = arith.constant 0 : i32
    %dma_start3A_87 = tpu.memref_slice %arg13[%dma_start3A_80, %dma_start3A_81, %dma_start3A_86] : memref<2x4x32xf32, #tpu.memory_space<vmem>> -> memref<1x1x32xf32, #tpu.memory_space<vmem>>
    %dma_start3A_88 = tpu.memref_squeeze %dma_start3A_87 : memref<1x1x32xf32, #tpu.memory_space<vmem>> -> memref<32xf32, #tpu.memory_space<vmem>>
    %dma_start3A_89 = tpu.memref_slice %arg6[%add3A_60] : memref<327680xf32, #tpu.memory_space<hbm>> -> memref<32xf32, #tpu.memory_space<hbm>>
    tpu.enqueue_dma source(%dma_start3A_89 : memref<32xf32, #tpu.memory_space<hbm>>) target(%dma_start3A_88 : memref<32xf32, #tpu.memory_space<vmem>>) target_semaphore(%arg18 : memref<!tpu.dma_semaphore, #tpu.memory_space<semaphore_mem>>)
    %dma_start3A_90 = arith.constant 1 : i32
    %dma_start3A_91 = arith.constant 2 : i32
    %dma_start3A_92 = arith.constant 0 : i32
    %dma_start3A_93 = tpu.memref_slice %arg13[%dma_start3A_90, %dma_start3A_91, %dma_start3A_92] : memref<2x4x32xf32, #tpu.memory_space<vmem>> -> memref<1x1x32xf32, #tpu.memory_space<vmem>>
    %dma_start3A_94 = tpu.memref_squeeze %dma_start3A_93 : memref<1x1x32xf32, #tpu.memory_space<vmem>> -> memref<32xf32, #tpu.memory_space<vmem>>
    %dma_start3A_95 = tpu.memref_slice %arg7[%add3A_60] : memref<327680xf32, #tpu.memory_space<hbm>> -> memref<32xf32, #tpu.memory_space<hbm>>
    %dma_start3A_96 = arith.constant 0 : i32
    %dma_start3A_97 = tpu.memref_slice %arg13[%dma_start3A_90, %dma_start3A_91, %dma_start3A_96] : memref<2x4x32xf32, #tpu.memory_space<vmem>> -> memref<1x1x32xf32, #tpu.memory_space<vmem>>
    %dma_start3A_98 = tpu.memref_squeeze %dma_start3A_97 : memref<1x1x32xf32, #tpu.memory_space<vmem>> -> memref<32xf32, #tpu.memory_space<vmem>>
    %dma_start3A_99 = tpu.memref_slice %arg7[%add3A_60] : memref<327680xf32, #tpu.memory_space<hbm>> -> memref<32xf32, #tpu.memory_space<hbm>>
    tpu.enqueue_dma source(%dma_start3A_99 : memref<32xf32, #tpu.memory_space<hbm>>) target(%dma_start3A_98 : memref<32xf32, #tpu.memory_space<vmem>>) target_semaphore(%arg18 : memref<!tpu.dma_semaphore, #tpu.memory_space<semaphore_mem>>)
    %dma_start3A_100 = arith.constant 1 : i32
    %dma_start3A_101 = arith.constant 3 : i32
    %dma_start3A_102 = arith.constant 0 : i32
    %dma_start3A_103 = tpu.memref_slice %arg13[%dma_start3A_100, %dma_start3A_101, %dma_start3A_102] : memref<2x4x32xf32, #tpu.memory_space<vmem>> -> memref<1x1x32xf32, #tpu.memory_space<vmem>>
    %dma_start3A_104 = tpu.memref_squeeze %dma_start3A_103 : memref<1x1x32xf32, #tpu.memory_space<vmem>> -> memref<32xf32, #tpu.memory_space<vmem>>
    %dma_start3A_105 = tpu.memref_slice %arg8[%add3A_60] : memref<327680xf32, #tpu.memory_space<hbm>> -> memref<32xf32, #tpu.memory_space<hbm>>
    %dma_start3A_106 = arith.constant 0 : i32
    %dma_start3A_107 = tpu.memref_slice %arg13[%dma_start3A_100, %dma_start3A_101, %dma_start3A_106] : memref<2x4x32xf32, #tpu.memory_space<vmem>> -> memref<1x1x32xf32, #tpu.memory_space<vmem>>
    %dma_start3A_108 = tpu.memref_squeeze %dma_start3A_107 : memref<1x1x32xf32, #tpu.memory_space<vmem>> -> memref<32xf32, #tpu.memory_space<vmem>>
    %dma_start3A_109 = tpu.memref_slice %arg8[%add3A_60] : memref<327680xf32, #tpu.memory_space<hbm>> -> memref<32xf32, #tpu.memory_space<hbm>>
    tpu.enqueue_dma source(%dma_start3A_109 : memref<32xf32, #tpu.memory_space<hbm>>) target(%dma_start3A_108 : memref<32xf32, #tpu.memory_space<vmem>>) target_semaphore(%arg18 : memref<!tpu.dma_semaphore, #tpu.memory_space<semaphore_mem>>)
    %dma_wait3A = arith.constant 0 : i32
    %dma_wait3A_110 = arith.constant 0 : i32
    %dma_wait3A_111 = tpu.memref_slice %arg11[%dma_wait3A, %dma_wait3A_110] : memref<2x32xi32, #tpu.memory_space<vmem>> -> memref<1x32xi32, #tpu.memory_space<vmem>>
    %dma_wait3A_112 = tpu.memref_squeeze %dma_wait3A_111 : memref<1x32xi32, #tpu.memory_space<vmem>> -> memref<32xi32, #tpu.memory_space<vmem>>
    %dma_wait3A_113 = arith.constant 0 : i32
    %dma_wait3A_114 = tpu.memref_slice %arg3[%dma_wait3A_113] : memref<327680xi32, #tpu.memory_space<hbm>> -> memref<32xi32, #tpu.memory_space<hbm>>
    %dma_wait3A_115 = arith.constant 0 : i32
    %dma_wait3A_116 = tpu.memref_slice %arg11[%dma_wait3A, %dma_wait3A_115] : memref<2x32xi32, #tpu.memory_space<vmem>> -> memref<1x32xi32, #tpu.memory_space<vmem>>
    %dma_wait3A_117 = tpu.memref_squeeze %dma_wait3A_116 : memref<1x32xi32, #tpu.memory_space<vmem>> -> memref<32xi32, #tpu.memory_space<vmem>>
    %dma_wait3A_118 = arith.constant 0 : i32
    %dma_wait3A_119 = tpu.memref_slice %arg3[%dma_wait3A_118] : memref<327680xi32, #tpu.memory_space<hbm>> -> memref<32xi32, #tpu.memory_space<hbm>>
    tpu.wait_dma2 semaphore(%arg17 : memref<!tpu.dma_semaphore, #tpu.memory_space<semaphore_mem>>) src(%dma_wait3A_119 : memref<32xi32, #tpu.memory_space<hbm>>) dst(%dma_wait3A_117 : memref<32xi32, #tpu.memory_space<vmem>>)
    %dma_wait3A_120 = arith.constant 0 : i32
    %dma_wait3A_121 = arith.constant 0 : i32
    %dma_wait3A_122 = arith.constant 0 : i32
    %dma_wait3A_123 = tpu.memref_slice %arg13[%dma_wait3A_120, %dma_wait3A_121, %dma_wait3A_122] : memref<2x4x32xf32, #tpu.memory_space<vmem>> -> memref<1x1x32xf32, #tpu.memory_space<vmem>>
    %dma_wait3A_124 = tpu.memref_squeeze %dma_wait3A_123 : memref<1x1x32xf32, #tpu.memory_space<vmem>> -> memref<32xf32, #tpu.memory_space<vmem>>
    %dma_wait3A_125 = arith.constant 0 : i32
    %dma_wait3A_126 = tpu.memref_slice %arg5[%dma_wait3A_125] : memref<327680xf32, #tpu.memory_space<hbm>> -> memref<32xf32, #tpu.memory_space<hbm>>
    %dma_wait3A_127 = arith.constant 0 : i32
    %dma_wait3A_128 = tpu.memref_slice %arg13[%dma_wait3A_120, %dma_wait3A_121, %dma_wait3A_127] : memref<2x4x32xf32, #tpu.memory_space<vmem>> -> memref<1x1x32xf32, #tpu.memory_space<vmem>>
    %dma_wait3A_129 = tpu.memref_squeeze %dma_wait3A_128 : memref<1x1x32xf32, #tpu.memory_space<vmem>> -> memref<32xf32, #tpu.memory_space<vmem>>
    %dma_wait3A_130 = arith.constant 0 : i32
    %dma_wait3A_131 = tpu.memref_slice %arg5[%dma_wait3A_130] : memref<327680xf32, #tpu.memory_space<hbm>> -> memref<32xf32, #tpu.memory_space<hbm>>
    tpu.wait_dma2 semaphore(%arg17 : memref<!tpu.dma_semaphore, #tpu.memory_space<semaphore_mem>>) src(%dma_wait3A_131 : memref<32xf32, #tpu.memory_space<hbm>>) dst(%dma_wait3A_129 : memref<32xf32, #tpu.memory_space<vmem>>)
    %dma_wait3A_132 = arith.constant 0 : i32
    %dma_wait3A_133 = arith.constant 1 : i32
    %dma_wait3A_134 = arith.constant 0 : i32
    %dma_wait3A_135 = tpu.memref_slice %arg13[%dma_wait3A_132, %dma_wait3A_133, %dma_wait3A_134] : memref<2x4x32xf32, #tpu.memory_space<vmem>> -> memref<1x1x32xf32, #tpu.memory_space<vmem>>
    %dma_wait3A_136 = tpu.memref_squeeze %dma_wait3A_135 : memref<1x1x32xf32, #tpu.memory_space<vmem>> -> memref<32xf32, #tpu.memory_space<vmem>>
    %dma_wait3A_137 = arith.constant 0 : i32
    %dma_wait3A_138 = tpu.memref_slice %arg6[%dma_wait3A_137] : memref<327680xf32, #tpu.memory_space<hbm>> -> memref<32xf32, #tpu.memory_space<hbm>>
    %dma_wait3A_139 = arith.constant 0 : i32
    %dma_wait3A_140 = tpu.memref_slice %arg13[%dma_wait3A_132, %dma_wait3A_133, %dma_wait3A_139] : memref<2x4x32xf32, #tpu.memory_space<vmem>> -> memref<1x1x32xf32, #tpu.memory_space<vmem>>
    %dma_wait3A_141 = tpu.memref_squeeze %dma_wait3A_140 : memref<1x1x32xf32, #tpu.memory_space<vmem>> -> memref<32xf32, #tpu.memory_space<vmem>>
    %dma_wait3A_142 = arith.constant 0 : i32
    %dma_wait3A_143 = tpu.memref_slice %arg6[%dma_wait3A_142] : memref<327680xf32, #tpu.memory_space<hbm>> -> memref<32xf32, #tpu.memory_space<hbm>>
    tpu.wait_dma2 semaphore(%arg17 : memref<!tpu.dma_semaphore, #tpu.memory_space<semaphore_mem>>) src(%dma_wait3A_143 : memref<32xf32, #tpu.memory_space<hbm>>) dst(%dma_wait3A_141 : memref<32xf32, #tpu.memory_space<vmem>>)
    %dma_wait3A_144 = arith.constant 0 : i32
    %dma_wait3A_145 = arith.constant 2 : i32
    %dma_wait3A_146 = arith.constant 0 : i32
    %dma_wait3A_147 = tpu.memref_slice %arg13[%dma_wait3A_144, %dma_wait3A_145, %dma_wait3A_146] : memref<2x4x32xf32, #tpu.memory_space<vmem>> -> memref<1x1x32xf32, #tpu.memory_space<vmem>>
    %dma_wait3A_148 = tpu.memref_squeeze %dma_wait3A_147 : memref<1x1x32xf32, #tpu.memory_space<vmem>> -> memref<32xf32, #tpu.memory_space<vmem>>
    %dma_wait3A_149 = arith.constant 0 : i32
    %dma_wait3A_150 = tpu.memref_slice %arg7[%dma_wait3A_149] : memref<327680xf32, #tpu.memory_space<hbm>> -> memref<32xf32, #tpu.memory_space<hbm>>
    %dma_wait3A_151 = arith.constant 0 : i32
    %dma_wait3A_152 = tpu.memref_slice %arg13[%dma_wait3A_144, %dma_wait3A_145, %dma_wait3A_151] : memref<2x4x32xf32, #tpu.memory_space<vmem>> -> memref<1x1x32xf32, #tpu.memory_space<vmem>>
    %dma_wait3A_153 = tpu.memref_squeeze %dma_wait3A_152 : memref<1x1x32xf32, #tpu.memory_space<vmem>> -> memref<32xf32, #tpu.memory_space<vmem>>
    %dma_wait3A_154 = arith.constant 0 : i32
    %dma_wait3A_155 = tpu.memref_slice %arg7[%dma_wait3A_154] : memref<327680xf32, #tpu.memory_space<hbm>> -> memref<32xf32, #tpu.memory_space<hbm>>
    tpu.wait_dma2 semaphore(%arg17 : memref<!tpu.dma_semaphore, #tpu.memory_space<semaphore_mem>>) src(%dma_wait3A_155 : memref<32xf32, #tpu.memory_space<hbm>>) dst(%dma_wait3A_153 : memref<32xf32, #tpu.memory_space<vmem>>)
    %dma_wait3A_156 = arith.constant 0 : i32
    %dma_wait3A_157 = arith.constant 3 : i32
    %dma_wait3A_158 = arith.constant 0 : i32
    %dma_wait3A_159 = tpu.memref_slice %arg13[%dma_wait3A_156, %dma_wait3A_157, %dma_wait3A_158] : memref<2x4x32xf32, #tpu.memory_space<vmem>> -> memref<1x1x32xf32, #tpu.memory_space<vmem>>
    %dma_wait3A_160 = tpu.memref_squeeze %dma_wait3A_159 : memref<1x1x32xf32, #tpu.memory_space<vmem>> -> memref<32xf32, #tpu.memory_space<vmem>>
    %dma_wait3A_161 = arith.constant 0 : i32
    %dma_wait3A_162 = tpu.memref_slice %arg8[%dma_wait3A_161] : memref<327680xf32, #tpu.memory_space<hbm>> -> memref<32xf32, #tpu.memory_space<hbm>>
    %dma_wait3A_163 = arith.constant 0 : i32
    %dma_wait3A_164 = tpu.memref_slice %arg13[%dma_wait3A_156, %dma_wait3A_157, %dma_wait3A_163] : memref<2x4x32xf32, #tpu.memory_space<vmem>> -> memref<1x1x32xf32, #tpu.memory_space<vmem>>
    %dma_wait3A_165 = tpu.memref_squeeze %dma_wait3A_164 : memref<1x1x32xf32, #tpu.memory_space<vmem>> -> memref<32xf32, #tpu.memory_space<vmem>>
    %dma_wait3A_166 = arith.constant 0 : i32
    %dma_wait3A_167 = tpu.memref_slice %arg8[%dma_wait3A_166] : memref<327680xf32, #tpu.memory_space<hbm>> -> memref<32xf32, #tpu.memory_space<hbm>>
    tpu.wait_dma2 semaphore(%arg17 : memref<!tpu.dma_semaphore, #tpu.memory_space<semaphore_mem>>) src(%dma_wait3A_167 : memref<32xf32, #tpu.memory_space<hbm>>) dst(%dma_wait3A_165 : memref<32xf32, #tpu.memory_space<vmem>>)
    %dma_start3A_168 = arith.constant 0 : i32
    %dma_start3A_169 = arith.constant 0 : i32
    %dma_start3A_170 = arith.constant 0 : i32
    %dma_start3A_171 = arith.constant 0 : i32
    %dma_start3A_172 = tpu.memref_slice %arg14[%dma_start3A_169, %dma_start3A_170, %dma_start3A_171] : memref<2x32x512xf32, #tpu.memory_space<vmem>> -> memref<1x32x512xf32, #tpu.memory_space<vmem>>
    %dma_start3A_173 = tpu.memref_squeeze %dma_start3A_172 : memref<1x32x512xf32, #tpu.memory_space<vmem>> -> memref<32x512xf32, #tpu.memory_space<vmem>>
    %dma_start3A_174 = arith.constant 0 : i32
    %dma_start3A_175 = tpu.memref_slice %arg11[%dma_start3A_168, %dma_start3A_174] : memref<2x32xi32, #tpu.memory_space<vmem>> -> memref<1x32xi32, #tpu.memory_space<vmem>>
    %dma_start3A_176 = tpu.memref_squeeze %dma_start3A_175 : memref<1x32xi32, #tpu.memory_space<vmem>> -> memref<32xi32, #tpu.memory_space<vmem>>
    %dma_start3A_177 = arith.constant 0 : i32
    %dma_start3A_178 = arith.constant 0 : i32
    %dma_start3A_179 = tpu.memref_slice %arg2[%dma_start3A_177, %dma_start3A_178] : memref<10000x512xf32, #tpu.memory_space<hbm>> -> memref<10000x512xf32, #tpu.memory_space<hbm>>
    tpu.enqueue_indirect_dma source(%dma_start3A_179 : memref<10000x512xf32, #tpu.memory_space<hbm>>) target(%dma_start3A_173 : memref<32x512xf32, #tpu.memory_space<vmem>>) offsets(%dma_start3A_176 : memref<32xi32, #tpu.memory_space<vmem>>) semaphore(%arg19 : memref<!tpu.dma_semaphore, #tpu.memory_space<semaphore_mem>>)
    %scan3A = arith.constant 0 : i32
    %scan3A_180 = arith.constant 0 : i32
    %scan3A_181 = arith.constant 160 : i32
    %scan3A_182 = arith.addi %scan3A_180, %scan3A_181 : i32
    %scan3A_183 = arith.constant 1 : i32
    scf.for %scan3A_220 = %scan3A_180 to %scan3A_182 step %scan3A_183  : i32 {
      %mul3A_221 = arith.constant 2 : i32
      %mul3A_222 = arith.muli %mul3A_221, %scan3A_220 : i32
      %lt3A_223 = arith.constant 1 : i32
      %lt3A_224 = arith.cmpi slt, %scan3A_220, %lt3A_223 : i32
      %ge3A = arith.constant 159 : i32
      %ge3A_225 = arith.cmpi sge, %scan3A_220, %ge3A : i32
      %not3A = arith.constant true
      %not3A_226 = arith.xori %lt3A_224, %not3A : i1
      %convert_element_type3A_227 = arith.extui %not3A_226 : i1 to i32
      %cond3A_228 = arith.constant 0 : i32
      %cond3A_229 = arith.cmpi ne, %convert_element_type3A_227, %cond3A_228 : i32
      scf.if %cond3A_229 {
        %dma_wait3A_428 = arith.constant 0 : i32
        %dma_wait3A_429 = arith.constant 0 : i32
        %dma_wait3A_430 = arith.constant 0 : i32
        %dma_wait3A_431 = arith.constant 0 : i32
        %dma_wait3A_432 = tpu.memref_slice %arg15[%dma_wait3A_428, %dma_wait3A_430, %dma_wait3A_431] : memref<2x32x128xf32, #tpu.memory_space<vmem>> -> memref<1x32x128xf32, #tpu.memory_space<vmem>>
        %dma_wait3A_433 = tpu.memref_squeeze %dma_wait3A_432 : memref<1x32x128xf32, #tpu.memory_space<vmem>> -> memref<32x128xf32, #tpu.memory_space<vmem>>
        %dma_wait3A_434 = arith.constant 0 : i32
        %dma_wait3A_435 = tpu.memref_slice %arg12[%dma_wait3A_429, %dma_wait3A_434] : memref<2x32xi32, #tpu.memory_space<vmem>> -> memref<1x32xi32, #tpu.memory_space<vmem>>
        %dma_wait3A_436 = tpu.memref_squeeze %dma_wait3A_435 : memref<1x32xi32, #tpu.memory_space<vmem>> -> memref<32xi32, #tpu.memory_space<vmem>>
        %dma_wait3A_437 = arith.constant 0 : i32
        %dma_wait3A_438 = arith.constant 0 : i32
        %dma_wait3A_439 = tpu.memref_slice %arg16[%dma_wait3A_437, %dma_wait3A_438] : memref<10000x128xf32, #tpu.memory_space<vmem_shared>> -> memref<10000x128xf32, #tpu.memory_space<vmem_shared>>
        tpu.wait_indirect_dma semaphore(%arg23 : memref<!tpu.dma_semaphore, #tpu.memory_space<semaphore_mem>>) src(%dma_wait3A_433 : memref<32x128xf32, #tpu.memory_space<vmem>>) dst(%dma_wait3A_439 : memref<10000x128xf32, #tpu.memory_space<vmem_shared>>)
      } else {
      }
      %mul3A_230 = arith.constant 32 : i32
      %mul3A_231 = arith.muli %mul3A_222, %mul3A_230 : i32
      %add3A_232 = arith.addi %mul3A_2, %mul3A_231 : i32
      %dma_start3A_233 = arith.constant 0 : i32
      %dma_start3A_234 = arith.constant 0 : i32
      %dma_start3A_235 = tpu.memref_slice %arg12[%dma_start3A_233, %dma_start3A_234] : memref<2x32xi32, #tpu.memory_space<vmem>> -> memref<1x32xi32, #tpu.memory_space<vmem>>
      %dma_start3A_236 = tpu.memref_squeeze %dma_start3A_235 : memref<1x32xi32, #tpu.memory_space<vmem>> -> memref<32xi32, #tpu.memory_space<vmem>>
      %dma_start3A_237 = tpu.memref_slice %arg4[%add3A_232] : memref<327680xi32, #tpu.memory_space<hbm>> -> memref<32xi32, #tpu.memory_space<hbm>>
      %dma_start3A_238 = arith.constant 0 : i32
      %dma_start3A_239 = tpu.memref_slice %arg12[%dma_start3A_233, %dma_start3A_238] : memref<2x32xi32, #tpu.memory_space<vmem>> -> memref<1x32xi32, #tpu.memory_space<vmem>>
      %dma_start3A_240 = tpu.memref_squeeze %dma_start3A_239 : memref<1x32xi32, #tpu.memory_space<vmem>> -> memref<32xi32, #tpu.memory_space<vmem>>
      %dma_start3A_241 = tpu.memref_slice %arg4[%add3A_232] : memref<327680xi32, #tpu.memory_space<hbm>> -> memref<32xi32, #tpu.memory_space<hbm>>
      tpu.enqueue_dma source(%dma_start3A_241 : memref<32xi32, #tpu.memory_space<hbm>>) target(%dma_start3A_240 : memref<32xi32, #tpu.memory_space<vmem>>) target_semaphore(%arg21 : memref<!tpu.dma_semaphore, #tpu.memory_space<semaphore_mem>>)
      %dma_wait3A_242 = arith.constant 1 : i32
      %dma_wait3A_243 = arith.constant 0 : i32
      %dma_wait3A_244 = tpu.memref_slice %arg11[%dma_wait3A_242, %dma_wait3A_243] : memref<2x32xi32, #tpu.memory_space<vmem>> -> memref<1x32xi32, #tpu.memory_space<vmem>>
      %dma_wait3A_245 = tpu.memref_squeeze %dma_wait3A_244 : memref<1x32xi32, #tpu.memory_space<vmem>> -> memref<32xi32, #tpu.memory_space<vmem>>
      %dma_wait3A_246 = arith.constant 0 : i32
      %dma_wait3A_247 = tpu.memref_slice %arg3[%dma_wait3A_246] : memref<327680xi32, #tpu.memory_space<hbm>> -> memref<32xi32, #tpu.memory_space<hbm>>
      %dma_wait3A_248 = arith.constant 0 : i32
      %dma_wait3A_249 = tpu.memref_slice %arg11[%dma_wait3A_242, %dma_wait3A_248] : memref<2x32xi32, #tpu.memory_space<vmem>> -> memref<1x32xi32, #tpu.memory_space<vmem>>
      %dma_wait3A_250 = tpu.memref_squeeze %dma_wait3A_249 : memref<1x32xi32, #tpu.memory_space<vmem>> -> memref<32xi32, #tpu.memory_space<vmem>>
      %dma_wait3A_251 = arith.constant 0 : i32
      %dma_wait3A_252 = tpu.memref_slice %arg3[%dma_wait3A_251] : memref<327680xi32, #tpu.memory_space<hbm>> -> memref<32xi32, #tpu.memory_space<hbm>>
      tpu.wait_dma2 semaphore(%arg18 : memref<!tpu.dma_semaphore, #tpu.memory_space<semaphore_mem>>) src(%dma_wait3A_252 : memref<32xi32, #tpu.memory_space<hbm>>) dst(%dma_wait3A_250 : memref<32xi32, #tpu.memory_space<vmem>>)
      %dma_wait3A_253 = arith.constant 1 : i32
      %dma_wait3A_254 = arith.constant 0 : i32
      %dma_wait3A_255 = arith.constant 0 : i32
      %dma_wait3A_256 = tpu.memref_slice %arg13[%dma_wait3A_253, %dma_wait3A_254, %dma_wait3A_255] : memref<2x4x32xf32, #tpu.memory_space<vmem>> -> memref<1x1x32xf32, #tpu.memory_space<vmem>>
      %dma_wait3A_257 = tpu.memref_squeeze %dma_wait3A_256 : memref<1x1x32xf32, #tpu.memory_space<vmem>> -> memref<32xf32, #tpu.memory_space<vmem>>
      %dma_wait3A_258 = arith.constant 0 : i32
      %dma_wait3A_259 = tpu.memref_slice %arg5[%dma_wait3A_258] : memref<327680xf32, #tpu.memory_space<hbm>> -> memref<32xf32, #tpu.memory_space<hbm>>
      %dma_wait3A_260 = arith.constant 0 : i32
      %dma_wait3A_261 = tpu.memref_slice %arg13[%dma_wait3A_253, %dma_wait3A_254, %dma_wait3A_260] : memref<2x4x32xf32, #tpu.memory_space<vmem>> -> memref<1x1x32xf32, #tpu.memory_space<vmem>>
      %dma_wait3A_262 = tpu.memref_squeeze %dma_wait3A_261 : memref<1x1x32xf32, #tpu.memory_space<vmem>> -> memref<32xf32, #tpu.memory_space<vmem>>
      %dma_wait3A_263 = arith.constant 0 : i32
      %dma_wait3A_264 = tpu.memref_slice %arg5[%dma_wait3A_263] : memref<327680xf32, #tpu.memory_space<hbm>> -> memref<32xf32, #tpu.memory_space<hbm>>
      tpu.wait_dma2 semaphore(%arg18 : memref<!tpu.dma_semaphore, #tpu.memory_space<semaphore_mem>>) src(%dma_wait3A_264 : memref<32xf32, #tpu.memory_space<hbm>>) dst(%dma_wait3A_262 : memref<32xf32, #tpu.memory_space<vmem>>)
      %dma_wait3A_265 = arith.constant 1 : i32
      %dma_wait3A_266 = arith.constant 1 : i32
      %dma_wait3A_267 = arith.constant 0 : i32
      %dma_wait3A_268 = tpu.memref_slice %arg13[%dma_wait3A_265, %dma_wait3A_266, %dma_wait3A_267] : memref<2x4x32xf32, #tpu.memory_space<vmem>> -> memref<1x1x32xf32, #tpu.memory_space<vmem>>
      %dma_wait3A_269 = tpu.memref_squeeze %dma_wait3A_268 : memref<1x1x32xf32, #tpu.memory_space<vmem>> -> memref<32xf32, #tpu.memory_space<vmem>>
      %dma_wait3A_270 = arith.constant 0 : i32
      %dma_wait3A_271 = tpu.memref_slice %arg6[%dma_wait3A_270] : memref<327680xf32, #tpu.memory_space<hbm>> -> memref<32xf32, #tpu.memory_space<hbm>>
      %dma_wait3A_272 = arith.constant 0 : i32
      %dma_wait3A_273 = tpu.memref_slice %arg13[%dma_wait3A_265, %dma_wait3A_266, %dma_wait3A_272] : memref<2x4x32xf32, #tpu.memory_space<vmem>> -> memref<1x1x32xf32, #tpu.memory_space<vmem>>
      %dma_wait3A_274 = tpu.memref_squeeze %dma_wait3A_273 : memref<1x1x32xf32, #tpu.memory_space<vmem>> -> memref<32xf32, #tpu.memory_space<vmem>>
      %dma_wait3A_275 = arith.constant 0 : i32
      %dma_wait3A_276 = tpu.memref_slice %arg6[%dma_wait3A_275] : memref<327680xf32, #tpu.memory_space<hbm>> -> memref<32xf32, #tpu.memory_space<hbm>>
      tpu.wait_dma2 semaphore(%arg18 : memref<!tpu.dma_semaphore, #tpu.memory_space<semaphore_mem>>) src(%dma_wait3A_276 : memref<32xf32, #tpu.memory_space<hbm>>) dst(%dma_wait3A_274 : memref<32xf32, #tpu.memory_space<vmem>>)
      %dma_wait3A_277 = arith.constant 1 : i32
      %dma_wait3A_278 = arith.constant 2 : i32
      %dma_wait3A_279 = arith.constant 0 : i32
      %dma_wait3A_280 = tpu.memref_slice %arg13[%dma_wait3A_277, %dma_wait3A_278, %dma_wait3A_279] : memref<2x4x32xf32, #tpu.memory_space<vmem>> -> memref<1x1x32xf32, #tpu.memory_space<vmem>>
      %dma_wait3A_281 = tpu.memref_squeeze %dma_wait3A_280 : memref<1x1x32xf32, #tpu.memory_space<vmem>> -> memref<32xf32, #tpu.memory_space<vmem>>
      %dma_wait3A_282 = arith.constant 0 : i32
      %dma_wait3A_283 = tpu.memref_slice %arg7[%dma_wait3A_282] : memref<327680xf32, #tpu.memory_space<hbm>> -> memref<32xf32, #tpu.memory_space<hbm>>
      %dma_wait3A_284 = arith.constant 0 : i32
      %dma_wait3A_285 = tpu.memref_slice %arg13[%dma_wait3A_277, %dma_wait3A_278, %dma_wait3A_284] : memref<2x4x32xf32, #tpu.memory_space<vmem>> -> memref<1x1x32xf32, #tpu.memory_space<vmem>>
      %dma_wait3A_286 = tpu.memref_squeeze %dma_wait3A_285 : memref<1x1x32xf32, #tpu.memory_space<vmem>> -> memref<32xf32, #tpu.memory_space<vmem>>
      %dma_wait3A_287 = arith.constant 0 : i32
      %dma_wait3A_288 = tpu.memref_slice %arg7[%dma_wait3A_287] : memref<327680xf32, #tpu.memory_space<hbm>> -> memref<32xf32, #tpu.memory_space<hbm>>
      tpu.wait_dma2 semaphore(%arg18 : memref<!tpu.dma_semaphore, #tpu.memory_space<semaphore_mem>>) src(%dma_wait3A_288 : memref<32xf32, #tpu.memory_space<hbm>>) dst(%dma_wait3A_286 : memref<32xf32, #tpu.memory_space<vmem>>)
      %dma_wait3A_289 = arith.constant 1 : i32
      %dma_wait3A_290 = arith.constant 3 : i32
      %dma_wait3A_291 = arith.constant 0 : i32
      %dma_wait3A_292 = tpu.memref_slice %arg13[%dma_wait3A_289, %dma_wait3A_290, %dma_wait3A_291] : memref<2x4x32xf32, #tpu.memory_space<vmem>> -> memref<1x1x32xf32, #tpu.memory_space<vmem>>
      %dma_wait3A_293 = tpu.memref_squeeze %dma_wait3A_292 : memref<1x1x32xf32, #tpu.memory_space<vmem>> -> memref<32xf32, #tpu.memory_space<vmem>>
      %dma_wait3A_294 = arith.constant 0 : i32
      %dma_wait3A_295 = tpu.memref_slice %arg8[%dma_wait3A_294] : memref<327680xf32, #tpu.memory_space<hbm>> -> memref<32xf32, #tpu.memory_space<hbm>>
      %dma_wait3A_296 = arith.constant 0 : i32
      %dma_wait3A_297 = tpu.memref_slice %arg13[%dma_wait3A_289, %dma_wait3A_290, %dma_wait3A_296] : memref<2x4x32xf32, #tpu.memory_space<vmem>> -> memref<1x1x32xf32, #tpu.memory_space<vmem>>
      %dma_wait3A_298 = tpu.memref_squeeze %dma_wait3A_297 : memref<1x1x32xf32, #tpu.memory_space<vmem>> -> memref<32xf32, #tpu.memory_space<vmem>>
      %dma_wait3A_299 = arith.constant 0 : i32
      %dma_wait3A_300 = tpu.memref_slice %arg8[%dma_wait3A_299] : memref<327680xf32, #tpu.memory_space<hbm>> -> memref<32xf32, #tpu.memory_space<hbm>>
      tpu.wait_dma2 semaphore(%arg18 : memref<!tpu.dma_semaphore, #tpu.memory_space<semaphore_mem>>) src(%dma_wait3A_300 : memref<32xf32, #tpu.memory_space<hbm>>) dst(%dma_wait3A_298 : memref<32xf32, #tpu.memory_space<vmem>>)
      %dma_start3A_301 = arith.constant 1 : i32
      %dma_start3A_302 = arith.constant 1 : i32
      %dma_start3A_303 = arith.constant 0 : i32
      %dma_start3A_304 = arith.constant 0 : i32
      %dma_start3A_305 = tpu.memref_slice %arg14[%dma_start3A_302, %dma_start3A_303, %dma_start3A_304] : memref<2x32x512xf32, #tpu.memory_space<vmem>> -> memref<1x32x512xf32, #tpu.memory_space<vmem>>
      %dma_start3A_306 = tpu.memref_squeeze %dma_start3A_305 : memref<1x32x512xf32, #tpu.memory_space<vmem>> -> memref<32x512xf32, #tpu.memory_space<vmem>>
      %dma_start3A_307 = arith.constant 0 : i32
      %dma_start3A_308 = tpu.memref_slice %arg11[%dma_start3A_301, %dma_start3A_307] : memref<2x32xi32, #tpu.memory_space<vmem>> -> memref<1x32xi32, #tpu.memory_space<vmem>>
      %dma_start3A_309 = tpu.memref_squeeze %dma_start3A_308 : memref<1x32xi32, #tpu.memory_space<vmem>> -> memref<32xi32, #tpu.memory_space<vmem>>
      %dma_start3A_310 = arith.constant 0 : i32
      %dma_start3A_311 = arith.constant 0 : i32
      %dma_start3A_312 = tpu.memref_slice %arg2[%dma_start3A_310, %dma_start3A_311] : memref<10000x512xf32, #tpu.memory_space<hbm>> -> memref<10000x512xf32, #tpu.memory_space<hbm>>
      tpu.enqueue_indirect_dma source(%dma_start3A_312 : memref<10000x512xf32, #tpu.memory_space<hbm>>) target(%dma_start3A_306 : memref<32x512xf32, #tpu.memory_space<vmem>>) offsets(%dma_start3A_309 : memref<32xi32, #tpu.memory_space<vmem>>) semaphore(%arg20 : memref<!tpu.dma_semaphore, #tpu.memory_space<semaphore_mem>>)
      %dma_wait3A_313 = arith.constant 0 : i32
      %dma_wait3A_314 = arith.constant 0 : i32
      %dma_wait3A_315 = arith.constant 0 : i32
      %dma_wait3A_316 = tpu.memref_slice %arg14[%dma_wait3A_313, %dma_wait3A_314, %dma_wait3A_315] : memref<2x32x512xf32, #tpu.memory_space<vmem>> -> memref<1x32x512xf32, #tpu.memory_space<vmem>>
      %dma_wait3A_317 = tpu.memref_squeeze %dma_wait3A_316 : memref<1x32x512xf32, #tpu.memory_space<vmem>> -> memref<32x512xf32, #tpu.memory_space<vmem>>
      %dma_wait3A_318 = arith.constant 0 : i32
      %dma_wait3A_319 = arith.constant 0 : i32
      %dma_wait3A_320 = tpu.memref_slice %arg2[%dma_wait3A_318, %dma_wait3A_319] : memref<10000x512xf32, #tpu.memory_space<hbm>> -> memref<32x512xf32, #tpu.memory_space<hbm>>
      %dma_wait3A_321 = arith.constant 0 : i32
      %dma_wait3A_322 = arith.constant 0 : i32
      %dma_wait3A_323 = tpu.memref_slice %arg14[%dma_wait3A_313, %dma_wait3A_321, %dma_wait3A_322] : memref<2x32x512xf32, #tpu.memory_space<vmem>> -> memref<1x32x512xf32, #tpu.memory_space<vmem>>
      %dma_wait3A_324 = tpu.memref_squeeze %dma_wait3A_323 : memref<1x32x512xf32, #tpu.memory_space<vmem>> -> memref<32x512xf32, #tpu.memory_space<vmem>>
      %dma_wait3A_325 = arith.constant 0 : i32
      %dma_wait3A_326 = arith.constant 0 : i32
      %dma_wait3A_327 = tpu.memref_slice %arg2[%dma_wait3A_325, %dma_wait3A_326] : memref<10000x512xf32, #tpu.memory_space<hbm>> -> memref<32x512xf32, #tpu.memory_space<hbm>>
      tpu.wait_dma2 semaphore(%arg19 : memref<!tpu.dma_semaphore, #tpu.memory_space<semaphore_mem>>) src(%dma_wait3A_327 : memref<32x512xf32, #tpu.memory_space<hbm>>) dst(%dma_wait3A_324 : memref<32x512xf32, #tpu.memory_space<vmem>>)
      %parallel_loop3A = arith.constant 0 : i32
      %parallel_loop3A_328 = arith.constant 32 : i32
      %parallel_loop3A_329 = arith.constant 1 : i32
      scf.for %parallel_loop3A_428 = %parallel_loop3A to %parallel_loop3A_328 step %parallel_loop3A_329  : i32 {
        %parallel_loop3A_429 = arith.constant 4 : i32
        %parallel_loop3A_430 = arith.shrsi %parallel_loop3A_428, %parallel_loop3A_429 : i32
        %parallel_loop3A_431 = arith.constant 16 : i32
        %parallel_loop3A_432 = arith.muli %parallel_loop3A_430, %parallel_loop3A_431 : i32
        %parallel_loop3A_433 = arith.constant 15 : i32
        %parallel_loop3A_434 = arith.andi %parallel_loop3A_428, %parallel_loop3A_433 : i32
        %parallel_loop3A_435 = arith.constant 0 : i32
        %parallel_loop3A_436 = arith.constant 0 : i32
        %parallel_loop3A_437 = arith.index_cast %parallel_loop3A_435 : i32 to index
        %parallel_loop3A_438 = arith.index_cast %parallel_loop3A_436 : i32 to index
        %parallel_loop3A_439 = arith.index_cast %parallel_loop3A_432 : i32 to index
        %parallel_loop3A_440 = tpu.vector_load %arg13[%parallel_loop3A_437, %parallel_loop3A_438, %parallel_loop3A_439] {strides = array<i32>} : memref<2x4x32xf32, #tpu.memory_space<vmem>>, vector<1x1x16xf32>,
        %parallel_loop3A_441 = vector.shape_cast %parallel_loop3A_440 : vector<1x1x16xf32> to vector<16xf32>
        %parallel_loop3A_442 = arith.constant 0 : i32
        %parallel_loop3A_443 = vector.broadcast %parallel_loop3A_442 : i32 to vector<16xi32>
        %parallel_loop3A_444 = vector.broadcast %parallel_loop3A_434 : i32 to vector<16xi32>
        %parallel_loop3A_445 = arith.addi %parallel_loop3A_443, %parallel_loop3A_444 : vector<16xi32>
        %parallel_loop3A_446 = vector.shape_cast %parallel_loop3A_445 : vector<16xi32> to vector<16x1xi32>
        %parallel_loop3A_447 = vector.shape_cast %parallel_loop3A_446 : vector<16x1xi32> to vector<16xi32>
        %parallel_loop3A_448 = tpu.dynamic_gather %parallel_loop3A_441[%parallel_loop3A_447] in [0] : vector<16xf32>, vector<16xi32> -> vector<16xf32>
        %parallel_loop3A_449 = arith.constant 0 : i32
        %parallel_loop3A_450 = arith.constant 1 : i32
        %parallel_loop3A_451 = arith.index_cast %parallel_loop3A_449 : i32 to index
        %parallel_loop3A_452 = arith.index_cast %parallel_loop3A_450 : i32 to index
        %parallel_loop3A_453 = arith.index_cast %parallel_loop3A_432 : i32 to index
        %parallel_loop3A_454 = tpu.vector_load %arg13[%parallel_loop3A_451, %parallel_loop3A_452, %parallel_loop3A_453] {strides = array<i32>} : memref<2x4x32xf32, #tpu.memory_space<vmem>>, vector<1x1x16xf32>,
        %parallel_loop3A_455 = vector.shape_cast %parallel_loop3A_454 : vector<1x1x16xf32> to vector<16xf32>
        %parallel_loop3A_456 = arith.constant 0 : i32
        %parallel_loop3A_457 = vector.broadcast %parallel_loop3A_456 : i32 to vector<16xi32>
        %parallel_loop3A_458 = vector.broadcast %parallel_loop3A_434 : i32 to vector<16xi32>
        %parallel_loop3A_459 = arith.addi %parallel_loop3A_457, %parallel_loop3A_458 : vector<16xi32>
        %parallel_loop3A_460 = vector.shape_cast %parallel_loop3A_459 : vector<16xi32> to vector<16x1xi32>
        %parallel_loop3A_461 = vector.shape_cast %parallel_loop3A_460 : vector<16x1xi32> to vector<16xi32>
        %parallel_loop3A_462 = tpu.dynamic_gather %parallel_loop3A_455[%parallel_loop3A_461] in [0] : vector<16xf32>, vector<16xi32> -> vector<16xf32>
        %parallel_loop3A_463 = arith.constant 0 : i32
        %parallel_loop3A_464 = arith.constant 2 : i32
        %parallel_loop3A_465 = arith.index_cast %parallel_loop3A_463 : i32 to index
        %parallel_loop3A_466 = arith.index_cast %parallel_loop3A_464 : i32 to index
        %parallel_loop3A_467 = arith.index_cast %parallel_loop3A_432 : i32 to index
        %parallel_loop3A_468 = tpu.vector_load %arg13[%parallel_loop3A_465, %parallel_loop3A_466, %parallel_loop3A_467] {strides = array<i32>} : memref<2x4x32xf32, #tpu.memory_space<vmem>>, vector<1x1x16xf32>,
        %parallel_loop3A_469 = vector.shape_cast %parallel_loop3A_468 : vector<1x1x16xf32> to vector<16xf32>
        %parallel_loop3A_470 = arith.constant 0 : i32
        %parallel_loop3A_471 = vector.broadcast %parallel_loop3A_470 : i32 to vector<16xi32>
        %parallel_loop3A_472 = vector.broadcast %parallel_loop3A_434 : i32 to vector<16xi32>
        %parallel_loop3A_473 = arith.addi %parallel_loop3A_471, %parallel_loop3A_472 : vector<16xi32>
        %parallel_loop3A_474 = vector.shape_cast %parallel_loop3A_473 : vector<16xi32> to vector<16x1xi32>
        %parallel_loop3A_475 = vector.shape_cast %parallel_loop3A_474 : vector<16x1xi32> to vector<16xi32>
        %parallel_loop3A_476 = tpu.dynamic_gather %parallel_loop3A_469[%parallel_loop3A_475] in [0] : vector<16xf32>, vector<16xi32> -> vector<16xf32>
        %parallel_loop3A_477 = arith.constant 0 : i32
        %parallel_loop3A_478 = arith.constant 3 : i32
        %parallel_loop3A_479 = arith.index_cast %parallel_loop3A_477 : i32 to index
        %parallel_loop3A_480 = arith.index_cast %parallel_loop3A_478 : i32 to index
        %parallel_loop3A_481 = arith.index_cast %parallel_loop3A_432 : i32 to index
        %parallel_loop3A_482 = tpu.vector_load %arg13[%parallel_loop3A_479, %parallel_loop3A_480, %parallel_loop3A_481] {strides = array<i32>} : memref<2x4x32xf32, #tpu.memory_space<vmem>>, vector<1x1x16xf32>,
        %parallel_loop3A_483 = vector.shape_cast %parallel_loop3A_482 : vector<1x1x16xf32> to vector<16xf32>
        %parallel_loop3A_484 = arith.constant 0 : i32
        %parallel_loop3A_485 = vector.broadcast %parallel_loop3A_484 : i32 to vector<16xi32>
        %parallel_loop3A_486 = vector.broadcast %parallel_loop3A_434 : i32 to vector<16xi32>
        %parallel_loop3A_487 = arith.addi %parallel_loop3A_485, %parallel_loop3A_486 : vector<16xi32>
        %parallel_loop3A_488 = vector.shape_cast %parallel_loop3A_487 : vector<16xi32> to vector<16x1xi32>
        %parallel_loop3A_489 = vector.shape_cast %parallel_loop3A_488 : vector<16x1xi32> to vector<16xi32>
        %parallel_loop3A_490 = tpu.dynamic_gather %parallel_loop3A_483[%parallel_loop3A_489] in [0] : vector<16xf32>, vector<16xi32> -> vector<16xf32>
        %parallel_loop3A_491 = arith.constant 0 : i32
        %parallel_loop3A_492 = arith.index_cast %parallel_loop3A_491 : i32 to index
        %parallel_loop3A_493 = arith.index_cast %parallel_loop3A_428 : i32 to index
        %parallel_loop3A_494 = arith.constant 0 : index
        %parallel_loop3A_495 = tpu.vector_load %arg14[%parallel_loop3A_492, %parallel_loop3A_493, %parallel_loop3A_494] {strides = array<i32>} : memref<2x32x512xf32, #tpu.memory_space<vmem>>, vector<1x1x16xf32>,
        %parallel_loop3A_496 = vector.shape_cast %parallel_loop3A_495 : vector<1x1x16xf32> to vector<16xf32>
        %parallel_loop3A_497 = arith.mulf %parallel_loop3A_496, %parallel_loop3A_448 : vector<16xf32>
        %parallel_loop3A_498 = arith.constant 0 : i32
        %parallel_loop3A_499 = arith.index_cast %parallel_loop3A_498 : i32 to index
        %parallel_loop3A_500 = arith.index_cast %parallel_loop3A_428 : i32 to index
        %parallel_loop3A_501 = arith.constant 128 : index
        %parallel_loop3A_502 = tpu.vector_load %arg14[%parallel_loop3A_499, %parallel_loop3A_500, %parallel_loop3A_501] {strides = array<i32>} : memref<2x32x512xf32, #tpu.memory_space<vmem>>, vector<1x1x16xf32>,
        %parallel_loop3A_503 = vector.shape_cast %parallel_loop3A_502 : vector<1x1x16xf32> to vector<16xf32>
        %parallel_loop3A_504 = arith.mulf %parallel_loop3A_503, %parallel_loop3A_462 : vector<16xf32>
        %parallel_loop3A_505 = arith.addf %parallel_loop3A_497, %parallel_loop3A_504 : vector<16xf32>
        %parallel_loop3A_506 = arith.constant 0 : i32
        %parallel_loop3A_507 = arith.index_cast %parallel_loop3A_506 : i32 to index
        %parallel_loop3A_508 = arith.index_cast %parallel_loop3A_428 : i32 to index
        %parallel_loop3A_509 = arith.constant 256 : index
        %parallel_loop3A_510 = tpu.vector_load %arg14[%parallel_loop3A_507, %parallel_loop3A_508, %parallel_loop3A_509] {strides = array<i32>} : memref<2x32x512xf32, #tpu.memory_space<vmem>>, vector<1x1x16xf32>,
        %parallel_loop3A_511 = vector.shape_cast %parallel_loop3A_510 : vector<1x1x16xf32> to vector<16xf32>
        %parallel_loop3A_512 = arith.mulf %parallel_loop3A_511, %parallel_loop3A_476 : vector<16xf32>
        %parallel_loop3A_513 = arith.addf %parallel_loop3A_505, %parallel_loop3A_512 : vector<16xf32>
        %parallel_loop3A_514 = arith.constant 0 : i32
        %parallel_loop3A_515 = arith.index_cast %parallel_loop3A_514 : i32 to index
        %parallel_loop3A_516 = arith.index_cast %parallel_loop3A_428 : i32 to index
        %parallel_loop3A_517 = arith.constant 384 : index
        %parallel_loop3A_518 = tpu.vector_load %arg14[%parallel_loop3A_515, %parallel_loop3A_516, %parallel_loop3A_517] {strides = array<i32>} : memref<2x32x512xf32, #tpu.memory_space<vmem>>, vector<1x1x16xf32>,
        %parallel_loop3A_519 = vector.shape_cast %parallel_loop3A_518 : vector<1x1x16xf32> to vector<16xf32>
        %parallel_loop3A_520 = arith.mulf %parallel_loop3A_519, %parallel_loop3A_490 : vector<16xf32>
        %parallel_loop3A_521 = arith.addf %parallel_loop3A_513, %parallel_loop3A_520 : vector<16xf32>
        %parallel_loop3A_522 = arith.constant 0 : i32
        %parallel_loop3A_523 = arith.index_cast %parallel_loop3A_522 : i32 to index
        %parallel_loop3A_524 = arith.index_cast %parallel_loop3A_428 : i32 to index
        %parallel_loop3A_525 = arith.constant 0 : index
        %parallel_loop3A_526 = tpu.vector_load %arg15[%parallel_loop3A_523, %parallel_loop3A_524, %parallel_loop3A_525] {strides = array<i32>} : memref<2x32x128xf32, #tpu.memory_space<vmem>>, vector<1x1x16xf32>,
        %parallel_loop3A_527 = vector.shape_cast %parallel_loop3A_526 : vector<1x1x16xf32> to vector<16xf32>
        %parallel_loop3A_528 = vector.shape_cast %parallel_loop3A_521 : vector<16xf32> to vector<1x1x16xf32>
        tpu.vector_store %arg15[%parallel_loop3A_523, %parallel_loop3A_524, %parallel_loop3A_525], %parallel_loop3A_528 {strides = array<i32>} : memref<2x32x128xf32, #tpu.memory_space<vmem>>, vector<1x1x16xf32>,
        %parallel_loop3A_529 = arith.constant 0 : i32
        %parallel_loop3A_530 = arith.index_cast %parallel_loop3A_529 : i32 to index
        %parallel_loop3A_531 = arith.index_cast %parallel_loop3A_428 : i32 to index
        %parallel_loop3A_532 = arith.constant 16 : index
        %parallel_loop3A_533 = tpu.vector_load %arg14[%parallel_loop3A_530, %parallel_loop3A_531, %parallel_loop3A_532] {strides = array<i32>} : memref<2x32x512xf32, #tpu.memory_space<vmem>>, vector<1x1x16xf32>,
        %parallel_loop3A_534 = vector.shape_cast %parallel_loop3A_533 : vector<1x1x16xf32> to vector<16xf32>
        %parallel_loop3A_535 = arith.mulf %parallel_loop3A_534, %parallel_loop3A_448 : vector<16xf32>
        %parallel_loop3A_536 = arith.constant 0 : i32
        %parallel_loop3A_537 = arith.index_cast %parallel_loop3A_536 : i32 to index
        %parallel_loop3A_538 = arith.index_cast %parallel_loop3A_428 : i32 to index
        %parallel_loop3A_539 = arith.constant 144 : index
        %parallel_loop3A_540 = tpu.vector_load %arg14[%parallel_loop3A_537, %parallel_loop3A_538, %parallel_loop3A_539] {strides = array<i32>} : memref<2x32x512xf32, #tpu.memory_space<vmem>>, vector<1x1x16xf32>,
        %parallel_loop3A_541 = vector.shape_cast %parallel_loop3A_540 : vector<1x1x16xf32> to vector<16xf32>
        %parallel_loop3A_542 = arith.mulf %parallel_loop3A_541, %parallel_loop3A_462 : vector<16xf32>
        %parallel_loop3A_543 = arith.addf %parallel_loop3A_535, %parallel_loop3A_542 : vector<16xf32>
        %parallel_loop3A_544 = arith.constant 0 : i32
        %parallel_loop3A_545 = arith.index_cast %parallel_loop3A_544 : i32 to index
        %parallel_loop3A_546 = arith.index_cast %parallel_loop3A_428 : i32 to index
        %parallel_loop3A_547 = arith.constant 272 : index
        %parallel_loop3A_548 = tpu.vector_load %arg14[%parallel_loop3A_545, %parallel_loop3A_546, %parallel_loop3A_547] {strides = array<i32>} : memref<2x32x512xf32, #tpu.memory_space<vmem>>, vector<1x1x16xf32>,
        %parallel_loop3A_549 = vector.shape_cast %parallel_loop3A_548 : vector<1x1x16xf32> to vector<16xf32>
        %parallel_loop3A_550 = arith.mulf %parallel_loop3A_549, %parallel_loop3A_476 : vector<16xf32>
        %parallel_loop3A_551 = arith.addf %parallel_loop3A_543, %parallel_loop3A_550 : vector<16xf32>
        %parallel_loop3A_552 = arith.constant 0 : i32
        %parallel_loop3A_553 = arith.index_cast %parallel_loop3A_552 : i32 to index
        %parallel_loop3A_554 = arith.index_cast %parallel_loop3A_428 : i32 to index
        %parallel_loop3A_555 = arith.constant 400 : index
        %parallel_loop3A_556 = tpu.vector_load %arg14[%parallel_loop3A_553, %parallel_loop3A_554, %parallel_loop3A_555] {strides = array<i32>} : memref<2x32x512xf32, #tpu.memory_space<vmem>>, vector<1x1x16xf32>,
        %parallel_loop3A_557 = vector.shape_cast %parallel_loop3A_556 : vector<1x1x16xf32> to vector<16xf32>
        %parallel_loop3A_558 = arith.mulf %parallel_loop3A_557, %parallel_loop3A_490 : vector<16xf32>
        %parallel_loop3A_559 = arith.addf %parallel_loop3A_551, %parallel_loop3A_558 : vector<16xf32>
        %parallel_loop3A_560 = arith.constant 0 : i32
        %parallel_loop3A_561 = arith.index_cast %parallel_loop3A_560 : i32 to index
        %parallel_loop3A_562 = arith.index_cast %parallel_loop3A_428 : i32 to index
        %parallel_loop3A_563 = arith.constant 16 : index
        %parallel_loop3A_564 = tpu.vector_load %arg15[%parallel_loop3A_561, %parallel_loop3A_562, %parallel_loop3A_563] {strides = array<i32>} : memref<2x32x128xf32, #tpu.memory_space<vmem>>, vector<1x1x16xf32>,
        %parallel_loop3A_565 = vector.shape_cast %parallel_loop3A_564 : vector<1x1x16xf32> to vector<16xf32>
        %parallel_loop3A_566 = vector.shape_cast %parallel_loop3A_559 : vector<16xf32> to vector<1x1x16xf32>
        tpu.vector_store %arg15[%parallel_loop3A_561, %parallel_loop3A_562, %parallel_loop3A_563], %parallel_loop3A_566 {strides = array<i32>} : memref<2x32x128xf32, #tpu.memory_space<vmem>>, vector<1x1x16xf32>,
        %parallel_loop3A_567 = arith.constant 0 : i32
        %parallel_loop3A_568 = arith.index_cast %parallel_loop3A_567 : i32 to index
        %parallel_loop3A_569 = arith.index_cast %parallel_loop3A_428 : i32 to index
        %parallel_loop3A_570 = arith.constant 32 : index
        %parallel_loop3A_571 = tpu.vector_load %arg14[%parallel_loop3A_568, %parallel_loop3A_569, %parallel_loop3A_570] {strides = array<i32>} : memref<2x32x512xf32, #tpu.memory_space<vmem>>, vector<1x1x16xf32>,
        %parallel_loop3A_572 = vector.shape_cast %parallel_loop3A_571 : vector<1x1x16xf32> to vector<16xf32>
        %parallel_loop3A_573 = arith.mulf %parallel_loop3A_572, %parallel_loop3A_448 : vector<16xf32>
        %parallel_loop3A_574 = arith.constant 0 : i32
        %parallel_loop3A_575 = arith.index_cast %parallel_loop3A_574 : i32 to index
        %parallel_loop3A_576 = arith.index_cast %parallel_loop3A_428 : i32 to index
        %parallel_loop3A_577 = arith.constant 160 : index
        %parallel_loop3A_578 = tpu.vector_load %arg14[%parallel_loop3A_575, %parallel_loop3A_576, %parallel_loop3A_577] {strides = array<i32>} : memref<2x32x512xf32, #tpu.memory_space<vmem>>, vector<1x1x16xf32>,
        %parallel_loop3A_579 = vector.shape_cast %parallel_loop3A_578 : vector<1x1x16xf32> to vector<16xf32>
        %parallel_loop3A_580 = arith.mulf %parallel_loop3A_579, %parallel_loop3A_462 : vector<16xf32>
        %parallel_loop3A_581 = arith.addf %parallel_loop3A_573, %parallel_loop3A_580 : vector<16xf32>
        %parallel_loop3A_582 = arith.constant 0 : i32
        %parallel_loop3A_583 = arith.index_cast %parallel_loop3A_582 : i32 to index
        %parallel_loop3A_584 = arith.index_cast %parallel_loop3A_428 : i32 to index
        %parallel_loop3A_585 = arith.constant 288 : index
        %parallel_loop3A_586 = tpu.vector_load %arg14[%parallel_loop3A_583, %parallel_loop3A_584, %parallel_loop3A_585] {strides = array<i32>} : memref<2x32x512xf32, #tpu.memory_space<vmem>>, vector<1x1x16xf32>,
        %parallel_loop3A_587 = vector.shape_cast %parallel_loop3A_586 : vector<1x1x16xf32> to vector<16xf32>
        %parallel_loop3A_588 = arith.mulf %parallel_loop3A_587, %parallel_loop3A_476 : vector<16xf32>
        %parallel_loop3A_589 = arith.addf %parallel_loop3A_581, %parallel_loop3A_588 : vector<16xf32>
        %parallel_loop3A_590 = arith.constant 0 : i32
        %parallel_loop3A_591 = arith.index_cast %parallel_loop3A_590 : i32 to index
        %parallel_loop3A_592 = arith.index_cast %parallel_loop3A_428 : i32 to index
        %parallel_loop3A_593 = arith.constant 416 : index
        %parallel_loop3A_594 = tpu.vector_load %arg14[%parallel_loop3A_591, %parallel_loop3A_592, %parallel_loop3A_593] {strides = array<i32>} : memref<2x32x512xf32, #tpu.memory_space<vmem>>, vector<1x1x16xf32>,
        %parallel_loop3A_595 = vector.shape_cast %parallel_loop3A_594 : vector<1x1x16xf32> to vector<16xf32>
        %parallel_loop3A_596 = arith.mulf %parallel_loop3A_595, %parallel_loop3A_490 : vector<16xf32>
        %parallel_loop3A_597 = arith.addf %parallel_loop3A_589, %parallel_loop3A_596 : vector<16xf32>
        %parallel_loop3A_598 = arith.constant 0 : i32
        %parallel_loop3A_599 = arith.index_cast %parallel_loop3A_598 : i32 to index
        %parallel_loop3A_600 = arith.index_cast %parallel_loop3A_428 : i32 to index
        %parallel_loop3A_601 = arith.constant 32 : index
        %parallel_loop3A_602 = tpu.vector_load %arg15[%parallel_loop3A_599, %parallel_loop3A_600, %parallel_loop3A_601] {strides = array<i32>} : memref<2x32x128xf32, #tpu.memory_space<vmem>>, vector<1x1x16xf32>,
        %parallel_loop3A_603 = vector.shape_cast %parallel_loop3A_602 : vector<1x1x16xf32> to vector<16xf32>
        %parallel_loop3A_604 = vector.shape_cast %parallel_loop3A_597 : vector<16xf32> to vector<1x1x16xf32>
        tpu.vector_store %arg15[%parallel_loop3A_599, %parallel_loop3A_600, %parallel_loop3A_601], %parallel_loop3A_604 {strides = array<i32>} : memref<2x32x128xf32, #tpu.memory_space<vmem>>, vector<1x1x16xf32>,
        %parallel_loop3A_605 = arith.constant 0 : i32
        %parallel_loop3A_606 = arith.index_cast %parallel_loop3A_605 : i32 to index
        %parallel_loop3A_607 = arith.index_cast %parallel_loop3A_428 : i32 to index
        %parallel_loop3A_608 = arith.constant 48 : index
        %parallel_loop3A_609 = tpu.vector_load %arg14[%parallel_loop3A_606, %parallel_loop3A_607, %parallel_loop3A_608] {strides = array<i32>} : memref<2x32x512xf32, #tpu.memory_space<vmem>>, vector<1x1x16xf32>,
        %parallel_loop3A_610 = vector.shape_cast %parallel_loop3A_609 : vector<1x1x16xf32> to vector<16xf32>
        %parallel_loop3A_611 = arith.mulf %parallel_loop3A_610, %parallel_loop3A_448 : vector<16xf32>
        %parallel_loop3A_612 = arith.constant 0 : i32
        %parallel_loop3A_613 = arith.index_cast %parallel_loop3A_612 : i32 to index
        %parallel_loop3A_614 = arith.index_cast %parallel_loop3A_428 : i32 to index
        %parallel_loop3A_615 = arith.constant 176 : index
        %parallel_loop3A_616 = tpu.vector_load %arg14[%parallel_loop3A_613, %parallel_loop3A_614, %parallel_loop3A_615] {strides = array<i32>} : memref<2x32x512xf32, #tpu.memory_space<vmem>>, vector<1x1x16xf32>,
        %parallel_loop3A_617 = vector.shape_cast %parallel_loop3A_616 : vector<1x1x16xf32> to vector<16xf32>
        %parallel_loop3A_618 = arith.mulf %parallel_loop3A_617, %parallel_loop3A_462 : vector<16xf32>
        %parallel_loop3A_619 = arith.addf %parallel_loop3A_611, %parallel_loop3A_618 : vector<16xf32>
        %parallel_loop3A_620 = arith.constant 0 : i32
        %parallel_loop3A_621 = arith.index_cast %parallel_loop3A_620 : i32 to index
        %parallel_loop3A_622 = arith.index_cast %parallel_loop3A_428 : i32 to index
        %parallel_loop3A_623 = arith.constant 304 : index
        %parallel_loop3A_624 = tpu.vector_load %arg14[%parallel_loop3A_621, %parallel_loop3A_622, %parallel_loop3A_623] {strides = array<i32>} : memref<2x32x512xf32, #tpu.memory_space<vmem>>, vector<1x1x16xf32>,
        %parallel_loop3A_625 = vector.shape_cast %parallel_loop3A_624 : vector<1x1x16xf32> to vector<16xf32>
        %parallel_loop3A_626 = arith.mulf %parallel_loop3A_625, %parallel_loop3A_476 : vector<16xf32>
        %parallel_loop3A_627 = arith.addf %parallel_loop3A_619, %parallel_loop3A_626 : vector<16xf32>
        %parallel_loop3A_628 = arith.constant 0 : i32
        %parallel_loop3A_629 = arith.index_cast %parallel_loop3A_628 : i32 to index
        %parallel_loop3A_630 = arith.index_cast %parallel_loop3A_428 : i32 to index
        %parallel_loop3A_631 = arith.constant 432 : index
        %parallel_loop3A_632 = tpu.vector_load %arg14[%parallel_loop3A_629, %parallel_loop3A_630, %parallel_loop3A_631] {strides = array<i32>} : memref<2x32x512xf32, #tpu.memory_space<vmem>>, vector<1x1x16xf32>,
        %parallel_loop3A_633 = vector.shape_cast %parallel_loop3A_632 : vector<1x1x16xf32> to vector<16xf32>
        %parallel_loop3A_634 = arith.mulf %parallel_loop3A_633, %parallel_loop3A_490 : vector<16xf32>
        %parallel_loop3A_635 = arith.addf %parallel_loop3A_627, %parallel_loop3A_634 : vector<16xf32>
        %parallel_loop3A_636 = arith.constant 0 : i32
        %parallel_loop3A_637 = arith.index_cast %parallel_loop3A_636 : i32 to index
        %parallel_loop3A_638 = arith.index_cast %parallel_loop3A_428 : i32 to index
        %parallel_loop3A_639 = arith.constant 48 : index
        %parallel_loop3A_640 = tpu.vector_load %arg15[%parallel_loop3A_637, %parallel_loop3A_638, %parallel_loop3A_639] {strides = array<i32>} : memref<2x32x128xf32, #tpu.memory_space<vmem>>, vector<1x1x16xf32>,
        %parallel_loop3A_641 = vector.shape_cast %parallel_loop3A_640 : vector<1x1x16xf32> to vector<16xf32>
        %parallel_loop3A_642 = vector.shape_cast %parallel_loop3A_635 : vector<16xf32> to vector<1x1x16xf32>
        tpu.vector_store %arg15[%parallel_loop3A_637, %parallel_loop3A_638, %parallel_loop3A_639], %parallel_loop3A_642 {strides = array<i32>} : memref<2x32x128xf32, #tpu.memory_space<vmem>>, vector<1x1x16xf32>,
        %parallel_loop3A_643 = arith.constant 0 : i32
        %parallel_loop3A_644 = arith.index_cast %parallel_loop3A_643 : i32 to index
        %parallel_loop3A_645 = arith.index_cast %parallel_loop3A_428 : i32 to index
        %parallel_loop3A_646 = arith.constant 64 : index
        %parallel_loop3A_647 = tpu.vector_load %arg14[%parallel_loop3A_644, %parallel_loop3A_645, %parallel_loop3A_646] {strides = array<i32>} : memref<2x32x512xf32, #tpu.memory_space<vmem>>, vector<1x1x16xf32>,
        %parallel_loop3A_648 = vector.shape_cast %parallel_loop3A_647 : vector<1x1x16xf32> to vector<16xf32>
        %parallel_loop3A_649 = arith.mulf %parallel_loop3A_648, %parallel_loop3A_448 : vector<16xf32>
        %parallel_loop3A_650 = arith.constant 0 : i32
        %parallel_loop3A_651 = arith.index_cast %parallel_loop3A_650 : i32 to index
        %parallel_loop3A_652 = arith.index_cast %parallel_loop3A_428 : i32 to index
        %parallel_loop3A_653 = arith.constant 192 : index
        %parallel_loop3A_654 = tpu.vector_load %arg14[%parallel_loop3A_651, %parallel_loop3A_652, %parallel_loop3A_653] {strides = array<i32>} : memref<2x32x512xf32, #tpu.memory_space<vmem>>, vector<1x1x16xf32>,
        %parallel_loop3A_655 = vector.shape_cast %parallel_loop3A_654 : vector<1x1x16xf32> to vector<16xf32>
        %parallel_loop3A_656 = arith.mulf %parallel_loop3A_655, %parallel_loop3A_462 : vector<16xf32>
        %parallel_loop3A_657 = arith.addf %parallel_loop3A_649, %parallel_loop3A_656 : vector<16xf32>
        %parallel_loop3A_658 = arith.constant 0 : i32
        %parallel_loop3A_659 = arith.index_cast %parallel_loop3A_658 : i32 to index
        %parallel_loop3A_660 = arith.index_cast %parallel_loop3A_428 : i32 to index
        %parallel_loop3A_661 = arith.constant 320 : index
        %parallel_loop3A_662 = tpu.vector_load %arg14[%parallel_loop3A_659, %parallel_loop3A_660, %parallel_loop3A_661] {strides = array<i32>} : memref<2x32x512xf32, #tpu.memory_space<vmem>>, vector<1x1x16xf32>,
        %parallel_loop3A_663 = vector.shape_cast %parallel_loop3A_662 : vector<1x1x16xf32> to vector<16xf32>
        %parallel_loop3A_664 = arith.mulf %parallel_loop3A_663, %parallel_loop3A_476 : vector<16xf32>
        %parallel_loop3A_665 = arith.addf %parallel_loop3A_657, %parallel_loop3A_664 : vector<16xf32>
        %parallel_loop3A_666 = arith.constant 0 : i32
        %parallel_loop3A_667 = arith.index_cast %parallel_loop3A_666 : i32 to index
        %parallel_loop3A_668 = arith.index_cast %parallel_loop3A_428 : i32 to index
        %parallel_loop3A_669 = arith.constant 448 : index
        %parallel_loop3A_670 = tpu.vector_load %arg14[%parallel_loop3A_667, %parallel_loop3A_668, %parallel_loop3A_669] {strides = array<i32>} : memref<2x32x512xf32, #tpu.memory_space<vmem>>, vector<1x1x16xf32>,
        %parallel_loop3A_671 = vector.shape_cast %parallel_loop3A_670 : vector<1x1x16xf32> to vector<16xf32>
        %parallel_loop3A_672 = arith.mulf %parallel_loop3A_671, %parallel_loop3A_490 : vector<16xf32>
        %parallel_loop3A_673 = arith.addf %parallel_loop3A_665, %parallel_loop3A_672 : vector<16xf32>
        %parallel_loop3A_674 = arith.constant 0 : i32
        %parallel_loop3A_675 = arith.index_cast %parallel_loop3A_674 : i32 to index
        %parallel_loop3A_676 = arith.index_cast %parallel_loop3A_428 : i32 to index
        %parallel_loop3A_677 = arith.constant 64 : index
        %parallel_loop3A_678 = tpu.vector_load %arg15[%parallel_loop3A_675, %parallel_loop3A_676, %parallel_loop3A_677] {strides = array<i32>} : memref<2x32x128xf32, #tpu.memory_space<vmem>>, vector<1x1x16xf32>,
        %parallel_loop3A_679 = vector.shape_cast %parallel_loop3A_678 : vector<1x1x16xf32> to vector<16xf32>
        %parallel_loop3A_680 = vector.shape_cast %parallel_loop3A_673 : vector<16xf32> to vector<1x1x16xf32>
        tpu.vector_store %arg15[%parallel_loop3A_675, %parallel_loop3A_676, %parallel_loop3A_677], %parallel_loop3A_680 {strides = array<i32>} : memref<2x32x128xf32, #tpu.memory_space<vmem>>, vector<1x1x16xf32>,
        %parallel_loop3A_681 = arith.constant 0 : i32
        %parallel_loop3A_682 = arith.index_cast %parallel_loop3A_681 : i32 to index
        %parallel_loop3A_683 = arith.index_cast %parallel_loop3A_428 : i32 to index
        %parallel_loop3A_684 = arith.constant 80 : index
        %parallel_loop3A_685 = tpu.vector_load %arg14[%parallel_loop3A_682, %parallel_loop3A_683, %parallel_loop3A_684] {strides = array<i32>} : memref<2x32x512xf32, #tpu.memory_space<vmem>>, vector<1x1x16xf32>,
        %parallel_loop3A_686 = vector.shape_cast %parallel_loop3A_685 : vector<1x1x16xf32> to vector<16xf32>
        %parallel_loop3A_687 = arith.mulf %parallel_loop3A_686, %parallel_loop3A_448 : vector<16xf32>
        %parallel_loop3A_688 = arith.constant 0 : i32
        %parallel_loop3A_689 = arith.index_cast %parallel_loop3A_688 : i32 to index
        %parallel_loop3A_690 = arith.index_cast %parallel_loop3A_428 : i32 to index
        %parallel_loop3A_691 = arith.constant 208 : index
        %parallel_loop3A_692 = tpu.vector_load %arg14[%parallel_loop3A_689, %parallel_loop3A_690, %parallel_loop3A_691] {strides = array<i32>} : memref<2x32x512xf32, #tpu.memory_space<vmem>>, vector<1x1x16xf32>,
        %parallel_loop3A_693 = vector.shape_cast %parallel_loop3A_692 : vector<1x1x16xf32> to vector<16xf32>
        %parallel_loop3A_694 = arith.mulf %parallel_loop3A_693, %parallel_loop3A_462 : vector<16xf32>
        %parallel_loop3A_695 = arith.addf %parallel_loop3A_687, %parallel_loop3A_694 : vector<16xf32>
        %parallel_loop3A_696 = arith.constant 0 : i32
        %parallel_loop3A_697 = arith.index_cast %parallel_loop3A_696 : i32 to index
        %parallel_loop3A_698 = arith.index_cast %parallel_loop3A_428 : i32 to index
        %parallel_loop3A_699 = arith.constant 336 : index
        %parallel_loop3A_700 = tpu.vector_load %arg14[%parallel_loop3A_697, %parallel_loop3A_698, %parallel_loop3A_699] {strides = array<i32>} : memref<2x32x512xf32, #tpu.memory_space<vmem>>, vector<1x1x16xf32>,
        %parallel_loop3A_701 = vector.shape_cast %parallel_loop3A_700 : vector<1x1x16xf32> to vector<16xf32>
        %parallel_loop3A_702 = arith.mulf %parallel_loop3A_701, %parallel_loop3A_476 : vector<16xf32>
        %parallel_loop3A_703 = arith.addf %parallel_loop3A_695, %parallel_loop3A_702 : vector<16xf32>
        %parallel_loop3A_704 = arith.constant 0 : i32
        %parallel_loop3A_705 = arith.index_cast %parallel_loop3A_704 : i32 to index
        %parallel_loop3A_706 = arith.index_cast %parallel_loop3A_428 : i32 to index
        %parallel_loop3A_707 = arith.constant 464 : index
        %parallel_loop3A_708 = tpu.vector_load %arg14[%parallel_loop3A_705, %parallel_loop3A_706, %parallel_loop3A_707] {strides = array<i32>} : memref<2x32x512xf32, #tpu.memory_space<vmem>>, vector<1x1x16xf32>,
        %parallel_loop3A_709 = vector.shape_cast %parallel_loop3A_708 : vector<1x1x16xf32> to vector<16xf32>
        %parallel_loop3A_710 = arith.mulf %parallel_loop3A_709, %parallel_loop3A_490 : vector<16xf32>
        %parallel_loop3A_711 = arith.addf %parallel_loop3A_703, %parallel_loop3A_710 : vector<16xf32>
        %parallel_loop3A_712 = arith.constant 0 : i32
        %parallel_loop3A_713 = arith.index_cast %parallel_loop3A_712 : i32 to index
        %parallel_loop3A_714 = arith.index_cast %parallel_loop3A_428 : i32 to index
        %parallel_loop3A_715 = arith.constant 80 : index
        %parallel_loop3A_716 = tpu.vector_load %arg15[%parallel_loop3A_713, %parallel_loop3A_714, %parallel_loop3A_715] {strides = array<i32>} : memref<2x32x128xf32, #tpu.memory_space<vmem>>, vector<1x1x16xf32>,
        %parallel_loop3A_717 = vector.shape_cast %parallel_loop3A_716 : vector<1x1x16xf32> to vector<16xf32>
        %parallel_loop3A_718 = vector.shape_cast %parallel_loop3A_711 : vector<16xf32> to vector<1x1x16xf32>
        tpu.vector_store %arg15[%parallel_loop3A_713, %parallel_loop3A_714, %parallel_loop3A_715], %parallel_loop3A_718 {strides = array<i32>} : memref<2x32x128xf32, #tpu.memory_space<vmem>>, vector<1x1x16xf32>,
        %parallel_loop3A_719 = arith.constant 0 : i32
        %parallel_loop3A_720 = arith.index_cast %parallel_loop3A_719 : i32 to index
        %parallel_loop3A_721 = arith.index_cast %parallel_loop3A_428 : i32 to index
        %parallel_loop3A_722 = arith.constant 96 : index
        %parallel_loop3A_723 = tpu.vector_load %arg14[%parallel_loop3A_720, %parallel_loop3A_721, %parallel_loop3A_722] {strides = array<i32>} : memref<2x32x512xf32, #tpu.memory_space<vmem>>, vector<1x1x16xf32>,
        %parallel_loop3A_724 = vector.shape_cast %parallel_loop3A_723 : vector<1x1x16xf32> to vector<16xf32>
        %parallel_loop3A_725 = arith.mulf %parallel_loop3A_724, %parallel_loop3A_448 : vector<16xf32>
        %parallel_loop3A_726 = arith.constant 0 : i32
        %parallel_loop3A_727 = arith.index_cast %parallel_loop3A_726 : i32 to index
        %parallel_loop3A_728 = arith.index_cast %parallel_loop3A_428 : i32 to index
        %parallel_loop3A_729 = arith.constant 224 : index
        %parallel_loop3A_730 = tpu.vector_load %arg14[%parallel_loop3A_727, %parallel_loop3A_728, %parallel_loop3A_729] {strides = array<i32>} : memref<2x32x512xf32, #tpu.memory_space<vmem>>, vector<1x1x16xf32>,
        %parallel_loop3A_731 = vector.shape_cast %parallel_loop3A_730 : vector<1x1x16xf32> to vector<16xf32>
        %parallel_loop3A_732 = arith.mulf %parallel_loop3A_731, %parallel_loop3A_462 : vector<16xf32>
        %parallel_loop3A_733 = arith.addf %parallel_loop3A_725, %parallel_loop3A_732 : vector<16xf32>
        %parallel_loop3A_734 = arith.constant 0 : i32
        %parallel_loop3A_735 = arith.index_cast %parallel_loop3A_734 : i32 to index
        %parallel_loop3A_736 = arith.index_cast %parallel_loop3A_428 : i32 to index
        %parallel_loop3A_737 = arith.constant 352 : index
        %parallel_loop3A_738 = tpu.vector_load %arg14[%parallel_loop3A_735, %parallel_loop3A_736, %parallel_loop3A_737] {strides = array<i32>} : memref<2x32x512xf32, #tpu.memory_space<vmem>>, vector<1x1x16xf32>,
        %parallel_loop3A_739 = vector.shape_cast %parallel_loop3A_738 : vector<1x1x16xf32> to vector<16xf32>
        %parallel_loop3A_740 = arith.mulf %parallel_loop3A_739, %parallel_loop3A_476 : vector<16xf32>
        %parallel_loop3A_741 = arith.addf %parallel_loop3A_733, %parallel_loop3A_740 : vector<16xf32>
        %parallel_loop3A_742 = arith.constant 0 : i32
        %parallel_loop3A_743 = arith.index_cast %parallel_loop3A_742 : i32 to index
        %parallel_loop3A_744 = arith.index_cast %parallel_loop3A_428 : i32 to index
        %parallel_loop3A_745 = arith.constant 480 : index
        %parallel_loop3A_746 = tpu.vector_load %arg14[%parallel_loop3A_743, %parallel_loop3A_744, %parallel_loop3A_745] {strides = array<i32>} : memref<2x32x512xf32, #tpu.memory_space<vmem>>, vector<1x1x16xf32>,
        %parallel_loop3A_747 = vector.shape_cast %parallel_loop3A_746 : vector<1x1x16xf32> to vector<16xf32>
        %parallel_loop3A_748 = arith.mulf %parallel_loop3A_747, %parallel_loop3A_490 : vector<16xf32>
        %parallel_loop3A_749 = arith.addf %parallel_loop3A_741, %parallel_loop3A_748 : vector<16xf32>
        %parallel_loop3A_750 = arith.constant 0 : i32
        %parallel_loop3A_751 = arith.index_cast %parallel_loop3A_750 : i32 to index
        %parallel_loop3A_752 = arith.index_cast %parallel_loop3A_428 : i32 to index
        %parallel_loop3A_753 = arith.constant 96 : index
        %parallel_loop3A_754 = tpu.vector_load %arg15[%parallel_loop3A_751, %parallel_loop3A_752, %parallel_loop3A_753] {strides = array<i32>} : memref<2x32x128xf32, #tpu.memory_space<vmem>>, vector<1x1x16xf32>,
        %parallel_loop3A_755 = vector.shape_cast %parallel_loop3A_754 : vector<1x1x16xf32> to vector<16xf32>
        %parallel_loop3A_756 = vector.shape_cast %parallel_loop3A_749 : vector<16xf32> to vector<1x1x16xf32>
        tpu.vector_store %arg15[%parallel_loop3A_751, %parallel_loop3A_752, %parallel_loop3A_753], %parallel_loop3A_756 {strides = array<i32>} : memref<2x32x128xf32, #tpu.memory_space<vmem>>, vector<1x1x16xf32>,
        %parallel_loop3A_757 = arith.constant 0 : i32
        %parallel_loop3A_758 = arith.index_cast %parallel_loop3A_757 : i32 to index
        %parallel_loop3A_759 = arith.index_cast %parallel_loop3A_428 : i32 to index
        %parallel_loop3A_760 = arith.constant 112 : index
        %parallel_loop3A_761 = tpu.vector_load %arg14[%parallel_loop3A_758, %parallel_loop3A_759, %parallel_loop3A_760] {strides = array<i32>} : memref<2x32x512xf32, #tpu.memory_space<vmem>>, vector<1x1x16xf32>,
        %parallel_loop3A_762 = vector.shape_cast %parallel_loop3A_761 : vector<1x1x16xf32> to vector<16xf32>
        %parallel_loop3A_763 = arith.mulf %parallel_loop3A_762, %parallel_loop3A_448 : vector<16xf32>
        %parallel_loop3A_764 = arith.constant 0 : i32
        %parallel_loop3A_765 = arith.index_cast %parallel_loop3A_764 : i32 to index
        %parallel_loop3A_766 = arith.index_cast %parallel_loop3A_428 : i32 to index
        %parallel_loop3A_767 = arith.constant 240 : index
        %parallel_loop3A_768 = tpu.vector_load %arg14[%parallel_loop3A_765, %parallel_loop3A_766, %parallel_loop3A_767] {strides = array<i32>} : memref<2x32x512xf32, #tpu.memory_space<vmem>>, vector<1x1x16xf32>,
        %parallel_loop3A_769 = vector.shape_cast %parallel_loop3A_768 : vector<1x1x16xf32> to vector<16xf32>
        %parallel_loop3A_770 = arith.mulf %parallel_loop3A_769, %parallel_loop3A_462 : vector<16xf32>
        %parallel_loop3A_771 = arith.addf %parallel_loop3A_763, %parallel_loop3A_770 : vector<16xf32>
        %parallel_loop3A_772 = arith.constant 0 : i32
        %parallel_loop3A_773 = arith.index_cast %parallel_loop3A_772 : i32 to index
        %parallel_loop3A_774 = arith.index_cast %parallel_loop3A_428 : i32 to index
        %parallel_loop3A_775 = arith.constant 368 : index
        %parallel_loop3A_776 = tpu.vector_load %arg14[%parallel_loop3A_773, %parallel_loop3A_774, %parallel_loop3A_775] {strides = array<i32>} : memref<2x32x512xf32, #tpu.memory_space<vmem>>, vector<1x1x16xf32>,
        %parallel_loop3A_777 = vector.shape_cast %parallel_loop3A_776 : vector<1x1x16xf32> to vector<16xf32>
        %parallel_loop3A_778 = arith.mulf %parallel_loop3A_777, %parallel_loop3A_476 : vector<16xf32>
        %parallel_loop3A_779 = arith.addf %parallel_loop3A_771, %parallel_loop3A_778 : vector<16xf32>
        %parallel_loop3A_780 = arith.constant 0 : i32
        %parallel_loop3A_781 = arith.index_cast %parallel_loop3A_780 : i32 to index
        %parallel_loop3A_782 = arith.index_cast %parallel_loop3A_428 : i32 to index
        %parallel_loop3A_783 = arith.constant 496 : index
        %parallel_loop3A_784 = tpu.vector_load %arg14[%parallel_loop3A_781, %parallel_loop3A_782, %parallel_loop3A_783] {strides = array<i32>} : memref<2x32x512xf32, #tpu.memory_space<vmem>>, vector<1x1x16xf32>,
        %parallel_loop3A_785 = vector.shape_cast %parallel_loop3A_784 : vector<1x1x16xf32> to vector<16xf32>
        %parallel_loop3A_786 = arith.mulf %parallel_loop3A_785, %parallel_loop3A_490 : vector<16xf32>
        %parallel_loop3A_787 = arith.addf %parallel_loop3A_779, %parallel_loop3A_786 : vector<16xf32>
        %parallel_loop3A_788 = arith.constant 0 : i32
        %parallel_loop3A_789 = arith.index_cast %parallel_loop3A_788 : i32 to index
        %parallel_loop3A_790 = arith.index_cast %parallel_loop3A_428 : i32 to index
        %parallel_loop3A_791 = arith.constant 112 : index
        %parallel_loop3A_792 = tpu.vector_load %arg15[%parallel_loop3A_789, %parallel_loop3A_790, %parallel_loop3A_791] {strides = array<i32>} : memref<2x32x128xf32, #tpu.memory_space<vmem>>, vector<1x1x16xf32>,
        %parallel_loop3A_793 = vector.shape_cast %parallel_loop3A_792 : vector<1x1x16xf32> to vector<16xf32>
        %parallel_loop3A_794 = vector.shape_cast %parallel_loop3A_787 : vector<16xf32> to vector<1x1x16xf32>
        tpu.vector_store %arg15[%parallel_loop3A_789, %parallel_loop3A_790, %parallel_loop3A_791], %parallel_loop3A_794 {strides = array<i32>} : memref<2x32x128xf32, #tpu.memory_space<vmem>>, vector<1x1x16xf32>,
      } {sc.loop_unroll_factor = 8 : i64, sc.parallel_access}
      %dma_wait3A_330 = arith.constant 0 : i32
      %dma_wait3A_331 = arith.constant 0 : i32
      %dma_wait3A_332 = tpu.memref_slice %arg12[%dma_wait3A_330, %dma_wait3A_331] : memref<2x32xi32, #tpu.memory_space<vmem>> -> memref<1x32xi32, #tpu.memory_space<vmem>>
      %dma_wait3A_333 = tpu.memref_squeeze %dma_wait3A_332 : memref<1x32xi32, #tpu.memory_space<vmem>> -> memref<32xi32, #tpu.memory_space<vmem>>
      %dma_wait3A_334 = arith.constant 0 : i32
      %dma_wait3A_335 = tpu.memref_slice %arg4[%dma_wait3A_334] : memref<327680xi32, #tpu.memory_space<hbm>> -> memref<32xi32, #tpu.memory_space<hbm>>
      %dma_wait3A_336 = arith.constant 0 : i32
      %dma_wait3A_337 = tpu.memref_slice %arg12[%dma_wait3A_330, %dma_wait3A_336] : memref<2x32xi32, #tpu.memory_space<vmem>> -> memref<1x32xi32, #tpu.memory_space<vmem>>
      %dma_wait3A_338 = tpu.memref_squeeze %dma_wait3A_337 : memref<1x32xi32, #tpu.memory_space<vmem>> -> memref<32xi32, #tpu.memory_space<vmem>>
      %dma_wait3A_339 = arith.constant 0 : i32
      %dma_wait3A_340 = tpu.memref_slice %arg4[%dma_wait3A_339] : memref<327680xi32, #tpu.memory_space<hbm>> -> memref<32xi32, #tpu.memory_space<hbm>>
      tpu.wait_dma2 semaphore(%arg21 : memref<!tpu.dma_semaphore, #tpu.memory_space<semaphore_mem>>) src(%dma_wait3A_340 : memref<32xi32, #tpu.memory_space<hbm>>) dst(%dma_wait3A_338 : memref<32xi32, #tpu.memory_space<vmem>>)
      %dma_start3A_341 = arith.constant 0 : i32
      %dma_start3A_342 = arith.constant 0 : i32
      %dma_start3A_343 = arith.constant 0 : i32
      %dma_start3A_344 = arith.constant 0 : i32
      %dma_start3A_345 = tpu.memref_slice %arg15[%dma_start3A_341, %dma_start3A_343, %dma_start3A_344] : memref<2x32x128xf32, #tpu.memory_space<vmem>> -> memref<1x32x128xf32, #tpu.memory_space<vmem>>
      %dma_start3A_346 = tpu.memref_squeeze %dma_start3A_345 : memref<1x32x128xf32, #tpu.memory_space<vmem>> -> memref<32x128xf32, #tpu.memory_space<vmem>>
      %dma_start3A_347 = arith.constant 0 : i32
      %dma_start3A_348 = tpu.memref_slice %arg12[%dma_start3A_342, %dma_start3A_347] : memref<2x32xi32, #tpu.memory_space<vmem>> -> memref<1x32xi32, #tpu.memory_space<vmem>>
      %dma_start3A_349 = tpu.memref_squeeze %dma_start3A_348 : memref<1x32xi32, #tpu.memory_space<vmem>> -> memref<32xi32, #tpu.memory_space<vmem>>
      %dma_start3A_350 = arith.constant 0 : i32
      %dma_start3A_351 = arith.constant 0 : i32
      %dma_start3A_352 = tpu.memref_slice %arg16[%dma_start3A_350, %dma_start3A_351] : memref<10000x128xf32, #tpu.memory_space<vmem_shared>> -> memref<10000x128xf32, #tpu.memory_space<vmem_shared>>
      tpu.enqueue_indirect_dma source(%dma_start3A_346 : memref<32x128xf32, #tpu.memory_space<vmem>>) target(%dma_start3A_352 : memref<10000x128xf32, #tpu.memory_space<vmem_shared>>) offsets(%dma_start3A_349 : memref<32xi32, #tpu.memory_space<vmem>>) semaphore(%arg23 : memref<!tpu.dma_semaphore, #tpu.memory_space<semaphore_mem>>) {add = true}
      %not3A_353 = arith.constant true
      %not3A_354 = arith.xori %ge3A_225, %not3A_353 : i1
      %convert_element_type3A_355 = arith.extui %not3A_354 : i1 to i32
      %cond3A_356 = arith.constant 0 : i32
      %cond3A_357 = arith.cmpi ne, %convert_element_type3A_355, %cond3A_356 : i32
      scf.if %cond3A_357 {
        %add3A_428 = arith.constant 2 : i32
        %add3A_429 = arith.addi %mul3A_222, %add3A_428 : i32
        %mul3A_430 = arith.constant 32 : i32
        %mul3A_431 = arith.muli %add3A_429, %mul3A_430 : i32
        %add3A_432 = arith.addi %mul3A_2, %mul3A_431 : i32
        %dma_start3A_433 = arith.constant 0 : i32
        %dma_start3A_434 = arith.constant 0 : i32
        %dma_start3A_435 = tpu.memref_slice %arg11[%dma_start3A_433, %dma_start3A_434] : memref<2x32xi32, #tpu.memory_space<vmem>> -> memref<1x32xi32, #tpu.memory_space<vmem>>
        %dma_start3A_436 = tpu.memref_squeeze %dma_start3A_435 : memref<1x32xi32, #tpu.memory_space<vmem>> -> memref<32xi32, #tpu.memory_space<vmem>>
        %dma_start3A_437 = tpu.memref_slice %arg3[%add3A_432] : memref<327680xi32, #tpu.memory_space<hbm>> -> memref<32xi32, #tpu.memory_space<hbm>>
        %dma_start3A_438 = arith.constant 0 : i32
        %dma_start3A_439 = tpu.memref_slice %arg11[%dma_start3A_433, %dma_start3A_438] : memref<2x32xi32, #tpu.memory_space<vmem>> -> memref<1x32xi32, #tpu.memory_space<vmem>>
        %dma_start3A_440 = tpu.memref_squeeze %dma_start3A_439 : memref<1x32xi32, #tpu.memory_space<vmem>> -> memref<32xi32, #tpu.memory_space<vmem>>
        %dma_start3A_441 = tpu.memref_slice %arg3[%add3A_432] : memref<327680xi32, #tpu.memory_space<hbm>> -> memref<32xi32, #tpu.memory_space<hbm>>
        tpu.enqueue_dma source(%dma_start3A_441 : memref<32xi32, #tpu.memory_space<hbm>>) target(%dma_start3A_440 : memref<32xi32, #tpu.memory_space<vmem>>) target_semaphore(%arg17 : memref<!tpu.dma_semaphore, #tpu.memory_space<semaphore_mem>>)
        %dma_start3A_442 = arith.constant 0 : i32
        %dma_start3A_443 = arith.constant 0 : i32
        %dma_start3A_444 = arith.constant 0 : i32
        %dma_start3A_445 = tpu.memref_slice %arg13[%dma_start3A_442, %dma_start3A_443, %dma_start3A_444] : memref<2x4x32xf32, #tpu.memory_space<vmem>> -> memref<1x1x32xf32, #tpu.memory_space<vmem>>
        %dma_start3A_446 = tpu.memref_squeeze %dma_start3A_445 : memref<1x1x32xf32, #tpu.memory_space<vmem>> -> memref<32xf32, #tpu.memory_space<vmem>>
        %dma_start3A_447 = tpu.memref_slice %arg5[%add3A_432] : memref<327680xf32, #tpu.memory_space<hbm>> -> memref<32xf32, #tpu.memory_space<hbm>>
        %dma_start3A_448 = arith.constant 0 : i32
        %dma_start3A_449 = tpu.memref_slice %arg13[%dma_start3A_442, %dma_start3A_443, %dma_start3A_448] : memref<2x4x32xf32, #tpu.memory_space<vmem>> -> memref<1x1x32xf32, #tpu.memory_space<vmem>>
        %dma_start3A_450 = tpu.memref_squeeze %dma_start3A_449 : memref<1x1x32xf32, #tpu.memory_space<vmem>> -> memref<32xf32, #tpu.memory_space<vmem>>
        %dma_start3A_451 = tpu.memref_slice %arg5[%add3A_432] : memref<327680xf32, #tpu.memory_space<hbm>> -> memref<32xf32, #tpu.memory_space<hbm>>
        tpu.enqueue_dma source(%dma_start3A_451 : memref<32xf32, #tpu.memory_space<hbm>>) target(%dma_start3A_450 : memref<32xf32, #tpu.memory_space<vmem>>) target_semaphore(%arg17 : memref<!tpu.dma_semaphore, #tpu.memory_space<semaphore_mem>>)
        %dma_start3A_452 = arith.constant 0 : i32
        %dma_start3A_453 = arith.constant 1 : i32
        %dma_start3A_454 = arith.constant 0 : i32
        %dma_start3A_455 = tpu.memref_slice %arg13[%dma_start3A_452, %dma_start3A_453, %dma_start3A_454] : memref<2x4x32xf32, #tpu.memory_space<vmem>> -> memref<1x1x32xf32, #tpu.memory_space<vmem>>
        %dma_start3A_456 = tpu.memref_squeeze %dma_start3A_455 : memref<1x1x32xf32, #tpu.memory_space<vmem>> -> memref<32xf32, #tpu.memory_space<vmem>>
        %dma_start3A_457 = tpu.memref_slice %arg6[%add3A_432] : memref<327680xf32, #tpu.memory_space<hbm>> -> memref<32xf32, #tpu.memory_space<hbm>>
        %dma_start3A_458 = arith.constant 0 : i32
        %dma_start3A_459 = tpu.memref_slice %arg13[%dma_start3A_452, %dma_start3A_453, %dma_start3A_458] : memref<2x4x32xf32, #tpu.memory_space<vmem>> -> memref<1x1x32xf32, #tpu.memory_space<vmem>>
        %dma_start3A_460 = tpu.memref_squeeze %dma_start3A_459 : memref<1x1x32xf32, #tpu.memory_space<vmem>> -> memref<32xf32, #tpu.memory_space<vmem>>
        %dma_start3A_461 = tpu.memref_slice %arg6[%add3A_432] : memref<327680xf32, #tpu.memory_space<hbm>> -> memref<32xf32, #tpu.memory_space<hbm>>
        tpu.enqueue_dma source(%dma_start3A_461 : memref<32xf32, #tpu.memory_space<hbm>>) target(%dma_start3A_460 : memref<32xf32, #tpu.memory_space<vmem>>) target_semaphore(%arg17 : memref<!tpu.dma_semaphore, #tpu.memory_space<semaphore_mem>>)
        %dma_start3A_462 = arith.constant 0 : i32
        %dma_start3A_463 = arith.constant 2 : i32
        %dma_start3A_464 = arith.constant 0 : i32
        %dma_start3A_465 = tpu.memref_slice %arg13[%dma_start3A_462, %dma_start3A_463, %dma_start3A_464] : memref<2x4x32xf32, #tpu.memory_space<vmem>> -> memref<1x1x32xf32, #tpu.memory_space<vmem>>
        %dma_start3A_466 = tpu.memref_squeeze %dma_start3A_465 : memref<1x1x32xf32, #tpu.memory_space<vmem>> -> memref<32xf32, #tpu.memory_space<vmem>>
        %dma_start3A_467 = tpu.memref_slice %arg7[%add3A_432] : memref<327680xf32, #tpu.memory_space<hbm>> -> memref<32xf32, #tpu.memory_space<hbm>>
        %dma_start3A_468 = arith.constant 0 : i32
        %dma_start3A_469 = tpu.memref_slice %arg13[%dma_start3A_462, %dma_start3A_463, %dma_start3A_468] : memref<2x4x32xf32, #tpu.memory_space<vmem>> -> memref<1x1x32xf32, #tpu.memory_space<vmem>>
        %dma_start3A_470 = tpu.memref_squeeze %dma_start3A_469 : memref<1x1x32xf32, #tpu.memory_space<vmem>> -> memref<32xf32, #tpu.memory_space<vmem>>
        %dma_start3A_471 = tpu.memref_slice %arg7[%add3A_432] : memref<327680xf32, #tpu.memory_space<hbm>> -> memref<32xf32, #tpu.memory_space<hbm>>
        tpu.enqueue_dma source(%dma_start3A_471 : memref<32xf32, #tpu.memory_space<hbm>>) target(%dma_start3A_470 : memref<32xf32, #tpu.memory_space<vmem>>) target_semaphore(%arg17 : memref<!tpu.dma_semaphore, #tpu.memory_space<semaphore_mem>>)
        %dma_start3A_472 = arith.constant 0 : i32
        %dma_start3A_473 = arith.constant 3 : i32
        %dma_start3A_474 = arith.constant 0 : i32
        %dma_start3A_475 = tpu.memref_slice %arg13[%dma_start3A_472, %dma_start3A_473, %dma_start3A_474] : memref<2x4x32xf32, #tpu.memory_space<vmem>> -> memref<1x1x32xf32, #tpu.memory_space<vmem>>
        %dma_start3A_476 = tpu.memref_squeeze %dma_start3A_475 : memref<1x1x32xf32, #tpu.memory_space<vmem>> -> memref<32xf32, #tpu.memory_space<vmem>>
        %dma_start3A_477 = tpu.memref_slice %arg8[%add3A_432] : memref<327680xf32, #tpu.memory_space<hbm>> -> memref<32xf32, #tpu.memory_space<hbm>>
        %dma_start3A_478 = arith.constant 0 : i32
        %dma_start3A_479 = tpu.memref_slice %arg13[%dma_start3A_472, %dma_start3A_473, %dma_start3A_478] : memref<2x4x32xf32, #tpu.memory_space<vmem>> -> memref<1x1x32xf32, #tpu.memory_space<vmem>>
        %dma_start3A_480 = tpu.memref_squeeze %dma_start3A_479 : memref<1x1x32xf32, #tpu.memory_space<vmem>> -> memref<32xf32, #tpu.memory_space<vmem>>
        %dma_start3A_481 = tpu.memref_slice %arg8[%add3A_432] : memref<327680xf32, #tpu.memory_space<hbm>> -> memref<32xf32, #tpu.memory_space<hbm>>
        tpu.enqueue_dma source(%dma_start3A_481 : memref<32xf32, #tpu.memory_space<hbm>>) target(%dma_start3A_480 : memref<32xf32, #tpu.memory_space<vmem>>) target_semaphore(%arg17 : memref<!tpu.dma_semaphore, #tpu.memory_space<semaphore_mem>>)
      } else {
      }
      %add3A_358 = arith.constant 1 : i32
      %add3A_359 = arith.addi %mul3A_222, %add3A_358 : i32
      %not3A_360 = arith.constant true
      %not3A_361 = arith.xori %lt3A_224, %not3A_360 : i1
      %convert_element_type3A_362 = arith.extui %not3A_361 : i1 to i32
      %cond3A_363 = arith.constant 0 : i32
      %cond3A_364 = arith.cmpi ne, %convert_element_type3A_362, %cond3A_363 : i32
      scf.if %cond3A_364 {
        %dma_wait3A_428 = arith.constant 1 : i32
        %dma_wait3A_429 = arith.constant 1 : i32
        %dma_wait3A_430 = arith.constant 0 : i32
        %dma_wait3A_431 = arith.constant 0 : i32
        %dma_wait3A_432 = tpu.memref_slice %arg15[%dma_wait3A_428, %dma_wait3A_430, %dma_wait3A_431] : memref<2x32x128xf32, #tpu.memory_space<vmem>> -> memref<1x32x128xf32, #tpu.memory_space<vmem>>
        %dma_wait3A_433 = tpu.memref_squeeze %dma_wait3A_432 : memref<1x32x128xf32, #tpu.memory_space<vmem>> -> memref<32x128xf32, #tpu.memory_space<vmem>>
        %dma_wait3A_434 = arith.constant 0 : i32
        %dma_wait3A_435 = tpu.memref_slice %arg12[%dma_wait3A_429, %dma_wait3A_434] : memref<2x32xi32, #tpu.memory_space<vmem>> -> memref<1x32xi32, #tpu.memory_space<vmem>>
        %dma_wait3A_436 = tpu.memref_squeeze %dma_wait3A_435 : memref<1x32xi32, #tpu.memory_space<vmem>> -> memref<32xi32, #tpu.memory_space<vmem>>
        %dma_wait3A_437 = arith.constant 0 : i32
        %dma_wait3A_438 = arith.constant 0 : i32
        %dma_wait3A_439 = tpu.memref_slice %arg16[%dma_wait3A_437, %dma_wait3A_438] : memref<10000x128xf32, #tpu.memory_space<vmem_shared>> -> memref<10000x128xf32, #tpu.memory_space<vmem_shared>>
        tpu.wait_indirect_dma semaphore(%arg24 : memref<!tpu.dma_semaphore, #tpu.memory_space<semaphore_mem>>) src(%dma_wait3A_433 : memref<32x128xf32, #tpu.memory_space<vmem>>) dst(%dma_wait3A_439 : memref<10000x128xf32, #tpu.memory_space<vmem_shared>>)
      } else {
      }
      %mul3A_365 = arith.constant 32 : i32
      %mul3A_366 = arith.muli %add3A_359, %mul3A_365 : i32
      %add3A_367 = arith.addi %mul3A_2, %mul3A_366 : i32
      %dma_start3A_368 = arith.constant 1 : i32
      %dma_start3A_369 = arith.constant 0 : i32
      %dma_start3A_370 = tpu.memref_slice %arg12[%dma_start3A_368, %dma_start3A_369] : memref<2x32xi32, #tpu.memory_space<vmem>> -> memref<1x32xi32, #tpu.memory_space<vmem>>
      %dma_start3A_371 = tpu.memref_squeeze %dma_start3A_370 : memref<1x32xi32, #tpu.memory_space<vmem>> -> memref<32xi32, #tpu.memory_space<vmem>>
      %dma_start3A_372 = tpu.memref_slice %arg4[%add3A_367] : memref<327680xi32, #tpu.memory_space<hbm>> -> memref<32xi32, #tpu.memory_space<hbm>>
      %dma_start3A_373 = arith.constant 0 : i32
      %dma_start3A_374 = tpu.memref_slice %arg12[%dma_start3A_368, %dma_start3A_373] : memref<2x32xi32, #tpu.memory_space<vmem>> -> memref<1x32xi32, #tpu.memory_space<vmem>>
      %dma_start3A_375 = tpu.memref_squeeze %dma_start3A_374 : memref<1x32xi32, #tpu.memory_space<vmem>> -> memref<32xi32, #tpu.memory_space<vmem>>
      %dma_start3A_376 = tpu.memref_slice %arg4[%add3A_367] : memref<327680xi32, #tpu.memory_space<hbm>> -> memref<32xi32, #tpu.memory_space<hbm>>
      tpu.enqueue_dma source(%dma_start3A_376 : memref<32xi32, #tpu.memory_space<hbm>>) target(%dma_start3A_375 : memref<32xi32, #tpu.memory_space<vmem>>) target_semaphore(%arg22 : memref<!tpu.dma_semaphore, #tpu.memory_space<semaphore_mem>>)
      %not3A_377 = arith.constant true
      %not3A_378 = arith.xori %ge3A_225, %not3A_377 : i1
      %convert_element_type3A_379 = arith.extui %not3A_378 : i1 to i32
      %cond3A_380 = arith.constant 0 : i32
      %cond3A_381 = arith.cmpi ne, %convert_element_type3A_379, %cond3A_380 : i32
      scf.if %cond3A_381 {
        %dma_wait3A_428 = arith.constant 0 : i32
        %dma_wait3A_429 = arith.constant 0 : i32
        %dma_wait3A_430 = tpu.memref_slice %arg11[%dma_wait3A_428, %dma_wait3A_429] : memref<2x32xi32, #tpu.memory_space<vmem>> -> memref<1x32xi32, #tpu.memory_space<vmem>>
        %dma_wait3A_431 = tpu.memref_squeeze %dma_wait3A_430 : memref<1x32xi32, #tpu.memory_space<vmem>> -> memref<32xi32, #tpu.memory_space<vmem>>
        %dma_wait3A_432 = arith.constant 0 : i32
        %dma_wait3A_433 = tpu.memref_slice %arg3[%dma_wait3A_432] : memref<327680xi32, #tpu.memory_space<hbm>> -> memref<32xi32, #tpu.memory_space<hbm>>
        %dma_wait3A_434 = arith.constant 0 : i32
        %dma_wait3A_435 = tpu.memref_slice %arg11[%dma_wait3A_428, %dma_wait3A_434] : memref<2x32xi32, #tpu.memory_space<vmem>> -> memref<1x32xi32, #tpu.memory_space<vmem>>
        %dma_wait3A_436 = tpu.memref_squeeze %dma_wait3A_435 : memref<1x32xi32, #tpu.memory_space<vmem>> -> memref<32xi32, #tpu.memory_space<vmem>>
        %dma_wait3A_437 = arith.constant 0 : i32
        %dma_wait3A_438 = tpu.memref_slice %arg3[%dma_wait3A_437] : memref<327680xi32, #tpu.memory_space<hbm>> -> memref<32xi32, #tpu.memory_space<hbm>>
        tpu.wait_dma2 semaphore(%arg17 : memref<!tpu.dma_semaphore, #tpu.memory_space<semaphore_mem>>) src(%dma_wait3A_438 : memref<32xi32, #tpu.memory_space<hbm>>) dst(%dma_wait3A_436 : memref<32xi32, #tpu.memory_space<vmem>>)
        %dma_wait3A_439 = arith.constant 0 : i32
        %dma_wait3A_440 = arith.constant 0 : i32
        %dma_wait3A_441 = arith.constant 0 : i32
        %dma_wait3A_442 = tpu.memref_slice %arg13[%dma_wait3A_439, %dma_wait3A_440, %dma_wait3A_441] : memref<2x4x32xf32, #tpu.memory_space<vmem>> -> memref<1x1x32xf32, #tpu.memory_space<vmem>>
        %dma_wait3A_443 = tpu.memref_squeeze %dma_wait3A_442 : memref<1x1x32xf32, #tpu.memory_space<vmem>> -> memref<32xf32, #tpu.memory_space<vmem>>
        %dma_wait3A_444 = arith.constant 0 : i32
        %dma_wait3A_445 = tpu.memref_slice %arg5[%dma_wait3A_444] : memref<327680xf32, #tpu.memory_space<hbm>> -> memref<32xf32, #tpu.memory_space<hbm>>
        %dma_wait3A_446 = arith.constant 0 : i32
        %dma_wait3A_447 = tpu.memref_slice %arg13[%dma_wait3A_439, %dma_wait3A_440, %dma_wait3A_446] : memref<2x4x32xf32, #tpu.memory_space<vmem>> -> memref<1x1x32xf32, #tpu.memory_space<vmem>>
        %dma_wait3A_448 = tpu.memref_squeeze %dma_wait3A_447 : memref<1x1x32xf32, #tpu.memory_space<vmem>> -> memref<32xf32, #tpu.memory_space<vmem>>
        %dma_wait3A_449 = arith.constant 0 : i32
        %dma_wait3A_450 = tpu.memref_slice %arg5[%dma_wait3A_449] : memref<327680xf32, #tpu.memory_space<hbm>> -> memref<32xf32, #tpu.memory_space<hbm>>
        tpu.wait_dma2 semaphore(%arg17 : memref<!tpu.dma_semaphore, #tpu.memory_space<semaphore_mem>>) src(%dma_wait3A_450 : memref<32xf32, #tpu.memory_space<hbm>>) dst(%dma_wait3A_448 : memref<32xf32, #tpu.memory_space<vmem>>)
        %dma_wait3A_451 = arith.constant 0 : i32
        %dma_wait3A_452 = arith.constant 1 : i32
        %dma_wait3A_453 = arith.constant 0 : i32
        %dma_wait3A_454 = tpu.memref_slice %arg13[%dma_wait3A_451, %dma_wait3A_452, %dma_wait3A_453] : memref<2x4x32xf32, #tpu.memory_space<vmem>> -> memref<1x1x32xf32, #tpu.memory_space<vmem>>
        %dma_wait3A_455 = tpu.memref_squeeze %dma_wait3A_454 : memref<1x1x32xf32, #tpu.memory_space<vmem>> -> memref<32xf32, #tpu.memory_space<vmem>>
        %dma_wait3A_456 = arith.constant 0 : i32
        %dma_wait3A_457 = tpu.memref_slice %arg6[%dma_wait3A_456] : memref<327680xf32, #tpu.memory_space<hbm>> -> memref<32xf32, #tpu.memory_space<hbm>>
        %dma_wait3A_458 = arith.constant 0 : i32
        %dma_wait3A_459 = tpu.memref_slice %arg13[%dma_wait3A_451, %dma_wait3A_452, %dma_wait3A_458] : memref<2x4x32xf32, #tpu.memory_space<vmem>> -> memref<1x1x32xf32, #tpu.memory_space<vmem>>
        %dma_wait3A_460 = tpu.memref_squeeze %dma_wait3A_459 : memref<1x1x32xf32, #tpu.memory_space<vmem>> -> memref<32xf32, #tpu.memory_space<vmem>>
        %dma_wait3A_461 = arith.constant 0 : i32
        %dma_wait3A_462 = tpu.memref_slice %arg6[%dma_wait3A_461] : memref<327680xf32, #tpu.memory_space<hbm>> -> memref<32xf32, #tpu.memory_space<hbm>>
        tpu.wait_dma2 semaphore(%arg17 : memref<!tpu.dma_semaphore, #tpu.memory_space<semaphore_mem>>) src(%dma_wait3A_462 : memref<32xf32, #tpu.memory_space<hbm>>) dst(%dma_wait3A_460 : memref<32xf32, #tpu.memory_space<vmem>>)
        %dma_wait3A_463 = arith.constant 0 : i32
        %dma_wait3A_464 = arith.constant 2 : i32
        %dma_wait3A_465 = arith.constant 0 : i32
        %dma_wait3A_466 = tpu.memref_slice %arg13[%dma_wait3A_463, %dma_wait3A_464, %dma_wait3A_465] : memref<2x4x32xf32, #tpu.memory_space<vmem>> -> memref<1x1x32xf32, #tpu.memory_space<vmem>>
        %dma_wait3A_467 = tpu.memref_squeeze %dma_wait3A_466 : memref<1x1x32xf32, #tpu.memory_space<vmem>> -> memref<32xf32, #tpu.memory_space<vmem>>
        %dma_wait3A_468 = arith.constant 0 : i32
        %dma_wait3A_469 = tpu.memref_slice %arg7[%dma_wait3A_468] : memref<327680xf32, #tpu.memory_space<hbm>> -> memref<32xf32, #tpu.memory_space<hbm>>
        %dma_wait3A_470 = arith.constant 0 : i32
        %dma_wait3A_471 = tpu.memref_slice %arg13[%dma_wait3A_463, %dma_wait3A_464, %dma_wait3A_470] : memref<2x4x32xf32, #tpu.memory_space<vmem>> -> memref<1x1x32xf32, #tpu.memory_space<vmem>>
        %dma_wait3A_472 = tpu.memref_squeeze %dma_wait3A_471 : memref<1x1x32xf32, #tpu.memory_space<vmem>> -> memref<32xf32, #tpu.memory_space<vmem>>
        %dma_wait3A_473 = arith.constant 0 : i32
        %dma_wait3A_474 = tpu.memref_slice %arg7[%dma_wait3A_473] : memref<327680xf32, #tpu.memory_space<hbm>> -> memref<32xf32, #tpu.memory_space<hbm>>
        tpu.wait_dma2 semaphore(%arg17 : memref<!tpu.dma_semaphore, #tpu.memory_space<semaphore_mem>>) src(%dma_wait3A_474 : memref<32xf32, #tpu.memory_space<hbm>>) dst(%dma_wait3A_472 : memref<32xf32, #tpu.memory_space<vmem>>)
        %dma_wait3A_475 = arith.constant 0 : i32
        %dma_wait3A_476 = arith.constant 3 : i32
        %dma_wait3A_477 = arith.constant 0 : i32
        %dma_wait3A_478 = tpu.memref_slice %arg13[%dma_wait3A_475, %dma_wait3A_476, %dma_wait3A_477] : memref<2x4x32xf32, #tpu.memory_space<vmem>> -> memref<1x1x32xf32, #tpu.memory_space<vmem>>
        %dma_wait3A_479 = tpu.memref_squeeze %dma_wait3A_478 : memref<1x1x32xf32, #tpu.memory_space<vmem>> -> memref<32xf32, #tpu.memory_space<vmem>>
        %dma_wait3A_480 = arith.constant 0 : i32
        %dma_wait3A_481 = tpu.memref_slice %arg8[%dma_wait3A_480] : memref<327680xf32, #tpu.memory_space<hbm>> -> memref<32xf32, #tpu.memory_space<hbm>>
        %dma_wait3A_482 = arith.constant 0 : i32
        %dma_wait3A_483 = tpu.memref_slice %arg13[%dma_wait3A_475, %dma_wait3A_476, %dma_wait3A_482] : memref<2x4x32xf32, #tpu.memory_space<vmem>> -> memref<1x1x32xf32, #tpu.memory_space<vmem>>
        %dma_wait3A_484 = tpu.memref_squeeze %dma_wait3A_483 : memref<1x1x32xf32, #tpu.memory_space<vmem>> -> memref<32xf32, #tpu.memory_space<vmem>>
        %dma_wait3A_485 = arith.constant 0 : i32
        %dma_wait3A_486 = tpu.memref_slice %arg8[%dma_wait3A_485] : memref<327680xf32, #tpu.memory_space<hbm>> -> memref<32xf32, #tpu.memory_space<hbm>>
        tpu.wait_dma2 semaphore(%arg17 : memref<!tpu.dma_semaphore, #tpu.memory_space<semaphore_mem>>) src(%dma_wait3A_486 : memref<32xf32, #tpu.memory_space<hbm>>) dst(%dma_wait3A_484 : memref<32xf32, #tpu.memory_space<vmem>>)
        %dma_start3A_487 = arith.constant 0 : i32
        %dma_start3A_488 = arith.constant 0 : i32
        %dma_start3A_489 = arith.constant 0 : i32
        %dma_start3A_490 = arith.constant 0 : i32
        %dma_start3A_491 = tpu.memref_slice %arg14[%dma_start3A_488, %dma_start3A_489, %dma_start3A_490] : memref<2x32x512xf32, #tpu.memory_space<vmem>> -> memref<1x32x512xf32, #tpu.memory_space<vmem>>
        %dma_start3A_492 = tpu.memref_squeeze %dma_start3A_491 : memref<1x32x512xf32, #tpu.memory_space<vmem>> -> memref<32x512xf32, #tpu.memory_space<vmem>>
        %dma_start3A_493 = arith.constant 0 : i32
        %dma_start3A_494 = tpu.memref_slice %arg11[%dma_start3A_487, %dma_start3A_493] : memref<2x32xi32, #tpu.memory_space<vmem>> -> memref<1x32xi32, #tpu.memory_space<vmem>>
        %dma_start3A_495 = tpu.memref_squeeze %dma_start3A_494 : memref<1x32xi32, #tpu.memory_space<vmem>> -> memref<32xi32, #tpu.memory_space<vmem>>
        %dma_start3A_496 = arith.constant 0 : i32
        %dma_start3A_497 = arith.constant 0 : i32
        %dma_start3A_498 = tpu.memref_slice %arg2[%dma_start3A_496, %dma_start3A_497] : memref<10000x512xf32, #tpu.memory_space<hbm>> -> memref<10000x512xf32, #tpu.memory_space<hbm>>
        tpu.enqueue_indirect_dma source(%dma_start3A_498 : memref<10000x512xf32, #tpu.memory_space<hbm>>) target(%dma_start3A_492 : memref<32x512xf32, #tpu.memory_space<vmem>>) offsets(%dma_start3A_495 : memref<32xi32, #tpu.memory_space<vmem>>) semaphore(%arg19 : memref<!tpu.dma_semaphore, #tpu.memory_space<semaphore_mem>>)
      } else {
      }
      %dma_wait3A_382 = arith.constant 1 : i32
      %dma_wait3A_383 = arith.constant 0 : i32
      %dma_wait3A_384 = arith.constant 0 : i32
      %dma_wait3A_385 = tpu.memref_slice %arg14[%dma_wait3A_382, %dma_wait3A_383, %dma_wait3A_384] : memref<2x32x512xf32, #tpu.memory_space<vmem>> -> memref<1x32x512xf32, #tpu.memory_space<vmem>>
      %dma_wait3A_386 = tpu.memref_squeeze %dma_wait3A_385 : memref<1x32x512xf32, #tpu.memory_space<vmem>> -> memref<32x512xf32, #tpu.memory_space<vmem>>
      %dma_wait3A_387 = arith.constant 0 : i32
      %dma_wait3A_388 = arith.constant 0 : i32
      %dma_wait3A_389 = tpu.memref_slice %arg2[%dma_wait3A_387, %dma_wait3A_388] : memref<10000x512xf32, #tpu.memory_space<hbm>> -> memref<32x512xf32, #tpu.memory_space<hbm>>
      %dma_wait3A_390 = arith.constant 0 : i32
      %dma_wait3A_391 = arith.constant 0 : i32
      %dma_wait3A_392 = tpu.memref_slice %arg14[%dma_wait3A_382, %dma_wait3A_390, %dma_wait3A_391] : memref<2x32x512xf32, #tpu.memory_space<vmem>> -> memref<1x32x512xf32, #tpu.memory_space<vmem>>
      %dma_wait3A_393 = tpu.memref_squeeze %dma_wait3A_392 : memref<1x32x512xf32, #tpu.memory_space<vmem>> -> memref<32x512xf32, #tpu.memory_space<vmem>>
      %dma_wait3A_394 = arith.constant 0 : i32
      %dma_wait3A_395 = arith.constant 0 : i32
      %dma_wait3A_396 = tpu.memref_slice %arg2[%dma_wait3A_394, %dma_wait3A_395] : memref<10000x512xf32, #tpu.memory_space<hbm>> -> memref<32x512xf32, #tpu.memory_space<hbm>>
      tpu.wait_dma2 semaphore(%arg20 : memref<!tpu.dma_semaphore, #tpu.memory_space<semaphore_mem>>) src(%dma_wait3A_396 : memref<32x512xf32, #tpu.memory_space<hbm>>) dst(%dma_wait3A_393 : memref<32x512xf32, #tpu.memory_space<vmem>>)
      %parallel_loop3A_397 = arith.constant 0 : i32
      %parallel_loop3A_398 = arith.constant 32 : i32
      %parallel_loop3A_399 = arith.constant 1 : i32
      scf.for %parallel_loop3A_428 = %parallel_loop3A_397 to %parallel_loop3A_398 step %parallel_loop3A_399  : i32 {
        %parallel_loop3A_429 = arith.constant 4 : i32
        %parallel_loop3A_430 = arith.shrsi %parallel_loop3A_428, %parallel_loop3A_429 : i32
        %parallel_loop3A_431 = arith.constant 16 : i32
        %parallel_loop3A_432 = arith.muli %parallel_loop3A_430, %parallel_loop3A_431 : i32
        %parallel_loop3A_433 = arith.constant 15 : i32
        %parallel_loop3A_434 = arith.andi %parallel_loop3A_428, %parallel_loop3A_433 : i32
        %parallel_loop3A_435 = arith.constant 1 : i32
        %parallel_loop3A_436 = arith.constant 0 : i32
        %parallel_loop3A_437 = arith.index_cast %parallel_loop3A_435 : i32 to index
        %parallel_loop3A_438 = arith.index_cast %parallel_loop3A_436 : i32 to index
        %parallel_loop3A_439 = arith.index_cast %parallel_loop3A_432 : i32 to index
        %parallel_loop3A_440 = tpu.vector_load %arg13[%parallel_loop3A_437, %parallel_loop3A_438, %parallel_loop3A_439] {strides = array<i32>} : memref<2x4x32xf32, #tpu.memory_space<vmem>>, vector<1x1x16xf32>,
        %parallel_loop3A_441 = vector.shape_cast %parallel_loop3A_440 : vector<1x1x16xf32> to vector<16xf32>
        %parallel_loop3A_442 = arith.constant 0 : i32
        %parallel_loop3A_443 = vector.broadcast %parallel_loop3A_442 : i32 to vector<16xi32>
        %parallel_loop3A_444 = vector.broadcast %parallel_loop3A_434 : i32 to vector<16xi32>
        %parallel_loop3A_445 = arith.addi %parallel_loop3A_443, %parallel_loop3A_444 : vector<16xi32>
        %parallel_loop3A_446 = vector.shape_cast %parallel_loop3A_445 : vector<16xi32> to vector<16x1xi32>
        %parallel_loop3A_447 = vector.shape_cast %parallel_loop3A_446 : vector<16x1xi32> to vector<16xi32>
        %parallel_loop3A_448 = tpu.dynamic_gather %parallel_loop3A_441[%parallel_loop3A_447] in [0] : vector<16xf32>, vector<16xi32> -> vector<16xf32>
        %parallel_loop3A_449 = arith.constant 1 : i32
        %parallel_loop3A_450 = arith.constant 1 : i32
        %parallel_loop3A_451 = arith.index_cast %parallel_loop3A_449 : i32 to index
        %parallel_loop3A_452 = arith.index_cast %parallel_loop3A_450 : i32 to index
        %parallel_loop3A_453 = arith.index_cast %parallel_loop3A_432 : i32 to index
        %parallel_loop3A_454 = tpu.vector_load %arg13[%parallel_loop3A_451, %parallel_loop3A_452, %parallel_loop3A_453] {strides = array<i32>} : memref<2x4x32xf32, #tpu.memory_space<vmem>>, vector<1x1x16xf32>,
        %parallel_loop3A_455 = vector.shape_cast %parallel_loop3A_454 : vector<1x1x16xf32> to vector<16xf32>
        %parallel_loop3A_456 = arith.constant 0 : i32
        %parallel_loop3A_457 = vector.broadcast %parallel_loop3A_456 : i32 to vector<16xi32>
        %parallel_loop3A_458 = vector.broadcast %parallel_loop3A_434 : i32 to vector<16xi32>
        %parallel_loop3A_459 = arith.addi %parallel_loop3A_457, %parallel_loop3A_458 : vector<16xi32>
        %parallel_loop3A_460 = vector.shape_cast %parallel_loop3A_459 : vector<16xi32> to vector<16x1xi32>
        %parallel_loop3A_461 = vector.shape_cast %parallel_loop3A_460 : vector<16x1xi32> to vector<16xi32>
        %parallel_loop3A_462 = tpu.dynamic_gather %parallel_loop3A_455[%parallel_loop3A_461] in [0] : vector<16xf32>, vector<16xi32> -> vector<16xf32>
        %parallel_loop3A_463 = arith.constant 1 : i32
        %parallel_loop3A_464 = arith.constant 2 : i32
        %parallel_loop3A_465 = arith.index_cast %parallel_loop3A_463 : i32 to index
        %parallel_loop3A_466 = arith.index_cast %parallel_loop3A_464 : i32 to index
        %parallel_loop3A_467 = arith.index_cast %parallel_loop3A_432 : i32 to index
        %parallel_loop3A_468 = tpu.vector_load %arg13[%parallel_loop3A_465, %parallel_loop3A_466, %parallel_loop3A_467] {strides = array<i32>} : memref<2x4x32xf32, #tpu.memory_space<vmem>>, vector<1x1x16xf32>,
        %parallel_loop3A_469 = vector.shape_cast %parallel_loop3A_468 : vector<1x1x16xf32> to vector<16xf32>
        %parallel_loop3A_470 = arith.constant 0 : i32
        %parallel_loop3A_471 = vector.broadcast %parallel_loop3A_470 : i32 to vector<16xi32>
        %parallel_loop3A_472 = vector.broadcast %parallel_loop3A_434 : i32 to vector<16xi32>
        %parallel_loop3A_473 = arith.addi %parallel_loop3A_471, %parallel_loop3A_472 : vector<16xi32>
        %parallel_loop3A_474 = vector.shape_cast %parallel_loop3A_473 : vector<16xi32> to vector<16x1xi32>
        %parallel_loop3A_475 = vector.shape_cast %parallel_loop3A_474 : vector<16x1xi32> to vector<16xi32>
        %parallel_loop3A_476 = tpu.dynamic_gather %parallel_loop3A_469[%parallel_loop3A_475] in [0] : vector<16xf32>, vector<16xi32> -> vector<16xf32>
        %parallel_loop3A_477 = arith.constant 1 : i32
        %parallel_loop3A_478 = arith.constant 3 : i32
        %parallel_loop3A_479 = arith.index_cast %parallel_loop3A_477 : i32 to index
        %parallel_loop3A_480 = arith.index_cast %parallel_loop3A_478 : i32 to index
        %parallel_loop3A_481 = arith.index_cast %parallel_loop3A_432 : i32 to index
        %parallel_loop3A_482 = tpu.vector_load %arg13[%parallel_loop3A_479, %parallel_loop3A_480, %parallel_loop3A_481] {strides = array<i32>} : memref<2x4x32xf32, #tpu.memory_space<vmem>>, vector<1x1x16xf32>,
        %parallel_loop3A_483 = vector.shape_cast %parallel_loop3A_482 : vector<1x1x16xf32> to vector<16xf32>
        %parallel_loop3A_484 = arith.constant 0 : i32
        %parallel_loop3A_485 = vector.broadcast %parallel_loop3A_484 : i32 to vector<16xi32>
        %parallel_loop3A_486 = vector.broadcast %parallel_loop3A_434 : i32 to vector<16xi32>
        %parallel_loop3A_487 = arith.addi %parallel_loop3A_485, %parallel_loop3A_486 : vector<16xi32>
        %parallel_loop3A_488 = vector.shape_cast %parallel_loop3A_487 : vector<16xi32> to vector<16x1xi32>
        %parallel_loop3A_489 = vector.shape_cast %parallel_loop3A_488 : vector<16x1xi32> to vector<16xi32>
        %parallel_loop3A_490 = tpu.dynamic_gather %parallel_loop3A_483[%parallel_loop3A_489] in [0] : vector<16xf32>, vector<16xi32> -> vector<16xf32>
        %parallel_loop3A_491 = arith.constant 1 : i32
        %parallel_loop3A_492 = arith.index_cast %parallel_loop3A_491 : i32 to index
        %parallel_loop3A_493 = arith.index_cast %parallel_loop3A_428 : i32 to index
        %parallel_loop3A_494 = arith.constant 0 : index
        %parallel_loop3A_495 = tpu.vector_load %arg14[%parallel_loop3A_492, %parallel_loop3A_493, %parallel_loop3A_494] {strides = array<i32>} : memref<2x32x512xf32, #tpu.memory_space<vmem>>, vector<1x1x16xf32>,
        %parallel_loop3A_496 = vector.shape_cast %parallel_loop3A_495 : vector<1x1x16xf32> to vector<16xf32>
        %parallel_loop3A_497 = arith.mulf %parallel_loop3A_496, %parallel_loop3A_448 : vector<16xf32>
        %parallel_loop3A_498 = arith.constant 1 : i32
        %parallel_loop3A_499 = arith.index_cast %parallel_loop3A_498 : i32 to index
        %parallel_loop3A_500 = arith.index_cast %parallel_loop3A_428 : i32 to index
        %parallel_loop3A_501 = arith.constant 128 : index
        %parallel_loop3A_502 = tpu.vector_load %arg14[%parallel_loop3A_499, %parallel_loop3A_500, %parallel_loop3A_501] {strides = array<i32>} : memref<2x32x512xf32, #tpu.memory_space<vmem>>, vector<1x1x16xf32>,
        %parallel_loop3A_503 = vector.shape_cast %parallel_loop3A_502 : vector<1x1x16xf32> to vector<16xf32>
        %parallel_loop3A_504 = arith.mulf %parallel_loop3A_503, %parallel_loop3A_462 : vector<16xf32>
        %parallel_loop3A_505 = arith.addf %parallel_loop3A_497, %parallel_loop3A_504 : vector<16xf32>
        %parallel_loop3A_506 = arith.constant 1 : i32
        %parallel_loop3A_507 = arith.index_cast %parallel_loop3A_506 : i32 to index
        %parallel_loop3A_508 = arith.index_cast %parallel_loop3A_428 : i32 to index
        %parallel_loop3A_509 = arith.constant 256 : index
        %parallel_loop3A_510 = tpu.vector_load %arg14[%parallel_loop3A_507, %parallel_loop3A_508, %parallel_loop3A_509] {strides = array<i32>} : memref<2x32x512xf32, #tpu.memory_space<vmem>>, vector<1x1x16xf32>,
        %parallel_loop3A_511 = vector.shape_cast %parallel_loop3A_510 : vector<1x1x16xf32> to vector<16xf32>
        %parallel_loop3A_512 = arith.mulf %parallel_loop3A_511, %parallel_loop3A_476 : vector<16xf32>
        %parallel_loop3A_513 = arith.addf %parallel_loop3A_505, %parallel_loop3A_512 : vector<16xf32>
        %parallel_loop3A_514 = arith.constant 1 : i32
        %parallel_loop3A_515 = arith.index_cast %parallel_loop3A_514 : i32 to index
        %parallel_loop3A_516 = arith.index_cast %parallel_loop3A_428 : i32 to index
        %parallel_loop3A_517 = arith.constant 384 : index
        %parallel_loop3A_518 = tpu.vector_load %arg14[%parallel_loop3A_515, %parallel_loop3A_516, %parallel_loop3A_517] {strides = array<i32>} : memref<2x32x512xf32, #tpu.memory_space<vmem>>, vector<1x1x16xf32>,
        %parallel_loop3A_519 = vector.shape_cast %parallel_loop3A_518 : vector<1x1x16xf32> to vector<16xf32>
        %parallel_loop3A_520 = arith.mulf %parallel_loop3A_519, %parallel_loop3A_490 : vector<16xf32>
        %parallel_loop3A_521 = arith.addf %parallel_loop3A_513, %parallel_loop3A_520 : vector<16xf32>
        %parallel_loop3A_522 = arith.constant 1 : i32
        %parallel_loop3A_523 = arith.index_cast %parallel_loop3A_522 : i32 to index
        %parallel_loop3A_524 = arith.index_cast %parallel_loop3A_428 : i32 to index
        %parallel_loop3A_525 = arith.constant 0 : index
        %parallel_loop3A_526 = tpu.vector_load %arg15[%parallel_loop3A_523, %parallel_loop3A_524, %parallel_loop3A_525] {strides = array<i32>} : memref<2x32x128xf32, #tpu.memory_space<vmem>>, vector<1x1x16xf32>,
        %parallel_loop3A_527 = vector.shape_cast %parallel_loop3A_526 : vector<1x1x16xf32> to vector<16xf32>
        %parallel_loop3A_528 = vector.shape_cast %parallel_loop3A_521 : vector<16xf32> to vector<1x1x16xf32>
        tpu.vector_store %arg15[%parallel_loop3A_523, %parallel_loop3A_524, %parallel_loop3A_525], %parallel_loop3A_528 {strides = array<i32>} : memref<2x32x128xf32, #tpu.memory_space<vmem>>, vector<1x1x16xf32>,
        %parallel_loop3A_529 = arith.constant 1 : i32
        %parallel_loop3A_530 = arith.index_cast %parallel_loop3A_529 : i32 to index
        %parallel_loop3A_531 = arith.index_cast %parallel_loop3A_428 : i32 to index
        %parallel_loop3A_532 = arith.constant 16 : index
        %parallel_loop3A_533 = tpu.vector_load %arg14[%parallel_loop3A_530, %parallel_loop3A_531, %parallel_loop3A_532] {strides = array<i32>} : memref<2x32x512xf32, #tpu.memory_space<vmem>>, vector<1x1x16xf32>,
        %parallel_loop3A_534 = vector.shape_cast %parallel_loop3A_533 : vector<1x1x16xf32> to vector<16xf32>
        %parallel_loop3A_535 = arith.mulf %parallel_loop3A_534, %parallel_loop3A_448 : vector<16xf32>
        %parallel_loop3A_536 = arith.constant 1 : i32
        %parallel_loop3A_537 = arith.index_cast %parallel_loop3A_536 : i32 to index
        %parallel_loop3A_538 = arith.index_cast %parallel_loop3A_428 : i32 to index
        %parallel_loop3A_539 = arith.constant 144 : index
        %parallel_loop3A_540 = tpu.vector_load %arg14[%parallel_loop3A_537, %parallel_loop3A_538, %parallel_loop3A_539] {strides = array<i32>} : memref<2x32x512xf32, #tpu.memory_space<vmem>>, vector<1x1x16xf32>,
        %parallel_loop3A_541 = vector.shape_cast %parallel_loop3A_540 : vector<1x1x16xf32> to vector<16xf32>
        %parallel_loop3A_542 = arith.mulf %parallel_loop3A_541, %parallel_loop3A_462 : vector<16xf32>
        %parallel_loop3A_543 = arith.addf %parallel_loop3A_535, %parallel_loop3A_542 : vector<16xf32>
        %parallel_loop3A_544 = arith.constant 1 : i32
        %parallel_loop3A_545 = arith.index_cast %parallel_loop3A_544 : i32 to index
        %parallel_loop3A_546 = arith.index_cast %parallel_loop3A_428 : i32 to index
        %parallel_loop3A_547 = arith.constant 272 : index
        %parallel_loop3A_548 = tpu.vector_load %arg14[%parallel_loop3A_545, %parallel_loop3A_546, %parallel_loop3A_547] {strides = array<i32>} : memref<2x32x512xf32, #tpu.memory_space<vmem>>, vector<1x1x16xf32>,
        %parallel_loop3A_549 = vector.shape_cast %parallel_loop3A_548 : vector<1x1x16xf32> to vector<16xf32>
        %parallel_loop3A_550 = arith.mulf %parallel_loop3A_549, %parallel_loop3A_476 : vector<16xf32>
        %parallel_loop3A_551 = arith.addf %parallel_loop3A_543, %parallel_loop3A_550 : vector<16xf32>
        %parallel_loop3A_552 = arith.constant 1 : i32
        %parallel_loop3A_553 = arith.index_cast %parallel_loop3A_552 : i32 to index
        %parallel_loop3A_554 = arith.index_cast %parallel_loop3A_428 : i32 to index
        %parallel_loop3A_555 = arith.constant 400 : index
        %parallel_loop3A_556 = tpu.vector_load %arg14[%parallel_loop3A_553, %parallel_loop3A_554, %parallel_loop3A_555] {strides = array<i32>} : memref<2x32x512xf32, #tpu.memory_space<vmem>>, vector<1x1x16xf32>,
        %parallel_loop3A_557 = vector.shape_cast %parallel_loop3A_556 : vector<1x1x16xf32> to vector<16xf32>
        %parallel_loop3A_558 = arith.mulf %parallel_loop3A_557, %parallel_loop3A_490 : vector<16xf32>
        %parallel_loop3A_559 = arith.addf %parallel_loop3A_551, %parallel_loop3A_558 : vector<16xf32>
        %parallel_loop3A_560 = arith.constant 1 : i32
        %parallel_loop3A_561 = arith.index_cast %parallel_loop3A_560 : i32 to index
        %parallel_loop3A_562 = arith.index_cast %parallel_loop3A_428 : i32 to index
        %parallel_loop3A_563 = arith.constant 16 : index
        %parallel_loop3A_564 = tpu.vector_load %arg15[%parallel_loop3A_561, %parallel_loop3A_562, %parallel_loop3A_563] {strides = array<i32>} : memref<2x32x128xf32, #tpu.memory_space<vmem>>, vector<1x1x16xf32>,
        %parallel_loop3A_565 = vector.shape_cast %parallel_loop3A_564 : vector<1x1x16xf32> to vector<16xf32>
        %parallel_loop3A_566 = vector.shape_cast %parallel_loop3A_559 : vector<16xf32> to vector<1x1x16xf32>
        tpu.vector_store %arg15[%parallel_loop3A_561, %parallel_loop3A_562, %parallel_loop3A_563], %parallel_loop3A_566 {strides = array<i32>} : memref<2x32x128xf32, #tpu.memory_space<vmem>>, vector<1x1x16xf32>,
        %parallel_loop3A_567 = arith.constant 1 : i32
        %parallel_loop3A_568 = arith.index_cast %parallel_loop3A_567 : i32 to index
        %parallel_loop3A_569 = arith.index_cast %parallel_loop3A_428 : i32 to index
        %parallel_loop3A_570 = arith.constant 32 : index
        %parallel_loop3A_571 = tpu.vector_load %arg14[%parallel_loop3A_568, %parallel_loop3A_569, %parallel_loop3A_570] {strides = array<i32>} : memref<2x32x512xf32, #tpu.memory_space<vmem>>, vector<1x1x16xf32>,
        %parallel_loop3A_572 = vector.shape_cast %parallel_loop3A_571 : vector<1x1x16xf32> to vector<16xf32>
        %parallel_loop3A_573 = arith.mulf %parallel_loop3A_572, %parallel_loop3A_448 : vector<16xf32>
        %parallel_loop3A_574 = arith.constant 1 : i32
        %parallel_loop3A_575 = arith.index_cast %parallel_loop3A_574 : i32 to index
        %parallel_loop3A_576 = arith.index_cast %parallel_loop3A_428 : i32 to index
        %parallel_loop3A_577 = arith.constant 160 : index
        %parallel_loop3A_578 = tpu.vector_load %arg14[%parallel_loop3A_575, %parallel_loop3A_576, %parallel_loop3A_577] {strides = array<i32>} : memref<2x32x512xf32, #tpu.memory_space<vmem>>, vector<1x1x16xf32>,
        %parallel_loop3A_579 = vector.shape_cast %parallel_loop3A_578 : vector<1x1x16xf32> to vector<16xf32>
        %parallel_loop3A_580 = arith.mulf %parallel_loop3A_579, %parallel_loop3A_462 : vector<16xf32>
        %parallel_loop3A_581 = arith.addf %parallel_loop3A_573, %parallel_loop3A_580 : vector<16xf32>
        %parallel_loop3A_582 = arith.constant 1 : i32
        %parallel_loop3A_583 = arith.index_cast %parallel_loop3A_582 : i32 to index
        %parallel_loop3A_584 = arith.index_cast %parallel_loop3A_428 : i32 to index
        %parallel_loop3A_585 = arith.constant 288 : index
        %parallel_loop3A_586 = tpu.vector_load %arg14[%parallel_loop3A_583, %parallel_loop3A_584, %parallel_loop3A_585] {strides = array<i32>} : memref<2x32x512xf32, #tpu.memory_space<vmem>>, vector<1x1x16xf32>,
        %parallel_loop3A_587 = vector.shape_cast %parallel_loop3A_586 : vector<1x1x16xf32> to vector<16xf32>
        %parallel_loop3A_588 = arith.mulf %parallel_loop3A_587, %parallel_loop3A_476 : vector<16xf32>
        %parallel_loop3A_589 = arith.addf %parallel_loop3A_581, %parallel_loop3A_588 : vector<16xf32>
        %parallel_loop3A_590 = arith.constant 1 : i32
        %parallel_loop3A_591 = arith.index_cast %parallel_loop3A_590 : i32 to index
        %parallel_loop3A_592 = arith.index_cast %parallel_loop3A_428 : i32 to index
        %parallel_loop3A_593 = arith.constant 416 : index
        %parallel_loop3A_594 = tpu.vector_load %arg14[%parallel_loop3A_591, %parallel_loop3A_592, %parallel_loop3A_593] {strides = array<i32>} : memref<2x32x512xf32, #tpu.memory_space<vmem>>, vector<1x1x16xf32>,
        %parallel_loop3A_595 = vector.shape_cast %parallel_loop3A_594 : vector<1x1x16xf32> to vector<16xf32>
        %parallel_loop3A_596 = arith.mulf %parallel_loop3A_595, %parallel_loop3A_490 : vector<16xf32>
        %parallel_loop3A_597 = arith.addf %parallel_loop3A_589, %parallel_loop3A_596 : vector<16xf32>
        %parallel_loop3A_598 = arith.constant 1 : i32
        %parallel_loop3A_599 = arith.index_cast %parallel_loop3A_598 : i32 to index
        %parallel_loop3A_600 = arith.index_cast %parallel_loop3A_428 : i32 to index
        %parallel_loop3A_601 = arith.constant 32 : index
        %parallel_loop3A_602 = tpu.vector_load %arg15[%parallel_loop3A_599, %parallel_loop3A_600, %parallel_loop3A_601] {strides = array<i32>} : memref<2x32x128xf32, #tpu.memory_space<vmem>>, vector<1x1x16xf32>,
        %parallel_loop3A_603 = vector.shape_cast %parallel_loop3A_602 : vector<1x1x16xf32> to vector<16xf32>
        %parallel_loop3A_604 = vector.shape_cast %parallel_loop3A_597 : vector<16xf32> to vector<1x1x16xf32>
        tpu.vector_store %arg15[%parallel_loop3A_599, %parallel_loop3A_600, %parallel_loop3A_601], %parallel_loop3A_604 {strides = array<i32>} : memref<2x32x128xf32, #tpu.memory_space<vmem>>, vector<1x1x16xf32>,
        %parallel_loop3A_605 = arith.constant 1 : i32
        %parallel_loop3A_606 = arith.index_cast %parallel_loop3A_605 : i32 to index
        %parallel_loop3A_607 = arith.index_cast %parallel_loop3A_428 : i32 to index
        %parallel_loop3A_608 = arith.constant 48 : index
        %parallel_loop3A_609 = tpu.vector_load %arg14[%parallel_loop3A_606, %parallel_loop3A_607, %parallel_loop3A_608] {strides = array<i32>} : memref<2x32x512xf32, #tpu.memory_space<vmem>>, vector<1x1x16xf32>,
        %parallel_loop3A_610 = vector.shape_cast %parallel_loop3A_609 : vector<1x1x16xf32> to vector<16xf32>
        %parallel_loop3A_611 = arith.mulf %parallel_loop3A_610, %parallel_loop3A_448 : vector<16xf32>
        %parallel_loop3A_612 = arith.constant 1 : i32
        %parallel_loop3A_613 = arith.index_cast %parallel_loop3A_612 : i32 to index
        %parallel_loop3A_614 = arith.index_cast %parallel_loop3A_428 : i32 to index
        %parallel_loop3A_615 = arith.constant 176 : index
        %parallel_loop3A_616 = tpu.vector_load %arg14[%parallel_loop3A_613, %parallel_loop3A_614, %parallel_loop3A_615] {strides = array<i32>} : memref<2x32x512xf32, #tpu.memory_space<vmem>>, vector<1x1x16xf32>,
        %parallel_loop3A_617 = vector.shape_cast %parallel_loop3A_616 : vector<1x1x16xf32> to vector<16xf32>
        %parallel_loop3A_618 = arith.mulf %parallel_loop3A_617, %parallel_loop3A_462 : vector<16xf32>
        %parallel_loop3A_619 = arith.addf %parallel_loop3A_611, %parallel_loop3A_618 : vector<16xf32>
        %parallel_loop3A_620 = arith.constant 1 : i32
        %parallel_loop3A_621 = arith.index_cast %parallel_loop3A_620 : i32 to index
        %parallel_loop3A_622 = arith.index_cast %parallel_loop3A_428 : i32 to index
        %parallel_loop3A_623 = arith.constant 304 : index
        %parallel_loop3A_624 = tpu.vector_load %arg14[%parallel_loop3A_621, %parallel_loop3A_622, %parallel_loop3A_623] {strides = array<i32>} : memref<2x32x512xf32, #tpu.memory_space<vmem>>, vector<1x1x16xf32>,
        %parallel_loop3A_625 = vector.shape_cast %parallel_loop3A_624 : vector<1x1x16xf32> to vector<16xf32>
        %parallel_loop3A_626 = arith.mulf %parallel_loop3A_625, %parallel_loop3A_476 : vector<16xf32>
        %parallel_loop3A_627 = arith.addf %parallel_loop3A_619, %parallel_loop3A_626 : vector<16xf32>
        %parallel_loop3A_628 = arith.constant 1 : i32
        %parallel_loop3A_629 = arith.index_cast %parallel_loop3A_628 : i32 to index
        %parallel_loop3A_630 = arith.index_cast %parallel_loop3A_428 : i32 to index
        %parallel_loop3A_631 = arith.constant 432 : index
        %parallel_loop3A_632 = tpu.vector_load %arg14[%parallel_loop3A_629, %parallel_loop3A_630, %parallel_loop3A_631] {strides = array<i32>} : memref<2x32x512xf32, #tpu.memory_space<vmem>>, vector<1x1x16xf32>,
        %parallel_loop3A_633 = vector.shape_cast %parallel_loop3A_632 : vector<1x1x16xf32> to vector<16xf32>
        %parallel_loop3A_634 = arith.mulf %parallel_loop3A_633, %parallel_loop3A_490 : vector<16xf32>
        %parallel_loop3A_635 = arith.addf %parallel_loop3A_627, %parallel_loop3A_634 : vector<16xf32>
        %parallel_loop3A_636 = arith.constant 1 : i32
        %parallel_loop3A_637 = arith.index_cast %parallel_loop3A_636 : i32 to index
        %parallel_loop3A_638 = arith.index_cast %parallel_loop3A_428 : i32 to index
        %parallel_loop3A_639 = arith.constant 48 : index
        %parallel_loop3A_640 = tpu.vector_load %arg15[%parallel_loop3A_637, %parallel_loop3A_638, %parallel_loop3A_639] {strides = array<i32>} : memref<2x32x128xf32, #tpu.memory_space<vmem>>, vector<1x1x16xf32>,
        %parallel_loop3A_641 = vector.shape_cast %parallel_loop3A_640 : vector<1x1x16xf32> to vector<16xf32>
        %parallel_loop3A_642 = vector.shape_cast %parallel_loop3A_635 : vector<16xf32> to vector<1x1x16xf32>
        tpu.vector_store %arg15[%parallel_loop3A_637, %parallel_loop3A_638, %parallel_loop3A_639], %parallel_loop3A_642 {strides = array<i32>} : memref<2x32x128xf32, #tpu.memory_space<vmem>>, vector<1x1x16xf32>,
        %parallel_loop3A_643 = arith.constant 1 : i32
        %parallel_loop3A_644 = arith.index_cast %parallel_loop3A_643 : i32 to index
        %parallel_loop3A_645 = arith.index_cast %parallel_loop3A_428 : i32 to index
        %parallel_loop3A_646 = arith.constant 64 : index
        %parallel_loop3A_647 = tpu.vector_load %arg14[%parallel_loop3A_644, %parallel_loop3A_645, %parallel_loop3A_646] {strides = array<i32>} : memref<2x32x512xf32, #tpu.memory_space<vmem>>, vector<1x1x16xf32>,
        %parallel_loop3A_648 = vector.shape_cast %parallel_loop3A_647 : vector<1x1x16xf32> to vector<16xf32>
        %parallel_loop3A_649 = arith.mulf %parallel_loop3A_648, %parallel_loop3A_448 : vector<16xf32>
        %parallel_loop3A_650 = arith.constant 1 : i32
        %parallel_loop3A_651 = arith.index_cast %parallel_loop3A_650 : i32 to index
        %parallel_loop3A_652 = arith.index_cast %parallel_loop3A_428 : i32 to index
        %parallel_loop3A_653 = arith.constant 192 : index
        %parallel_loop3A_654 = tpu.vector_load %arg14[%parallel_loop3A_651, %parallel_loop3A_652, %parallel_loop3A_653] {strides = array<i32>} : memref<2x32x512xf32, #tpu.memory_space<vmem>>, vector<1x1x16xf32>,
        %parallel_loop3A_655 = vector.shape_cast %parallel_loop3A_654 : vector<1x1x16xf32> to vector<16xf32>
        %parallel_loop3A_656 = arith.mulf %parallel_loop3A_655, %parallel_loop3A_462 : vector<16xf32>
        %parallel_loop3A_657 = arith.addf %parallel_loop3A_649, %parallel_loop3A_656 : vector<16xf32>
        %parallel_loop3A_658 = arith.constant 1 : i32
        %parallel_loop3A_659 = arith.index_cast %parallel_loop3A_658 : i32 to index
        %parallel_loop3A_660 = arith.index_cast %parallel_loop3A_428 : i32 to index
        %parallel_loop3A_661 = arith.constant 320 : index
        %parallel_loop3A_662 = tpu.vector_load %arg14[%parallel_loop3A_659, %parallel_loop3A_660, %parallel_loop3A_661] {strides = array<i32>} : memref<2x32x512xf32, #tpu.memory_space<vmem>>, vector<1x1x16xf32>,
        %parallel_loop3A_663 = vector.shape_cast %parallel_loop3A_662 : vector<1x1x16xf32> to vector<16xf32>
        %parallel_loop3A_664 = arith.mulf %parallel_loop3A_663, %parallel_loop3A_476 : vector<16xf32>
        %parallel_loop3A_665 = arith.addf %parallel_loop3A_657, %parallel_loop3A_664 : vector<16xf32>
        %parallel_loop3A_666 = arith.constant 1 : i32
        %parallel_loop3A_667 = arith.index_cast %parallel_loop3A_666 : i32 to index
        %parallel_loop3A_668 = arith.index_cast %parallel_loop3A_428 : i32 to index
        %parallel_loop3A_669 = arith.constant 448 : index
        %parallel_loop3A_670 = tpu.vector_load %arg14[%parallel_loop3A_667, %parallel_loop3A_668, %parallel_loop3A_669] {strides = array<i32>} : memref<2x32x512xf32, #tpu.memory_space<vmem>>, vector<1x1x16xf32>,
        %parallel_loop3A_671 = vector.shape_cast %parallel_loop3A_670 : vector<1x1x16xf32> to vector<16xf32>
        %parallel_loop3A_672 = arith.mulf %parallel_loop3A_671, %parallel_loop3A_490 : vector<16xf32>
        %parallel_loop3A_673 = arith.addf %parallel_loop3A_665, %parallel_loop3A_672 : vector<16xf32>
        %parallel_loop3A_674 = arith.constant 1 : i32
        %parallel_loop3A_675 = arith.index_cast %parallel_loop3A_674 : i32 to index
        %parallel_loop3A_676 = arith.index_cast %parallel_loop3A_428 : i32 to index
        %parallel_loop3A_677 = arith.constant 64 : index
        %parallel_loop3A_678 = tpu.vector_load %arg15[%parallel_loop3A_675, %parallel_loop3A_676, %parallel_loop3A_677] {strides = array<i32>} : memref<2x32x128xf32, #tpu.memory_space<vmem>>, vector<1x1x16xf32>,
        %parallel_loop3A_679 = vector.shape_cast %parallel_loop3A_678 : vector<1x1x16xf32> to vector<16xf32>
        %parallel_loop3A_680 = vector.shape_cast %parallel_loop3A_673 : vector<16xf32> to vector<1x1x16xf32>
        tpu.vector_store %arg15[%parallel_loop3A_675, %parallel_loop3A_676, %parallel_loop3A_677], %parallel_loop3A_680 {strides = array<i32>} : memref<2x32x128xf32, #tpu.memory_space<vmem>>, vector<1x1x16xf32>,
        %parallel_loop3A_681 = arith.constant 1 : i32
        %parallel_loop3A_682 = arith.index_cast %parallel_loop3A_681 : i32 to index
        %parallel_loop3A_683 = arith.index_cast %parallel_loop3A_428 : i32 to index
        %parallel_loop3A_684 = arith.constant 80 : index
        %parallel_loop3A_685 = tpu.vector_load %arg14[%parallel_loop3A_682, %parallel_loop3A_683, %parallel_loop3A_684] {strides = array<i32>} : memref<2x32x512xf32, #tpu.memory_space<vmem>>, vector<1x1x16xf32>,
        %parallel_loop3A_686 = vector.shape_cast %parallel_loop3A_685 : vector<1x1x16xf32> to vector<16xf32>
        %parallel_loop3A_687 = arith.mulf %parallel_loop3A_686, %parallel_loop3A_448 : vector<16xf32>
        %parallel_loop3A_688 = arith.constant 1 : i32
        %parallel_loop3A_689 = arith.index_cast %parallel_loop3A_688 : i32 to index
        %parallel_loop3A_690 = arith.index_cast %parallel_loop3A_428 : i32 to index
        %parallel_loop3A_691 = arith.constant 208 : index
        %parallel_loop3A_692 = tpu.vector_load %arg14[%parallel_loop3A_689, %parallel_loop3A_690, %parallel_loop3A_691] {strides = array<i32>} : memref<2x32x512xf32, #tpu.memory_space<vmem>>, vector<1x1x16xf32>,
        %parallel_loop3A_693 = vector.shape_cast %parallel_loop3A_692 : vector<1x1x16xf32> to vector<16xf32>
        %parallel_loop3A_694 = arith.mulf %parallel_loop3A_693, %parallel_loop3A_462 : vector<16xf32>
        %parallel_loop3A_695 = arith.addf %parallel_loop3A_687, %parallel_loop3A_694 : vector<16xf32>
        %parallel_loop3A_696 = arith.constant 1 : i32
        %parallel_loop3A_697 = arith.index_cast %parallel_loop3A_696 : i32 to index
        %parallel_loop3A_698 = arith.index_cast %parallel_loop3A_428 : i32 to index
        %parallel_loop3A_699 = arith.constant 336 : index
        %parallel_loop3A_700 = tpu.vector_load %arg14[%parallel_loop3A_697, %parallel_loop3A_698, %parallel_loop3A_699] {strides = array<i32>} : memref<2x32x512xf32, #tpu.memory_space<vmem>>, vector<1x1x16xf32>,
        %parallel_loop3A_701 = vector.shape_cast %parallel_loop3A_700 : vector<1x1x16xf32> to vector<16xf32>
        %parallel_loop3A_702 = arith.mulf %parallel_loop3A_701, %parallel_loop3A_476 : vector<16xf32>
        %parallel_loop3A_703 = arith.addf %parallel_loop3A_695, %parallel_loop3A_702 : vector<16xf32>
        %parallel_loop3A_704 = arith.constant 1 : i32
        %parallel_loop3A_705 = arith.index_cast %parallel_loop3A_704 : i32 to index
        %parallel_loop3A_706 = arith.index_cast %parallel_loop3A_428 : i32 to index
        %parallel_loop3A_707 = arith.constant 464 : index
        %parallel_loop3A_708 = tpu.vector_load %arg14[%parallel_loop3A_705, %parallel_loop3A_706, %parallel_loop3A_707] {strides = array<i32>} : memref<2x32x512xf32, #tpu.memory_space<vmem>>, vector<1x1x16xf32>,
        %parallel_loop3A_709 = vector.shape_cast %parallel_loop3A_708 : vector<1x1x16xf32> to vector<16xf32>
        %parallel_loop3A_710 = arith.mulf %parallel_loop3A_709, %parallel_loop3A_490 : vector<16xf32>
        %parallel_loop3A_711 = arith.addf %parallel_loop3A_703, %parallel_loop3A_710 : vector<16xf32>
        %parallel_loop3A_712 = arith.constant 1 : i32
        %parallel_loop3A_713 = arith.index_cast %parallel_loop3A_712 : i32 to index
        %parallel_loop3A_714 = arith.index_cast %parallel_loop3A_428 : i32 to index
        %parallel_loop3A_715 = arith.constant 80 : index
        %parallel_loop3A_716 = tpu.vector_load %arg15[%parallel_loop3A_713, %parallel_loop3A_714, %parallel_loop3A_715] {strides = array<i32>} : memref<2x32x128xf32, #tpu.memory_space<vmem>>, vector<1x1x16xf32>,
        %parallel_loop3A_717 = vector.shape_cast %parallel_loop3A_716 : vector<1x1x16xf32> to vector<16xf32>
        %parallel_loop3A_718 = vector.shape_cast %parallel_loop3A_711 : vector<16xf32> to vector<1x1x16xf32>
        tpu.vector_store %arg15[%parallel_loop3A_713, %parallel_loop3A_714, %parallel_loop3A_715], %parallel_loop3A_718 {strides = array<i32>} : memref<2x32x128xf32, #tpu.memory_space<vmem>>, vector<1x1x16xf32>,
        %parallel_loop3A_719 = arith.constant 1 : i32
        %parallel_loop3A_720 = arith.index_cast %parallel_loop3A_719 : i32 to index
        %parallel_loop3A_721 = arith.index_cast %parallel_loop3A_428 : i32 to index
        %parallel_loop3A_722 = arith.constant 96 : index
        %parallel_loop3A_723 = tpu.vector_load %arg14[%parallel_loop3A_720, %parallel_loop3A_721, %parallel_loop3A_722] {strides = array<i32>} : memref<2x32x512xf32, #tpu.memory_space<vmem>>, vector<1x1x16xf32>,
        %parallel_loop3A_724 = vector.shape_cast %parallel_loop3A_723 : vector<1x1x16xf32> to vector<16xf32>
        %parallel_loop3A_725 = arith.mulf %parallel_loop3A_724, %parallel_loop3A_448 : vector<16xf32>
        %parallel_loop3A_726 = arith.constant 1 : i32
        %parallel_loop3A_727 = arith.index_cast %parallel_loop3A_726 : i32 to index
        %parallel_loop3A_728 = arith.index_cast %parallel_loop3A_428 : i32 to index
        %parallel_loop3A_729 = arith.constant 224 : index
        %parallel_loop3A_730 = tpu.vector_load %arg14[%parallel_loop3A_727, %parallel_loop3A_728, %parallel_loop3A_729] {strides = array<i32>} : memref<2x32x512xf32, #tpu.memory_space<vmem>>, vector<1x1x16xf32>,
        %parallel_loop3A_731 = vector.shape_cast %parallel_loop3A_730 : vector<1x1x16xf32> to vector<16xf32>
        %parallel_loop3A_732 = arith.mulf %parallel_loop3A_731, %parallel_loop3A_462 : vector<16xf32>
        %parallel_loop3A_733 = arith.addf %parallel_loop3A_725, %parallel_loop3A_732 : vector<16xf32>
        %parallel_loop3A_734 = arith.constant 1 : i32
        %parallel_loop3A_735 = arith.index_cast %parallel_loop3A_734 : i32 to index
        %parallel_loop3A_736 = arith.index_cast %parallel_loop3A_428 : i32 to index
        %parallel_loop3A_737 = arith.constant 352 : index
        %parallel_loop3A_738 = tpu.vector_load %arg14[%parallel_loop3A_735, %parallel_loop3A_736, %parallel_loop3A_737] {strides = array<i32>} : memref<2x32x512xf32, #tpu.memory_space<vmem>>, vector<1x1x16xf32>,
        %parallel_loop3A_739 = vector.shape_cast %parallel_loop3A_738 : vector<1x1x16xf32> to vector<16xf32>
        %parallel_loop3A_740 = arith.mulf %parallel_loop3A_739, %parallel_loop3A_476 : vector<16xf32>
        %parallel_loop3A_741 = arith.addf %parallel_loop3A_733, %parallel_loop3A_740 : vector<16xf32>
        %parallel_loop3A_742 = arith.constant 1 : i32
        %parallel_loop3A_743 = arith.index_cast %parallel_loop3A_742 : i32 to index
        %parallel_loop3A_744 = arith.index_cast %parallel_loop3A_428 : i32 to index
        %parallel_loop3A_745 = arith.constant 480 : index
        %parallel_loop3A_746 = tpu.vector_load %arg14[%parallel_loop3A_743, %parallel_loop3A_744, %parallel_loop3A_745] {strides = array<i32>} : memref<2x32x512xf32, #tpu.memory_space<vmem>>, vector<1x1x16xf32>,
        %parallel_loop3A_747 = vector.shape_cast %parallel_loop3A_746 : vector<1x1x16xf32> to vector<16xf32>
        %parallel_loop3A_748 = arith.mulf %parallel_loop3A_747, %parallel_loop3A_490 : vector<16xf32>
        %parallel_loop3A_749 = arith.addf %parallel_loop3A_741, %parallel_loop3A_748 : vector<16xf32>
        %parallel_loop3A_750 = arith.constant 1 : i32
        %parallel_loop3A_751 = arith.index_cast %parallel_loop3A_750 : i32 to index
        %parallel_loop3A_752 = arith.index_cast %parallel_loop3A_428 : i32 to index
        %parallel_loop3A_753 = arith.constant 96 : index
        %parallel_loop3A_754 = tpu.vector_load %arg15[%parallel_loop3A_751, %parallel_loop3A_752, %parallel_loop3A_753] {strides = array<i32>} : memref<2x32x128xf32, #tpu.memory_space<vmem>>, vector<1x1x16xf32>,
        %parallel_loop3A_755 = vector.shape_cast %parallel_loop3A_754 : vector<1x1x16xf32> to vector<16xf32>
        %parallel_loop3A_756 = vector.shape_cast %parallel_loop3A_749 : vector<16xf32> to vector<1x1x16xf32>
        tpu.vector_store %arg15[%parallel_loop3A_751, %parallel_loop3A_752, %parallel_loop3A_753], %parallel_loop3A_756 {strides = array<i32>} : memref<2x32x128xf32, #tpu.memory_space<vmem>>, vector<1x1x16xf32>,
        %parallel_loop3A_757 = arith.constant 1 : i32
        %parallel_loop3A_758 = arith.index_cast %parallel_loop3A_757 : i32 to index
        %parallel_loop3A_759 = arith.index_cast %parallel_loop3A_428 : i32 to index
        %parallel_loop3A_760 = arith.constant 112 : index
        %parallel_loop3A_761 = tpu.vector_load %arg14[%parallel_loop3A_758, %parallel_loop3A_759, %parallel_loop3A_760] {strides = array<i32>} : memref<2x32x512xf32, #tpu.memory_space<vmem>>, vector<1x1x16xf32>,
        %parallel_loop3A_762 = vector.shape_cast %parallel_loop3A_761 : vector<1x1x16xf32> to vector<16xf32>
        %parallel_loop3A_763 = arith.mulf %parallel_loop3A_762, %parallel_loop3A_448 : vector<16xf32>
        %parallel_loop3A_764 = arith.constant 1 : i32
        %parallel_loop3A_765 = arith.index_cast %parallel_loop3A_764 : i32 to index
        %parallel_loop3A_766 = arith.index_cast %parallel_loop3A_428 : i32 to index
        %parallel_loop3A_767 = arith.constant 240 : index
        %parallel_loop3A_768 = tpu.vector_load %arg14[%parallel_loop3A_765, %parallel_loop3A_766, %parallel_loop3A_767] {strides = array<i32>} : memref<2x32x512xf32, #tpu.memory_space<vmem>>, vector<1x1x16xf32>,
        %parallel_loop3A_769 = vector.shape_cast %parallel_loop3A_768 : vector<1x1x16xf32> to vector<16xf32>
        %parallel_loop3A_770 = arith.mulf %parallel_loop3A_769, %parallel_loop3A_462 : vector<16xf32>
        %parallel_loop3A_771 = arith.addf %parallel_loop3A_763, %parallel_loop3A_770 : vector<16xf32>
        %parallel_loop3A_772 = arith.constant 1 : i32
        %parallel_loop3A_773 = arith.index_cast %parallel_loop3A_772 : i32 to index
        %parallel_loop3A_774 = arith.index_cast %parallel_loop3A_428 : i32 to index
        %parallel_loop3A_775 = arith.constant 368 : index
        %parallel_loop3A_776 = tpu.vector_load %arg14[%parallel_loop3A_773, %parallel_loop3A_774, %parallel_loop3A_775] {strides = array<i32>} : memref<2x32x512xf32, #tpu.memory_space<vmem>>, vector<1x1x16xf32>,
        %parallel_loop3A_777 = vector.shape_cast %parallel_loop3A_776 : vector<1x1x16xf32> to vector<16xf32>
        %parallel_loop3A_778 = arith.mulf %parallel_loop3A_777, %parallel_loop3A_476 : vector<16xf32>
        %parallel_loop3A_779 = arith.addf %parallel_loop3A_771, %parallel_loop3A_778 : vector<16xf32>
        %parallel_loop3A_780 = arith.constant 1 : i32
        %parallel_loop3A_781 = arith.index_cast %parallel_loop3A_780 : i32 to index
        %parallel_loop3A_782 = arith.index_cast %parallel_loop3A_428 : i32 to index
        %parallel_loop3A_783 = arith.constant 496 : index
        %parallel_loop3A_784 = tpu.vector_load %arg14[%parallel_loop3A_781, %parallel_loop3A_782, %parallel_loop3A_783] {strides = array<i32>} : memref<2x32x512xf32, #tpu.memory_space<vmem>>, vector<1x1x16xf32>,
        %parallel_loop3A_785 = vector.shape_cast %parallel_loop3A_784 : vector<1x1x16xf32> to vector<16xf32>
        %parallel_loop3A_786 = arith.mulf %parallel_loop3A_785, %parallel_loop3A_490 : vector<16xf32>
        %parallel_loop3A_787 = arith.addf %parallel_loop3A_779, %parallel_loop3A_786 : vector<16xf32>
        %parallel_loop3A_788 = arith.constant 1 : i32
        %parallel_loop3A_789 = arith.index_cast %parallel_loop3A_788 : i32 to index
        %parallel_loop3A_790 = arith.index_cast %parallel_loop3A_428 : i32 to index
        %parallel_loop3A_791 = arith.constant 112 : index
        %parallel_loop3A_792 = tpu.vector_load %arg15[%parallel_loop3A_789, %parallel_loop3A_790, %parallel_loop3A_791] {strides = array<i32>} : memref<2x32x128xf32, #tpu.memory_space<vmem>>, vector<1x1x16xf32>,
        %parallel_loop3A_793 = vector.shape_cast %parallel_loop3A_792 : vector<1x1x16xf32> to vector<16xf32>
        %parallel_loop3A_794 = vector.shape_cast %parallel_loop3A_787 : vector<16xf32> to vector<1x1x16xf32>
        tpu.vector_store %arg15[%parallel_loop3A_789, %parallel_loop3A_790, %parallel_loop3A_791], %parallel_loop3A_794 {strides = array<i32>} : memref<2x32x128xf32, #tpu.memory_space<vmem>>, vector<1x1x16xf32>,
      } {sc.loop_unroll_factor = 8 : i64, sc.parallel_access}
      %dma_wait3A_400 = arith.constant 1 : i32
      %dma_wait3A_401 = arith.constant 0 : i32
      %dma_wait3A_402 = tpu.memref_slice %arg12[%dma_wait3A_400, %dma_wait3A_401] : memref<2x32xi32, #tpu.memory_space<vmem>> -> memref<1x32xi32, #tpu.memory_space<vmem>>
      %dma_wait3A_403 = tpu.memref_squeeze %dma_wait3A_402 : memref<1x32xi32, #tpu.memory_space<vmem>> -> memref<32xi32, #tpu.memory_space<vmem>>
      %dma_wait3A_404 = arith.constant 0 : i32
      %dma_wait3A_405 = tpu.memref_slice %arg4[%dma_wait3A_404] : memref<327680xi32, #tpu.memory_space<hbm>> -> memref<32xi32, #tpu.memory_space<hbm>>
      %dma_wait3A_406 = arith.constant 0 : i32
      %dma_wait3A_407 = tpu.memref_slice %arg12[%dma_wait3A_400, %dma_wait3A_406] : memref<2x32xi32, #tpu.memory_space<vmem>> -> memref<1x32xi32, #tpu.memory_space<vmem>>
      %dma_wait3A_408 = tpu.memref_squeeze %dma_wait3A_407 : memref<1x32xi32, #tpu.memory_space<vmem>> -> memref<32xi32, #tpu.memory_space<vmem>>
      %dma_wait3A_409 = arith.constant 0 : i32
      %dma_wait3A_410 = tpu.memref_slice %arg4[%dma_wait3A_409] : memref<327680xi32, #tpu.memory_space<hbm>> -> memref<32xi32, #tpu.memory_space<hbm>>
      tpu.wait_dma2 semaphore(%arg22 : memref<!tpu.dma_semaphore, #tpu.memory_space<semaphore_mem>>) src(%dma_wait3A_410 : memref<32xi32, #tpu.memory_space<hbm>>) dst(%dma_wait3A_408 : memref<32xi32, #tpu.memory_space<vmem>>)
      %dma_start3A_411 = arith.constant 1 : i32
      %dma_start3A_412 = arith.constant 1 : i32
      %dma_start3A_413 = arith.constant 0 : i32
      %dma_start3A_414 = arith.constant 0 : i32
      %dma_start3A_415 = tpu.memref_slice %arg15[%dma_start3A_411, %dma_start3A_413, %dma_start3A_414] : memref<2x32x128xf32, #tpu.memory_space<vmem>> -> memref<1x32x128xf32, #tpu.memory_space<vmem>>
      %dma_start3A_416 = tpu.memref_squeeze %dma_start3A_415 : memref<1x32x128xf32, #tpu.memory_space<vmem>> -> memref<32x128xf32, #tpu.memory_space<vmem>>
      %dma_start3A_417 = arith.constant 0 : i32
      %dma_start3A_418 = tpu.memref_slice %arg12[%dma_start3A_412, %dma_start3A_417] : memref<2x32xi32, #tpu.memory_space<vmem>> -> memref<1x32xi32, #tpu.memory_space<vmem>>
      %dma_start3A_419 = tpu.memref_squeeze %dma_start3A_418 : memref<1x32xi32, #tpu.memory_space<vmem>> -> memref<32xi32, #tpu.memory_space<vmem>>
      %dma_start3A_420 = arith.constant 0 : i32
      %dma_start3A_421 = arith.constant 0 : i32
      %dma_start3A_422 = tpu.memref_slice %arg16[%dma_start3A_420, %dma_start3A_421] : memref<10000x128xf32, #tpu.memory_space<vmem_shared>> -> memref<10000x128xf32, #tpu.memory_space<vmem_shared>>
      tpu.enqueue_indirect_dma source(%dma_start3A_416 : memref<32x128xf32, #tpu.memory_space<vmem>>) target(%dma_start3A_422 : memref<10000x128xf32, #tpu.memory_space<vmem_shared>>) offsets(%dma_start3A_419 : memref<32xi32, #tpu.memory_space<vmem>>) semaphore(%arg24 : memref<!tpu.dma_semaphore, #tpu.memory_space<semaphore_mem>>) {add = true}
      %not3A_423 = arith.constant true
      %not3A_424 = arith.xori %ge3A_225, %not3A_423 : i1
      %convert_element_type3A_425 = arith.extui %not3A_424 : i1 to i32
      %cond3A_426 = arith.constant 0 : i32
      %cond3A_427 = arith.cmpi ne, %convert_element_type3A_425, %cond3A_426 : i32
      scf.if %cond3A_427 {
        %add3A_428 = arith.constant 2 : i32
        %add3A_429 = arith.addi %add3A_359, %add3A_428 : i32
        %mul3A_430 = arith.constant 32 : i32
        %mul3A_431 = arith.muli %add3A_429, %mul3A_430 : i32
        %add3A_432 = arith.addi %mul3A_2, %mul3A_431 : i32
        %dma_start3A_433 = arith.constant 1 : i32
        %dma_start3A_434 = arith.constant 0 : i32
        %dma_start3A_435 = tpu.memref_slice %arg11[%dma_start3A_433, %dma_start3A_434] : memref<2x32xi32, #tpu.memory_space<vmem>> -> memref<1x32xi32, #tpu.memory_space<vmem>>
        %dma_start3A_436 = tpu.memref_squeeze %dma_start3A_435 : memref<1x32xi32, #tpu.memory_space<vmem>> -> memref<32xi32, #tpu.memory_space<vmem>>
        %dma_start3A_437 = tpu.memref_slice %arg3[%add3A_432] : memref<327680xi32, #tpu.memory_space<hbm>> -> memref<32xi32, #tpu.memory_space<hbm>>
        %dma_start3A_438 = arith.constant 0 : i32
        %dma_start3A_439 = tpu.memref_slice %arg11[%dma_start3A_433, %dma_start3A_438] : memref<2x32xi32, #tpu.memory_space<vmem>> -> memref<1x32xi32, #tpu.memory_space<vmem>>
        %dma_start3A_440 = tpu.memref_squeeze %dma_start3A_439 : memref<1x32xi32, #tpu.memory_space<vmem>> -> memref<32xi32, #tpu.memory_space<vmem>>
        %dma_start3A_441 = tpu.memref_slice %arg3[%add3A_432] : memref<327680xi32, #tpu.memory_space<hbm>> -> memref<32xi32, #tpu.memory_space<hbm>>
        tpu.enqueue_dma source(%dma_start3A_441 : memref<32xi32, #tpu.memory_space<hbm>>) target(%dma_start3A_440 : memref<32xi32, #tpu.memory_space<vmem>>) target_semaphore(%arg18 : memref<!tpu.dma_semaphore, #tpu.memory_space<semaphore_mem>>)
        %dma_start3A_442 = arith.constant 1 : i32
        %dma_start3A_443 = arith.constant 0 : i32
        %dma_start3A_444 = arith.constant 0 : i32
        %dma_start3A_445 = tpu.memref_slice %arg13[%dma_start3A_442, %dma_start3A_443, %dma_start3A_444] : memref<2x4x32xf32, #tpu.memory_space<vmem>> -> memref<1x1x32xf32, #tpu.memory_space<vmem>>
        %dma_start3A_446 = tpu.memref_squeeze %dma_start3A_445 : memref<1x1x32xf32, #tpu.memory_space<vmem>> -> memref<32xf32, #tpu.memory_space<vmem>>
        %dma_start3A_447 = tpu.memref_slice %arg5[%add3A_432] : memref<327680xf32, #tpu.memory_space<hbm>> -> memref<32xf32, #tpu.memory_space<hbm>>
        %dma_start3A_448 = arith.constant 0 : i32
        %dma_start3A_449 = tpu.memref_slice %arg13[%dma_start3A_442, %dma_start3A_443, %dma_start3A_448] : memref<2x4x32xf32, #tpu.memory_space<vmem>> -> memref<1x1x32xf32, #tpu.memory_space<vmem>>
        %dma_start3A_450 = tpu.memref_squeeze %dma_start3A_449 : memref<1x1x32xf32, #tpu.memory_space<vmem>> -> memref<32xf32, #tpu.memory_space<vmem>>
        %dma_start3A_451 = tpu.memref_slice %arg5[%add3A_432] : memref<327680xf32, #tpu.memory_space<hbm>> -> memref<32xf32, #tpu.memory_space<hbm>>
        tpu.enqueue_dma source(%dma_start3A_451 : memref<32xf32, #tpu.memory_space<hbm>>) target(%dma_start3A_450 : memref<32xf32, #tpu.memory_space<vmem>>) target_semaphore(%arg18 : memref<!tpu.dma_semaphore, #tpu.memory_space<semaphore_mem>>)
        %dma_start3A_452 = arith.constant 1 : i32
        %dma_start3A_453 = arith.constant 1 : i32
        %dma_start3A_454 = arith.constant 0 : i32
        %dma_start3A_455 = tpu.memref_slice %arg13[%dma_start3A_452, %dma_start3A_453, %dma_start3A_454] : memref<2x4x32xf32, #tpu.memory_space<vmem>> -> memref<1x1x32xf32, #tpu.memory_space<vmem>>
        %dma_start3A_456 = tpu.memref_squeeze %dma_start3A_455 : memref<1x1x32xf32, #tpu.memory_space<vmem>> -> memref<32xf32, #tpu.memory_space<vmem>>
        %dma_start3A_457 = tpu.memref_slice %arg6[%add3A_432] : memref<327680xf32, #tpu.memory_space<hbm>> -> memref<32xf32, #tpu.memory_space<hbm>>
        %dma_start3A_458 = arith.constant 0 : i32
        %dma_start3A_459 = tpu.memref_slice %arg13[%dma_start3A_452, %dma_start3A_453, %dma_start3A_458] : memref<2x4x32xf32, #tpu.memory_space<vmem>> -> memref<1x1x32xf32, #tpu.memory_space<vmem>>
        %dma_start3A_460 = tpu.memref_squeeze %dma_start3A_459 : memref<1x1x32xf32, #tpu.memory_space<vmem>> -> memref<32xf32, #tpu.memory_space<vmem>>
        %dma_start3A_461 = tpu.memref_slice %arg6[%add3A_432] : memref<327680xf32, #tpu.memory_space<hbm>> -> memref<32xf32, #tpu.memory_space<hbm>>
        tpu.enqueue_dma source(%dma_start3A_461 : memref<32xf32, #tpu.memory_space<hbm>>) target(%dma_start3A_460 : memref<32xf32, #tpu.memory_space<vmem>>) target_semaphore(%arg18 : memref<!tpu.dma_semaphore, #tpu.memory_space<semaphore_mem>>)
        %dma_start3A_462 = arith.constant 1 : i32
        %dma_start3A_463 = arith.constant 2 : i32
        %dma_start3A_464 = arith.constant 0 : i32
        %dma_start3A_465 = tpu.memref_slice %arg13[%dma_start3A_462, %dma_start3A_463, %dma_start3A_464] : memref<2x4x32xf32, #tpu.memory_space<vmem>> -> memref<1x1x32xf32, #tpu.memory_space<vmem>>
        %dma_start3A_466 = tpu.memref_squeeze %dma_start3A_465 : memref<1x1x32xf32, #tpu.memory_space<vmem>> -> memref<32xf32, #tpu.memory_space<vmem>>
        %dma_start3A_467 = tpu.memref_slice %arg7[%add3A_432] : memref<327680xf32, #tpu.memory_space<hbm>> -> memref<32xf32, #tpu.memory_space<hbm>>
        %dma_start3A_468 = arith.constant 0 : i32
        %dma_start3A_469 = tpu.memref_slice %arg13[%dma_start3A_462, %dma_start3A_463, %dma_start3A_468] : memref<2x4x32xf32, #tpu.memory_space<vmem>> -> memref<1x1x32xf32, #tpu.memory_space<vmem>>
        %dma_start3A_470 = tpu.memref_squeeze %dma_start3A_469 : memref<1x1x32xf32, #tpu.memory_space<vmem>> -> memref<32xf32, #tpu.memory_space<vmem>>
        %dma_start3A_471 = tpu.memref_slice %arg7[%add3A_432] : memref<327680xf32, #tpu.memory_space<hbm>> -> memref<32xf32, #tpu.memory_space<hbm>>
        tpu.enqueue_dma source(%dma_start3A_471 : memref<32xf32, #tpu.memory_space<hbm>>) target(%dma_start3A_470 : memref<32xf32, #tpu.memory_space<vmem>>) target_semaphore(%arg18 : memref<!tpu.dma_semaphore, #tpu.memory_space<semaphore_mem>>)
        %dma_start3A_472 = arith.constant 1 : i32
        %dma_start3A_473 = arith.constant 3 : i32
        %dma_start3A_474 = arith.constant 0 : i32
        %dma_start3A_475 = tpu.memref_slice %arg13[%dma_start3A_472, %dma_start3A_473, %dma_start3A_474] : memref<2x4x32xf32, #tpu.memory_space<vmem>> -> memref<1x1x32xf32, #tpu.memory_space<vmem>>
        %dma_start3A_476 = tpu.memref_squeeze %dma_start3A_475 : memref<1x1x32xf32, #tpu.memory_space<vmem>> -> memref<32xf32, #tpu.memory_space<vmem>>
        %dma_start3A_477 = tpu.memref_slice %arg8[%add3A_432] : memref<327680xf32, #tpu.memory_space<hbm>> -> memref<32xf32, #tpu.memory_space<hbm>>
        %dma_start3A_478 = arith.constant 0 : i32
        %dma_start3A_479 = tpu.memref_slice %arg13[%dma_start3A_472, %dma_start3A_473, %dma_start3A_478] : memref<2x4x32xf32, #tpu.memory_space<vmem>> -> memref<1x1x32xf32, #tpu.memory_space<vmem>>
        %dma_start3A_480 = tpu.memref_squeeze %dma_start3A_479 : memref<1x1x32xf32, #tpu.memory_space<vmem>> -> memref<32xf32, #tpu.memory_space<vmem>>
        %dma_start3A_481 = tpu.memref_slice %arg8[%add3A_432] : memref<327680xf32, #tpu.memory_space<hbm>> -> memref<32xf32, #tpu.memory_space<hbm>>
        tpu.enqueue_dma source(%dma_start3A_481 : memref<32xf32, #tpu.memory_space<hbm>>) target(%dma_start3A_480 : memref<32xf32, #tpu.memory_space<vmem>>) target_semaphore(%arg18 : memref<!tpu.dma_semaphore, #tpu.memory_space<semaphore_mem>>)
      } else {
      }
    }
    %scan3A_184 = arith.constant 160 : i32
    %dma_wait3A_185 = arith.constant 0 : i32
    %dma_wait3A_186 = arith.constant 0 : i32
    %dma_wait3A_187 = arith.constant 0 : i32
    %dma_wait3A_188 = arith.constant 0 : i32
    %dma_wait3A_189 = tpu.memref_slice %arg15[%dma_wait3A_185, %dma_wait3A_187, %dma_wait3A_188] : memref<2x32x128xf32, #tpu.memory_space<vmem>> -> memref<1x32x128xf32, #tpu.memory_space<vmem>>
    %dma_wait3A_190 = tpu.memref_squeeze %dma_wait3A_189 : memref<1x32x128xf32, #tpu.memory_space<vmem>> -> memref<32x128xf32, #tpu.memory_space<vmem>>
    %dma_wait3A_191 = arith.constant 0 : i32
    %dma_wait3A_192 = tpu.memref_slice %arg12[%dma_wait3A_186, %dma_wait3A_191] : memref<2x32xi32, #tpu.memory_space<vmem>> -> memref<1x32xi32, #tpu.memory_space<vmem>>
    %dma_wait3A_193 = tpu.memref_squeeze %dma_wait3A_192 : memref<1x32xi32, #tpu.memory_space<vmem>> -> memref<32xi32, #tpu.memory_space<vmem>>
    %dma_wait3A_194 = arith.constant 0 : i32
    %dma_wait3A_195 = arith.constant 0 : i32
    %dma_wait3A_196 = tpu.memref_slice %arg16[%dma_wait3A_194, %dma_wait3A_195] : memref<10000x128xf32, #tpu.memory_space<vmem_shared>> -> memref<10000x128xf32, #tpu.memory_space<vmem_shared>>
    tpu.wait_indirect_dma semaphore(%arg23 : memref<!tpu.dma_semaphore, #tpu.memory_space<semaphore_mem>>) src(%dma_wait3A_190 : memref<32x128xf32, #tpu.memory_space<vmem>>) dst(%dma_wait3A_196 : memref<10000x128xf32, #tpu.memory_space<vmem_shared>>)
    %dma_wait3A_197 = arith.constant 1 : i32
    %dma_wait3A_198 = arith.constant 1 : i32
    %dma_wait3A_199 = arith.constant 0 : i32
    %dma_wait3A_200 = arith.constant 0 : i32
    %dma_wait3A_201 = tpu.memref_slice %arg15[%dma_wait3A_197, %dma_wait3A_199, %dma_wait3A_200] : memref<2x32x128xf32, #tpu.memory_space<vmem>> -> memref<1x32x128xf32, #tpu.memory_space<vmem>>
    %dma_wait3A_202 = tpu.memref_squeeze %dma_wait3A_201 : memref<1x32x128xf32, #tpu.memory_space<vmem>> -> memref<32x128xf32, #tpu.memory_space<vmem>>
    %dma_wait3A_203 = arith.constant 0 : i32
    %dma_wait3A_204 = tpu.memref_slice %arg12[%dma_wait3A_198, %dma_wait3A_203] : memref<2x32xi32, #tpu.memory_space<vmem>> -> memref<1x32xi32, #tpu.memory_space<vmem>>
    %dma_wait3A_205 = tpu.memref_squeeze %dma_wait3A_204 : memref<1x32xi32, #tpu.memory_space<vmem>> -> memref<32xi32, #tpu.memory_space<vmem>>
    %dma_wait3A_206 = arith.constant 0 : i32
    %dma_wait3A_207 = arith.constant 0 : i32
    %dma_wait3A_208 = tpu.memref_slice %arg16[%dma_wait3A_206, %dma_wait3A_207] : memref<10000x128xf32, #tpu.memory_space<vmem_shared>> -> memref<10000x128xf32, #tpu.memory_space<vmem_shared>>
    tpu.wait_indirect_dma semaphore(%arg24 : memref<!tpu.dma_semaphore, #tpu.memory_space<semaphore_mem>>) src(%dma_wait3A_202 : memref<32x128xf32, #tpu.memory_space<vmem>>) dst(%dma_wait3A_208 : memref<10000x128xf32, #tpu.memory_space<vmem_shared>>)
    %barrier3A_209 = arith.constant 0 : index
    tpu.barrier barrier_id(%barrier3A_209)
    %lt3A_210 = arith.constant 15 : i32
    %lt3A_211 = arith.cmpi slt, %arg1, %lt3A_210 : i32
    %convert_element_type3A_212 = arith.extui %lt3A_211 : i1 to i32
    %cond3A_213 = arith.constant 0 : i32
    %cond3A_214 = arith.cmpi ne, %convert_element_type3A_212, %cond3A_213 : i32
    scf.if %cond3A_214 {
      %mul3A_220 = arith.constant 640 : i32
      %mul3A_221 = arith.muli %arg1, %mul3A_220 : i32
      %mul3A_222 = arith.constant 10000 : i32
      %mul3A_223 = arith.muli %arg0, %mul3A_222 : i32
      %mul3A_224 = arith.constant 640 : i32
      %mul3A_225 = arith.muli %arg1, %mul3A_224 : i32
      %add3A_226 = arith.addi %mul3A_223, %mul3A_225 : i32
      "tpu.region"() ({
        %run_scoped3A = tpu.sem_alloc : memref<!tpu.dma_semaphore, #tpu.memory_space<semaphore_mem>>
        %dma_start3A_227 = arith.constant 0 : i32
        %dma_start3A_228 = tpu.memref_slice %arg10[%add3A_226, %dma_start3A_227] : memref<20000x128xf32, #tpu.memory_space<hbm>> -> memref<640x128xf32, #tpu.memory_space<hbm>>
        %dma_start3A_229 = arith.constant 0 : i32
        %dma_start3A_230 = tpu.memref_slice %arg16[%mul3A_221, %dma_start3A_229] : memref<10000x128xf32, #tpu.memory_space<vmem_shared>> -> memref<640x128xf32, #tpu.memory_space<vmem_shared>>
        tpu.enqueue_dma source(%dma_start3A_230 : memref<640x128xf32, #tpu.memory_space<vmem_shared>>) target(%dma_start3A_228 : memref<640x128xf32, #tpu.memory_space<hbm>>) target_semaphore(%run_scoped3A : memref<!tpu.dma_semaphore, #tpu.memory_space<semaphore_mem>>)
        %dma_wait3A_231 = arith.constant 0 : i32
        %dma_wait3A_232 = tpu.memref_slice %arg10[%add3A_226, %dma_wait3A_231] : memref<20000x128xf32, #tpu.memory_space<hbm>> -> memref<640x128xf32, #tpu.memory_space<hbm>>
        %dma_wait3A_233 = arith.constant 0 : i32
        %dma_wait3A_234 = tpu.memref_slice %arg16[%mul3A_221, %dma_wait3A_233] : memref<10000x128xf32, #tpu.memory_space<vmem_shared>> -> memref<640x128xf32, #tpu.memory_space<vmem_shared>>
        tpu.wait_dma2 semaphore(%run_scoped3A : memref<!tpu.dma_semaphore, #tpu.memory_space<semaphore_mem>>) src(%dma_wait3A_234 : memref<640x128xf32, #tpu.memory_space<vmem_shared>>) dst(%dma_wait3A_232 : memref<640x128xf32, #tpu.memory_space<hbm>>)
        tpu.yield
      }) : () -> ()
    } else {
    }
    %eq3A_215 = arith.constant 15 : i32
    %eq3A_216 = arith.cmpi eq, %arg1, %eq3A_215 : i32
    %convert_element_type3A_217 = arith.extui %eq3A_216 : i1 to i32
    %cond3A_218 = arith.constant 0 : i32
    %cond3A_219 = arith.cmpi ne, %convert_element_type3A_217, %cond3A_218 : i32
    scf.if %cond3A_219 {
      %mul3A_220 = arith.constant 10000 : i32
      %mul3A_221 = arith.muli %arg0, %mul3A_220 : i32
      %add3A_222 = arith.constant 9600 : i32
      %add3A_223 = arith.addi %mul3A_221, %add3A_222 : i32
      "tpu.region"() ({
        %run_scoped3A = tpu.sem_alloc : memref<!tpu.dma_semaphore, #tpu.memory_space<semaphore_mem>>
        %dma_start3A_224 = arith.constant 0 : i32
        %dma_start3A_225 = tpu.memref_slice %arg10[%add3A_223, %dma_start3A_224] : memref<20000x128xf32, #tpu.memory_space<hbm>> -> memref<400x128xf32, #tpu.memory_space<hbm>>
        %dma_start3A_226 = arith.constant 9600 : i32
        %dma_start3A_227 = arith.constant 0 : i32
        %dma_start3A_228 = tpu.memref_slice %arg16[%dma_start3A_226, %dma_start3A_227] : memref<10000x128xf32, #tpu.memory_space<vmem_shared>> -> memref<400x128xf32, #tpu.memory_space<vmem_shared>>
        tpu.enqueue_dma source(%dma_start3A_228 : memref<400x128xf32, #tpu.memory_space<vmem_shared>>) target(%dma_start3A_225 : memref<400x128xf32, #tpu.memory_space<hbm>>) target_semaphore(%run_scoped3A : memref<!tpu.dma_semaphore, #tpu.memory_space<semaphore_mem>>)
        %dma_wait3A_229 = arith.constant 0 : i32
        %dma_wait3A_230 = tpu.memref_slice %arg10[%add3A_223, %dma_wait3A_229] : memref<20000x128xf32, #tpu.memory_space<hbm>> -> memref<400x128xf32, #tpu.memory_space<hbm>>
        %dma_wait3A_231 = arith.constant 9600 : i32
        %dma_wait3A_232 = arith.constant 0 : i32
        %dma_wait3A_233 = tpu.memref_slice %arg16[%dma_wait3A_231, %dma_wait3A_232] : memref<10000x128xf32, #tpu.memory_space<vmem_shared>> -> memref<400x128xf32, #tpu.memory_space<vmem_shared>>
        tpu.wait_dma2 semaphore(%run_scoped3A : memref<!tpu.dma_semaphore, #tpu.memory_space<semaphore_mem>>) src(%dma_wait3A_233 : memref<400x128xf32, #tpu.memory_space<vmem_shared>>) dst(%dma_wait3A_230 : memref<400x128xf32, #tpu.memory_space<hbm>>)
        tpu.yield
      }) : () -> ()
    } else {
    }
    return
  }
}

module attributes {stable_mosaic.version = 14 : i64} {
  func.func @_gates_body(%arg0: i32, %arg1: memref<4x32768xf32, #tpu.memory_space<vmem>>, %arg2: memref<32x4xf32, #tpu.memory_space<vmem>>, %arg3: memref<32x1xf32, #tpu.memory_space<vmem>>, %arg4: memref<4x32xf32, #tpu.memory_space<vmem>>, %arg5: memref<4x1xf32, #tpu.memory_space<vmem>>, %arg6: memref<4x32768xf32, #tpu.memory_space<vmem>>) attributes {dimension_semantics = [#tpu.dimension_semantics<arbitrary>], iteration_bounds = array<i64: 10>, scalar_prefetch = 0 : i64, scratch_operands = 0 : i64, tpu.core_type = #tpu.core_type<tc>, window_params = [{transform_indices = @transform_0, window_bounds = array<i64: 4, 32768>}, {pipeline_mode = #tpu.pipeline_mode<synchronous>, transform_indices = @transform_1, window_bounds = array<i64: 32, 4>}, {pipeline_mode = #tpu.pipeline_mode<synchronous>, transform_indices = @transform_2, window_bounds = array<i64: 32, 1>}, {pipeline_mode = #tpu.pipeline_mode<synchronous>, transform_indices = @transform_3, window_bounds = array<i64: 4, 32>}, {pipeline_mode = #tpu.pipeline_mode<synchronous>, transform_indices = @transform_4, window_bounds = array<i64: 4, 1>}, {transform_indices = @transform_5, window_bounds = array<i64: 4, 32768>}]} {
    %get3A = arith.constant 0 : index
    %get3A_0 = arith.constant 0 : index
    %get3A_1 = vector.load %arg1[%get3A, %get3A_0] : memref<4x32768xf32, #tpu.memory_space<vmem>>, vector<4x32768xf32>
    %get3A_2 = arith.constant 0 : index
    %get3A_3 = arith.constant 0 : index
    %get3A_4 = vector.load %arg2[%get3A_2, %get3A_3] : memref<32x4xf32, #tpu.memory_space<vmem>>, vector<32x4xf32>
    %dot_general3A = arith.constant dense<0.000000e+00> : vector<32x32768xf32>
    %dot_general3A_5 = tpu.matmul %get3A_4, %get3A_1, %dot_general3A {dimension_numbers = #tpu.dot_dimension_numbers<[1], [0], [0], [1], [0, 0, 1, 1], [], []>, precision = #tpu.contract_precision<fp32>, transpose_lhs_hint = false} : vector<32x4xf32>, vector<4x32768xf32>, vector<32x32768xf32> -> vector<32x32768xf32>
    %get3A_6 = arith.constant 0 : index
    %get3A_7 = arith.constant 0 : index
    %get3A_8 = vector.load %arg3[%get3A_6, %get3A_7] : memref<32x1xf32, #tpu.memory_space<vmem>>, vector<32x1xf32>
    %add3A = vector.broadcast %get3A_8 : vector<32x1xf32> to vector<32x32768xf32>
    %add3A_9 = arith.addf %dot_general3A_5, %add3A : vector<32x32768xf32>
    %ge3A = arith.constant 0.000000e+00 : f32
    %ge3A_10 = vector.broadcast %ge3A : f32 to vector<32x32768xf32>
    %ge3A_11 = arith.cmpf oge, %add3A_9, %ge3A_10 : vector<32x32768xf32>
    %mul3A = arith.constant 0.00999999977 : f32
    %mul3A_12 = vector.broadcast %mul3A : f32 to vector<32x32768xf32>
    %mul3A_13 = arith.mulf %mul3A_12, %add3A_9 : vector<32x32768xf32>
    %select_n3A = arith.select %ge3A_11, %add3A_9, %mul3A_13 : vector<32x32768xi1>, vector<32x32768xf32>
    %get3A_14 = arith.constant 0 : index
    %get3A_15 = arith.constant 0 : index
    %get3A_16 = vector.load %arg4[%get3A_14, %get3A_15] : memref<4x32xf32, #tpu.memory_space<vmem>>, vector<4x32xf32>
    %dot_general3A_17 = arith.constant dense<0.000000e+00> : vector<4x32768xf32>
    %dot_general3A_18 = tpu.matmul %get3A_16, %select_n3A, %dot_general3A_17 {dimension_numbers = #tpu.dot_dimension_numbers<[1], [0], [0], [1], [0, 0, 1, 1], [], []>, precision = #tpu.contract_precision<fp32>, transpose_lhs_hint = false} : vector<4x32xf32>, vector<32x32768xf32>, vector<4x32768xf32> -> vector<4x32768xf32>
    %get3A_19 = arith.constant 0 : index
    %get3A_20 = arith.constant 0 : index
    %get3A_21 = vector.load %arg5[%get3A_19, %get3A_20] : memref<4x1xf32, #tpu.memory_space<vmem>>, vector<4x1xf32>
    %add3A_22 = vector.broadcast %get3A_21 : vector<4x1xf32> to vector<4x32768xf32>
    %add3A_23 = arith.addf %dot_general3A_18, %add3A_22 : vector<4x32768xf32>
    %ge3A_24 = arith.constant 0.000000e+00 : f32
    %ge3A_25 = vector.broadcast %ge3A_24 : f32 to vector<4x32768xf32>
    %ge3A_26 = arith.cmpf oge, %add3A_23, %ge3A_25 : vector<4x32768xf32>
    %min3A = arith.constant 0.000000e+00 : f32
    %min3A_27 = vector.broadcast %min3A : f32 to vector<4x32768xf32>
    %min3A_28 = arith.minimumf %add3A_23, %min3A_27 : vector<4x32768xf32>
    %exp3A = math.exp %min3A_28 : vector<4x32768xf32>
    %sub3A = arith.constant 1.000000e+00 : f32
    %sub3A_29 = vector.broadcast %sub3A : f32 to vector<4x32768xf32>
    %sub3A_30 = arith.subf %exp3A, %sub3A_29 : vector<4x32768xf32>
    %select_n3A_31 = arith.select %ge3A_26, %add3A_23, %sub3A_30 : vector<4x32768xi1>, vector<4x32768xf32>
    %swap3A = arith.constant 0 : index
    %swap3A_32 = arith.constant 0 : index
    %swap3A_33 = vector.load %arg6[%swap3A, %swap3A_32] : memref<4x32768xf32, #tpu.memory_space<vmem>>, vector<4x32768xf32>
    tpu.vector_store %arg6[%swap3A, %swap3A_32], %select_n3A_31 {strides = array<i32>} : memref<4x32768xf32, #tpu.memory_space<vmem>>, vector<4x32768xf32>,
    return
  }
  func.func @transform_0(%arg0: i32) -> (i32, i32) {
    %c0_i32 = arith.constant 0 : i32
    %c0_i32_0 = arith.constant 0 : i32
    return %c0_i32, %arg0 : i32, i32
  }
  func.func @transform_1(%arg0: i32) -> (i32, i32) {
    %c0_i32 = arith.constant 0 : i32
    %c0_i32_0 = arith.constant 0 : i32
    %c0_i32_1 = arith.constant 0 : i32
    return %c0_i32, %c0_i32_0 : i32, i32
  }
  func.func @transform_2(%arg0: i32) -> (i32, i32) {
    %c0_i32 = arith.constant 0 : i32
    %c0_i32_0 = arith.constant 0 : i32
    %c0_i32_1 = arith.constant 0 : i32
    return %c0_i32, %c0_i32_0 : i32, i32
  }
  func.func @transform_3(%arg0: i32) -> (i32, i32) {
    %c0_i32 = arith.constant 0 : i32
    %c0_i32_0 = arith.constant 0 : i32
    %c0_i32_1 = arith.constant 0 : i32
    return %c0_i32, %c0_i32_0 : i32, i32
  }
  func.func @transform_4(%arg0: i32) -> (i32, i32) {
    %c0_i32 = arith.constant 0 : i32
    %c0_i32_0 = arith.constant 0 : i32
    %c0_i32_1 = arith.constant 0 : i32
    return %c0_i32, %c0_i32_0 : i32, i32
  }
  func.func @transform_5(%arg0: i32) -> (i32, i32) {
    %c0_i32 = arith.constant 0 : i32
    %c0_i32_0 = arith.constant 0 : i32
    return %c0_i32, %arg0 : i32, i32
  }
}

module attributes {stable_mosaic.version = 14 : i64} {
  func.func @_y_body(%arg0: i32, %arg1: memref<1000x128xf32, #tpu.memory_space<vmem>>, %arg2: memref<128x512xf32, #tpu.memory_space<vmem>>, %arg3: memref<1000x512xf32, #tpu.memory_space<vmem>>) attributes {dimension_semantics = [#tpu.dimension_semantics<arbitrary>], iteration_bounds = array<i64: 10>, scalar_prefetch = 0 : i64, scratch_operands = 0 : i64, tpu.core_type = #tpu.core_type<tc>, window_params = [{transform_indices = @transform_0, window_bounds = array<i64: 1000, 128>}, {pipeline_mode = #tpu.pipeline_mode<synchronous>, transform_indices = @transform_1, window_bounds = array<i64: 128, 512>}, {transform_indices = @transform_2, window_bounds = array<i64: 1000, 512>}]} {
    %get3A = arith.constant 0 : index
    %get3A_0 = arith.constant 0 : index
    %get3A_1 = vector.load %arg1[%get3A, %get3A_0] : memref<1000x128xf32, #tpu.memory_space<vmem>>, vector<1000x128xf32>
    %get3A_2 = arith.constant 0 : index
    %get3A_3 = arith.constant 0 : index
    %get3A_4 = vector.load %arg2[%get3A_2, %get3A_3] : memref<128x512xf32, #tpu.memory_space<vmem>>, vector<128x512xf32>
    %dot_general3A = arith.constant dense<0.000000e+00> : vector<1000x512xf32>
    %dot_general3A_5 = tpu.matmul %get3A_1, %get3A_4, %dot_general3A {dimension_numbers = #tpu.dot_dimension_numbers<[1], [0], [0], [1], [0, 0, 1, 1], [], []>, precision = #tpu.contract_precision<fp32>, transpose_lhs_hint = false} : vector<1000x128xf32>, vector<128x512xf32>, vector<1000x512xf32> -> vector<1000x512xf32>
    %swap3A = arith.constant 0 : index
    %swap3A_6 = arith.constant 0 : index
    %swap3A_7 = vector.load %arg3[%swap3A, %swap3A_6] : memref<1000x512xf32, #tpu.memory_space<vmem>>, vector<1000x512xf32>
    tpu.vector_store %arg3[%swap3A, %swap3A_6], %dot_general3A_5 {strides = array<i32>} : memref<1000x512xf32, #tpu.memory_space<vmem>>, vector<1000x512xf32>,
    return
  }
  func.func @transform_0(%arg0: i32) -> (i32, i32) {
    %c0_i32 = arith.constant 0 : i32
    %c0_i32_0 = arith.constant 0 : i32
    return %arg0, %c0_i32 : i32, i32
  }
  func.func @transform_1(%arg0: i32) -> (i32, i32) {
    %c0_i32 = arith.constant 0 : i32
    %c0_i32_0 = arith.constant 0 : i32
    %c0_i32_1 = arith.constant 0 : i32
    return %c0_i32, %c0_i32_0 : i32, i32
  }
  func.func @transform_2(%arg0: i32) -> (i32, i32) {
    %c0_i32 = arith.constant 0 : i32
    %c0_i32_0 = arith.constant 0 : i32
    return %arg0, %c0_i32 : i32, i32
  }
}

module attributes {stable_mosaic.version = 14 : i64} {
  func.func @_final_body(%arg0: i32, %arg1: memref<1000x128xf32, #tpu.memory_space<vmem>>, %arg2: memref<1000x128xf32, #tpu.memory_space<vmem>>, %arg3: memref<1000x512xf32, #tpu.memory_space<vmem>>, %arg4: memref<1x512xf32, #tpu.memory_space<vmem>>, %arg5: memref<1x128xf32, #tpu.memory_space<vmem>>, %arg6: memref<128x128xf32, #tpu.memory_space<vmem>>, %arg7: memref<1x128xf32, #tpu.memory_space<vmem>>, %arg8: memref<1000x128xf32, #tpu.memory_space<vmem>>) attributes {dimension_semantics = [#tpu.dimension_semantics<arbitrary>], iteration_bounds = array<i64: 10>, scalar_prefetch = 0 : i64, scratch_operands = 0 : i64, tpu.core_type = #tpu.core_type<tc>, window_params = [{transform_indices = @transform_0, window_bounds = array<i64: 1000, 128>}, {transform_indices = @transform_1, window_bounds = array<i64: 1000, 128>}, {transform_indices = @transform_2, window_bounds = array<i64: 1000, 512>}, {pipeline_mode = #tpu.pipeline_mode<synchronous>, transform_indices = @transform_3, window_bounds = array<i64: 1, 512>}, {pipeline_mode = #tpu.pipeline_mode<synchronous>, transform_indices = @transform_4, window_bounds = array<i64: 1, 128>}, {pipeline_mode = #tpu.pipeline_mode<synchronous>, transform_indices = @transform_5, window_bounds = array<i64: 128, 128>}, {pipeline_mode = #tpu.pipeline_mode<synchronous>, transform_indices = @transform_6, window_bounds = array<i64: 1, 128>}, {transform_indices = @transform_7, window_bounds = array<i64: 1000, 128>}]} {
    %get3A = arith.constant 0 : index
    %get3A_0 = arith.constant 0 : index
    %get3A_1 = vector.load %arg3[%get3A, %get3A_0] : memref<1000x512xf32, #tpu.memory_space<vmem>>, vector<1000x512xf32>
    %get3A_2 = arith.constant 0 : index
    %get3A_3 = arith.constant 0 : index
    %get3A_4 = vector.load %arg4[%get3A_2, %get3A_3] : memref<1x512xf32, #tpu.memory_space<vmem>>, vector<1x512xf32>
    %mul3A = vector.broadcast %get3A_4 : vector<1x512xf32> to vector<1000x512xf32>
    %mul3A_5 = arith.mulf %get3A_1, %mul3A : vector<1000x512xf32>
    %slice3A = vector.extract_strided_slice %mul3A_5 {offsets = [0, 0], sizes = [1000, 128], strides = [1, 1]} : vector<1000x512xf32> to vector<1000x128xf32>
    %slice3A_6 = vector.extract_strided_slice %mul3A_5 {offsets = [0, 128], sizes = [1000, 128], strides = [1, 1]} : vector<1000x512xf32> to vector<1000x128xf32>
    %add3A = arith.addf %slice3A, %slice3A_6 : vector<1000x128xf32>
    %slice3A_7 = vector.extract_strided_slice %mul3A_5 {offsets = [0, 256], sizes = [1000, 128], strides = [1, 1]} : vector<1000x512xf32> to vector<1000x128xf32>
    %add3A_8 = arith.addf %add3A, %slice3A_7 : vector<1000x128xf32>
    %slice3A_9 = vector.extract_strided_slice %mul3A_5 {offsets = [0, 384], sizes = [1000, 128], strides = [1, 1]} : vector<1000x512xf32> to vector<1000x128xf32>
    %add3A_10 = arith.addf %add3A_8, %slice3A_9 : vector<1000x128xf32>
    %get3A_11 = arith.constant 0 : index
    %get3A_12 = arith.constant 0 : index
    %get3A_13 = vector.load %arg1[%get3A_11, %get3A_12] : memref<1000x128xf32, #tpu.memory_space<vmem>>, vector<1000x128xf32>
    %get3A_14 = arith.constant 0 : index
    %get3A_15 = arith.constant 0 : index
    %get3A_16 = vector.load %arg2[%get3A_14, %get3A_15] : memref<1000x128xf32, #tpu.memory_space<vmem>>, vector<1000x128xf32>
    %add3A_17 = arith.addf %get3A_13, %get3A_16 : vector<1000x128xf32>
    %add3A_18 = arith.addf %add3A_17, %add3A_10 : vector<1000x128xf32>
    %get3A_19 = arith.constant 0 : index
    %get3A_20 = arith.constant 0 : index
    %get3A_21 = vector.load %arg5[%get3A_19, %get3A_20] : memref<1x128xf32, #tpu.memory_space<vmem>>, vector<1x128xf32>
    %add3A_22 = vector.broadcast %get3A_21 : vector<1x128xf32> to vector<1000x128xf32>
    %add3A_23 = arith.addf %add3A_18, %add3A_22 : vector<1000x128xf32>
    %ge3A = arith.constant 0.000000e+00 : f32
    %ge3A_24 = vector.broadcast %ge3A : f32 to vector<1000x128xf32>
    %ge3A_25 = arith.cmpf oge, %add3A_23, %ge3A_24 : vector<1000x128xf32>
    %mul3A_26 = arith.constant 0.00999999977 : f32
    %mul3A_27 = vector.broadcast %mul3A_26 : f32 to vector<1000x128xf32>
    %mul3A_28 = arith.mulf %mul3A_27, %add3A_23 : vector<1000x128xf32>
    %select_n3A = arith.select %ge3A_25, %add3A_23, %mul3A_28 : vector<1000x128xi1>, vector<1000x128xf32>
    %get3A_29 = arith.constant 0 : index
    %get3A_30 = arith.constant 0 : index
    %get3A_31 = vector.load %arg6[%get3A_29, %get3A_30] : memref<128x128xf32, #tpu.memory_space<vmem>>, vector<128x128xf32>
    %dot_general3A = arith.constant dense<0.000000e+00> : vector<1000x128xf32>
    %dot_general3A_32 = tpu.matmul %select_n3A, %get3A_31, %dot_general3A {dimension_numbers = #tpu.dot_dimension_numbers<[1], [0], [0], [1], [0, 0, 1, 1], [], []>, precision = #tpu.contract_precision<fp32>, transpose_lhs_hint = false} : vector<1000x128xf32>, vector<128x128xf32>, vector<1000x128xf32> -> vector<1000x128xf32>
    %get3A_33 = arith.constant 0 : index
    %get3A_34 = arith.constant 0 : index
    %get3A_35 = vector.load %arg7[%get3A_33, %get3A_34] : memref<1x128xf32, #tpu.memory_space<vmem>>, vector<1x128xf32>
    %add3A_36 = vector.broadcast %get3A_35 : vector<1x128xf32> to vector<1000x128xf32>
    %add3A_37 = arith.addf %dot_general3A_32, %add3A_36 : vector<1000x128xf32>
    %swap3A = arith.constant 0 : index
    %swap3A_38 = arith.constant 0 : index
    %swap3A_39 = vector.load %arg8[%swap3A, %swap3A_38] : memref<1000x128xf32, #tpu.memory_space<vmem>>, vector<1000x128xf32>
    tpu.vector_store %arg8[%swap3A, %swap3A_38], %add3A_37 {strides = array<i32>} : memref<1000x128xf32, #tpu.memory_space<vmem>>, vector<1000x128xf32>,
    return
  }
  func.func @transform_0(%arg0: i32) -> (i32, i32) {
    %c0_i32 = arith.constant 0 : i32
    %c0_i32_0 = arith.constant 0 : i32
    return %arg0, %c0_i32 : i32, i32
  }
  func.func @transform_1(%arg0: i32) -> (i32, i32) {
    %c0_i32 = arith.constant 0 : i32
    %c0_i32_0 = arith.constant 0 : i32
    return %arg0, %c0_i32 : i32, i32
  }
  func.func @transform_2(%arg0: i32) -> (i32, i32) {
    %c0_i32 = arith.constant 0 : i32
    %c0_i32_0 = arith.constant 0 : i32
    return %arg0, %c0_i32 : i32, i32
  }
  func.func @transform_3(%arg0: i32) -> (i32, i32) {
    %c0_i32 = arith.constant 0 : i32
    %c0_i32_0 = arith.constant 0 : i32
    %c0_i32_1 = arith.constant 0 : i32
    return %c0_i32, %c0_i32_0 : i32, i32
  }
  func.func @transform_4(%arg0: i32) -> (i32, i32) {
    %c0_i32 = arith.constant 0 : i32
    %c0_i32_0 = arith.constant 0 : i32
    %c0_i32_1 = arith.constant 0 : i32
    return %c0_i32, %c0_i32_0 : i32, i32
  }
  func.func @transform_5(%arg0: i32) -> (i32, i32) {
    %c0_i32 = arith.constant 0 : i32
    %c0_i32_0 = arith.constant 0 : i32
    %c0_i32_1 = arith.constant 0 : i32
    return %c0_i32, %c0_i32_0 : i32, i32
  }
  func.func @transform_6(%arg0: i32) -> (i32, i32) {
    %c0_i32 = arith.constant 0 : i32
    %c0_i32_0 = arith.constant 0 : i32
    %c0_i32_1 = arith.constant 0 : i32
    return %c0_i32, %c0_i32_0 : i32, i32
  }
  func.func @transform_7(%arg0: i32) -> (i32, i32) {
    %c0_i32 = arith.constant 0 : i32
    %c0_i32_0 = arith.constant 0 : i32
    return %arg0, %c0_i32 : i32, i32
  }
}

</mosaic_0001>

<sc_bundles>
// kernel: kernel.6.cloned.1.call-start
scs
__scs_entry_jumppad:
0x0: {  	(pc) =	sbr.rel $0x88, $3  }
0x1: {  	(tag) =	ssettag $0x0;
	lr =	simm.s32 $0x1  }
0x2: {  	[smem:$0x3F95] =	sst lr;
	_ =	strace $0xD0000000  }
0x3: {  	_ = 	snop  }
0x4: {  	_ = 	snop  }
0x5: {  	_ = 	snop  }
0x6: {  	_ = 	snop  }
0x7: {  	_ = 	snop  }
__scs_overlays_trampoline_lowered:
0x8: {  	[smem:$0x3FA4] =	sst s0  }
0x9: {  	[smem:$0x3FA5] =	sst s1  }
0xa: {  	[smem:$0x3FA6] =	sst s2  }
0xb: {  	[smem:$0x3FA7] =	sst s3  }
0xc: {  	[smem:$0x3FA8] =	sst s4  }
0xd: {  	[smem:$0x3FA9] =	sst s5  }
0xe: {  	[smem:$0x3FAA] =	sst s6  }
0xf: {  	[smem:$0x3FAB] =	sst s7  }
0x10: {  	[smem:$0x3FAC] =	sst s8  }
0x11: {  	[smem:$0x3FAD] =	sst s9;
	s0 =	simm.s32 @!p0 $0x0  }
0x12: {  	s1 =	sld [smem:$0x3F93];
	s0 =	simm.s32 @p0 $0x1  }
0x13: {  	[smem:$0x3FAE] =	sst s0;
	s0 =	simm.s32 @!p1 $0x0  }
0x14: {  	s2 =	sld [smem:$0x3F92];
	s0 =	simm.s32 @p1 $0x1  }
0x15: {  	[smem:$0x3FAF] =	sst s0;
	s0 =	simm.s32 @!p2 $0x0  }
0x16: {  	s3 =	sld [smem:$0x3FDB];
	s0 =	simm.s32 @p2 $0x1  }
0x17: {  	s4 =	simm.s32 $0x1BF5;
	[smem:$0x3FB1] =	sst s0  }
0x18: {  	s0 =	sld [smem:$0x3F94];
	_ =	swait.ge [sflag:s4], $0x0  }
0x19: {  	s7 =	sld [smem:$0x3F95]  }
0x1a: {  	s8 =	sadd.s32 $0xFFFFE003, lr  }
0x1b: {  	s9 =	sadd.s32 $0xFFFFFEF7, lr;
	s5 =	simm.s32 $0xFFFFFFFF;
	p2 =	slt.u32 s8, $0xFFFFF086  }
0x1c: {  	p1 =	slt.u32 s9, $0xF7A;
	s5 =	simm.s32 @!p2 $0x0  }
0x1d: {  	s5 =	simm.s32 @p1 $0x1;
	p0 =	seq.s32 s7, s2  }
0x1e: {  	s7 =	smul.u32 @!p0 $0xF7A, s2;
	p2 =	seq.s32 @!p0 s5, $0x0  }
0x1f: {  	s9 =	smul.u32 $0xF7A, s1;
	s8 =	simm.s32 @!p0 $0x1BF5;
	p2 =	por !p2, p0  }
0x20: {  	[sflag:s8] =	ssyncset.s32 @!p0 $0xFFFFF086;
	s6 =	sadd.s32 @!p0 s3, s7;
	s7 =	simm.s32 @!p0 $0x108  }
0x21: {  	s3 =	sadd.s32 s3, s9;
	s6 =	sadd.s32 @!p0 $0x88, s6;
	s7 =	simm.s32 @p2 $0x1082  }
0x22: {  	[simem:s7], [sflag:s8] =	dma.local @!p0 [hbm:s6], $0xF7A  }
0x23: {  	s9 =	sor.u32 $0xD0000000, s2;
	s6 =	simm.s32 $0x108;
	_ =	swait.ge @!p0 [sflag:s8], $0x0  }
0x24: {  	s3 =	sadd.s32 $0x88, s3;
	s6 =	simm.s32 @!p1 $0x1082;
	[sflag:s4] =	ssyncset.s32 $0xFFFFF086  }
0x25: {  	[simem:s6], [sflag:s4] =	dma.local [hbm:s3], $0xF7A  }
0x26: {  	[smem:$0x3F95] =	sst s1;
	(tag) =	ssettag s2;
	_ =	strace s9  }
0x27: {  	s1 =	sld [smem:$0x3FA5]  }
0x28: {  	s2 =	sld [smem:$0x3FA6]  }
0x29: {  	s4 =	sld [smem:$0x3FA8]  }
0x2a: {  	p0 =	seq.s32 s5, $0x0;
	s5 =	sld [smem:$0x3FA9]  }
0x2b: {  	s6 =	sld [smem:$0x3FAA]  }
0x2c: {  	s7 =	sld [smem:$0x3FAB]  }
0x2d: {  	s3 =	simm.s32 $0x108;
	s8 =	sld [smem:$0x3FAC]  }
0x2e: {  	s3 =	simm.s32 @!p0 $0x1082;
	s9 =	sld [smem:$0x3FAD]  }
0x2f: {  	lr =	sadd.s32 s0, s3;
	s0 =	sld [smem:$0x3FA4]  }
0x30: {  	s3 =	sld [smem:$0x3FA7]  }
0x31: {  	[smem:$0x3FB0] =	sst s10  }
0x32: {  	s10 =	sld [smem:$0x3FAE];
	_ =	sdelay $0x3  }
0x33: {  	p0 =	seq.s32 s10, $0x1;
	s10 =	sld [smem:$0x3FB0];
	_ =	sdelay $0x3  }
0x34: {  	[smem:$0x3FB0] =	sst s10  }
0x35: {  	s10 =	sld [smem:$0x3FAF];
	_ =	sdelay $0x3  }
0x36: {  	p1 =	seq.s32 s10, $0x1;
	s10 =	sld [smem:$0x3FB0];
	_ =	sdelay $0x3  }
0x37: {  	[smem:$0x3FB0] =	sst s10  }
0x38: {  	s10 =	sld [smem:$0x3FB1]  }
0x39: {  	_ = 	snop;
	(pc) =	sbr.ind lr, $3  }
0x3a: {  	_ = 	snop  }
0x3b: {  	_ = 	snop  }
0x3c: {  	p2 =	seq.s32 s10, $0x1;
	s10 =	sld [smem:$0x3FB0]  }
0x3d: {  	_ =	shalt  }
0x3e: {  	_ =	shalt  }
0x3f: {  	_ =	shalt  }
0x40: {  	_ =	shalt  }
0x41: {  	_ =	shalt  }
0x42: {  	_ =	shalt  }
0x43: {  	_ =	shalt  }
0x44: {  	_ =	shalt  }
0x45: {  	_ =	shalt  }
0x46: {  	_ =	shalt  }
0x47: {  	_ =	shalt  }
0x48: {  	_ =	shalt  }
0x49: {  	_ =	shalt  }
0x4a: {  	_ =	shalt  }
0x4b: {  	_ =	shalt  }
0x4c: {  	_ =	shalt  }
0x4d: {  	_ =	shalt  }
0x4e: {  	_ =	shalt  }
0x4f: {  	_ =	shalt  }
0x50: {  	_ =	shalt  }
0x51: {  	_ =	shalt  }
0x52: {  	_ =	shalt  }
0x53: {  	_ =	shalt  }
0x54: {  	_ =	shalt  }
0x55: {  	_ =	shalt  }
0x56: {  	_ =	shalt  }
0x57: {  	_ =	shalt  }
0x58: {  	_ =	shalt  }
0x59: {  	_ =	shalt  }
0x5a: {  	_ =	shalt  }
0x5b: {  	_ =	shalt  }
0x5c: {  	_ =	shalt  }
0x5d: {  	_ =	shalt  }
0x5e: {  	_ =	shalt  }
0x5f: {  	_ =	shalt  }
0x60: {  	_ =	shalt  }
0x61: {  	_ =	shalt  }
0x62: {  	_ =	shalt  }
0x63: {  	_ =	shalt  }
0x64: {  	_ =	shalt  }
0x65: {  	_ =	shalt  }
0x66: {  	_ =	shalt  }
0x67: {  	_ =	shalt  }
0x68: {  	_ =	shalt  }
0x69: {  	_ =	shalt  }
0x6a: {  	_ =	shalt  }
0x6b: {  	_ =	shalt  }
0x6c: {  	_ =	shalt  }
0x6d: {  	_ =	shalt  }
0x6e: {  	_ =	shalt  }
0x6f: {  	_ =	shalt  }
0x70: {  	_ =	shalt  }
0x71: {  	_ =	shalt  }
0x72: {  	_ =	shalt  }
0x73: {  	_ =	shalt  }
0x74: {  	_ =	shalt  }
0x75: {  	_ =	shalt  }
0x76: {  	_ =	shalt  }
0x77: {  	_ =	shalt  }
0x78: {  	_ =	shalt  }
0x79: {  	_ =	shalt  }
0x7a: {  	_ =	shalt  }
0x7b: {  	_ =	shalt  }
0x7c: {  	_ =	shalt  }
0x7d: {  	_ =	shalt  }
0x7e: {  	_ =	shalt  }
0x7f: {  	_ =	shalt  }
0x80: {  	_ =	shalt  }
0x81: {  	_ =	shalt  }
0x82: {  	_ =	shalt  }
0x83: {  	_ =	shalt  }
0x84: {  	_ =	shalt  }
0x85: {  	_ =	shalt  }
0x86: {  	_ =	shalt  }
0x87: {  	_ =	shalt  }
.Lfunc_end0:
.L_simem_size_0:
called_computation_lowered:
.L_overlay_start_0:
0x88: {  	s2 =	sld [smem:$0x3FD9]  }
0x89: {  	s3 =	sld [smem:$0x3FFE];
	_ =	sdelay $0x1  }
0x8a: {  	s1 =	srdreg.scid  }
0x8b: {  	s0 =	sand.u32 $0x1, s1  }
0x8c: {  	s17 =	sshll.u32 s0, $0xA;
	s2 =	sadd.s32 s3, s2  }
0x8d: {  	s2 =	sadd.s32 s2, s17  }
0x8e: {  	[smem:$0x3FBC] =	sst s2  }
0x8f: {  	_ = 	snop  }
0x90: {  	s2 =	sld [smem:$0x3FD0];
	(tm) =	ssettm $0x1  }
0x91: {  	s18 =	sld [smem:$0x3FFB];
	_ =	sdelay $0x3  }
0x92: {  	_ =	strace s18  }
0x93: {  	s3 =	sld [smem:$0x3FFC];
	_ =	sdelay $0x3  }
0x94: {  	_ =	strace s3  }
0x95: {  	s3 =	sld [smem:$0x3FFD];
	_ =	sdelay $0x3  }
0x96: {  	_ =	strace s3  }
0x97: {  	_ =	strace $0x8FFFFFFF  }
0x98: {  	s19 =	sld [smem:$0x3FDB];
	_ =	sdelay $0x1  }
0x99: {  	s4 =	simm.s32 $_scs_section_size  }
0x9a: {  	s5 =	simm.s32 $_size__tile_overlayer_lowered;
	s6 =	simm.s32 $_tile_overlayer_lowered  }
0x9b: {  	s22 =	simm.s32 $0x1BFF;
	s21 =	sshll.u32 s6, $0x1;
	s3 =	sadd.s32 s4, s19  }
0x9c: {  	s7 =	simm.s32 $0x0;
	s20 =	sshll.u32 s5, $0x1;
	s5 =	sadd.s32 s21, s3  }
0x9d: {  	[timem:s7], [sflag:s22] =	dma.local [hbm:s5], s20  }
0x9e: {  	_ =	swait.ge [sflag:s22], s20  }
0x9f: {  	s4 =	ssub.s32 $0x0, s20;
	[sflag:s22] =	ssyncset.done $0x0  }
0xa0: {  	[sflag:s22] =	ssyncadd.s32 s4;
	_ =	sdelay $0x1  }
0xa1: {  	s23 =	simm.s32 $0x1B8B  }
0xa2: {  	_ =	swait.ge [sflag:s23], $0x1  }
0xa3: {  	[sflag:s23] =	ssyncset.done $0x0  }
0xa4: {  	s25 =	simm.s32 $0x1B8E;
	s24 =	sld [smem:$0x3FFE];
	[sflag:s23] =	ssyncadd.s32 $0xFFFFFFFF  }
0xa5: {  	s26 =	simm.s32 $execute0_lowered;
	[smem:$0x3FD2] =	sst s25  }
0xa6: {  	s5 =	sshll.u32 s26, $0x1;
	_ =	strace $0x80000046;
	[dreg:$0x1] =	wrdreg $0xFFFFFFFF  }
0xa7: {  	s28 =	simm.s32 $_size_execute0_lowered;
	s3 =	sadd.s32 s3, s5;
	[dreg:$0x0] =	wrdreg $0x0  }
0xa8: {  	s5 =	sshll.u32 s28, $0x1;
	[dreg:$0x2] =	wrdreg s3  }
0xa9: {  	[dreg:$0x3] =	wrdreg s5  }
0xaa: {  	[dreg:$0x4] =	wrdreg $0xC0  }
0xab: {  	_ =	task [dreg:s7], $0x5FFFF  }
0xac: {  	[dreg:$0x1] =	wrdreg $0xFFFFFFFF  }
0xad: {  	[dreg:$0x0] =	wrdreg $0x60  }
0xae: {  	[dreg:$0x2] =	wrdreg s24  }
0xaf: {  	[dreg:$0x3] =	wrdreg s2  }
0xb0: {  	[dreg:$0x4] =	wrdreg $0xA6000  }
0xb1: {  	[dreg:$0x5] =	wrdreg $0x9  }
0xb2: {  	_ =	task.clear_ibuf [dreg:s7], $0x6FFFF;
	_ =	strace $0x90000046  }
0xb3: {  	s29 =	simm.s32 $0x9;
	_ =	strace $0x80000048  }
0xb4: {  	_ =	swait.ge [sflag:s29], $0x1  }
0xb5: {  	[sflag:s29] =	ssyncadd.s32 $0xFFFFFFFF  }
0xb6: {  	_ =	strace $0x90000048  }
0xb7: {  	_ =	sfence  }
0xb8: {  	s30 =	sld [smem:$0x0];
	_ =	sdelay $0x2  }
0xb9: {  	s31 =	sshll.u32 s1, $0xD;
	s1 =	sshrl.u32 s1, $0x2  }
0xba: {  	s3 =	sand.u32 $0x4000, s31;
	s1 =	sadd.s32 s1, s30  }
0xbb: {  	s0 =	sor.u32 s3, s0;
	s1 =	sshll.u32 s1, $0x11  }
0xbc: {  	s0 =	sor.u32 s1, s0  }
0xbd: {  	s0 =	sadd.s32 $0x8F2B, s0  }
0xbe: {  	[sflag:s0] =	ssyncadd.remote.s32 $0x1  }
0xbf: {  	_ =	sfence.sel $0xFFFF  }
0xc0: {  	[dreg:$0x0] =	wrdreg $0xFFFFFFFF;
	(pc) =	sbr.abs _section_cstart, $3  }
0xc1: {  	[dreg:$0x1] =	wrdreg $0xFFFFFFFF  }
0xc2: {  	_ =	task.clear_ibuf [dreg:s7], $0x2FFFF;
	_ =	strace $0x9FFFFFFF  }
0xc3: {  	(tm) =	ssettm $0x7FFFFFFF  }
tec
execute0_lowered:
.L_overlay_start_1:
0x0: {  	(tag) =	ssettag $0x1  }
0x1: {  	s0 =	rddreg [dreg:$0x0]  }
0x2: {  	s1 =	rddreg [dreg:$0x1]  }
0x3: {  	s14 =	rddreg [dreg:$0x2];
	s2 =	simm.s32 $0x0;
	s3 =	srdreg.scid  }
0x4: {  	s15 =	stileid.u32;
	s30 =	simm.s32 $0x3;
	[smem:$0x7FF] =	sst s2  }
0x5: {  	s4 =	sadd.s32 $0xCF400, s0;
	s5 =	sadd.s32 $0x1F000, s0;
	s6 =	sadd.s32 $0x15000, s0  }
0x6: {  	s3 =	sand.u32 $0x1, s3;
	s8 =	sshll.u32 s15, $0x1;
	s10 =	smul.u32 $0x50000, s15  }
0x7: {  	s7 =	sadd.s32 $0xB000, s0;
	s12 =	smul.u32 $0x2800, s15;
	s13 =	sadd.s32 $0xD9400, s0  }
0x8: {  	p0 =	seq.s32 s15, $0xF;
	s15 =	simm.s32 $0x5;
	_ =	strace $0x80000047  }
0x9: {  	s9 =	sor.u32 s3, s8;
	s8 =	sadd.s32 $0x1000, s0;
	s25 =	smul.u32 $0x27100, s3  }
0xa: {  	s11 =	ssub.s32 $0x2, s3;
	s16 =	smul.u32 $0x2800, s9;
	s21 =	sadd.s32 s1, s12  }
0xb: {  	s10 =	sshrl.u32 s10, $0x2;
	s1 =	sadd.s32 $0x25800, s1;
	[dreg:$0x5] =	wrdreg s21  }
0xc: {  	s10 =	sadd.s32 s10, s14;
	[dreg:$0x6] =	wrdreg s1;
	s22 =	sshrl.u32 s16, $0x3  }
0xd: {  	s3 =	smul.u32 $0x138800, s3;
	[dreg:$0x4] =	wrdreg s10;
	s23 =	sadd.s32 s4, s22  }
0xe: {  	s20 =	sshrl.u32 s11, $0x1;
	s24 =	sadd.s32 s5, s22;
	[dreg:$0x7] =	wrdreg s23  }
0xf: {  	s9 =	ssub.s32 s11, s20;
	s26 =	sadd.s32 s6, s22;
	[dreg:$0x8] =	wrdreg s24  }
0x10: {  	s31 =	sadd.s32 s12, s25;
	s17 =	sadd.s32 s7, s22;
	[dreg:$0x9] =	wrdreg s26  }
0x11: {  	s3 =	sshrl.u32 s3, $0x3;
	s1 =	sadd.s32 s8, s22;
	[dreg:$0xa] =	wrdreg s17  }
0x12: {  	s28 =	sor.u32 $0x4, s22;
	s22 =	smax.u32 s9, $0x1;
	[dreg:$0xb] =	wrdreg s1  }
0x13: {  	s25 =	sadd.s32 $0xC5400, s0;
	s29 =	sadd.s32 s4, s28;
	[dreg:$0x13] =	wrdreg s22  }
0x14: {  	s10 =	simm.s32 $0x20;
	s12 =	sadd.s32 s5, s28;
	[dreg:$0xc] =	wrdreg s29  }
0x15: {  	s1 =	sadd.s32 s13, s31;
	s17 =	sadd.s32 s13, s3;
	[dreg:$0xd] =	wrdreg s12  }
0x16: {  	s18 =	sadd.s32 s6, s28;
	s19 =	sadd.s32 s7, s28;
	[dreg:$0xe] =	wrdreg s1  }
0x17: {  	s20 =	sadd.s32 s8, s28;
	s24 =	sadd.s32 $0x29000, s0;
	[dreg:$0xf] =	wrdreg s18  }
0x18: {  	s26 =	sadd.s32 $0x29100, s0;
	s23 =	sadd.s32 $0x12C000, s14;
	[dreg:$0x10] =	wrdreg s19  }
0x19: {  	s28 =	sor.u32 $0x40, s16;
	s31 =	sor.u32 $0x60, s16;
	[dreg:$0x11] =	wrdreg s20  }
.Ltmp0:
0x1a: {  	s13 =	simm.s32 $0x4;
	[dreg:$0x14] =	wrdreg s23;
	(pc) =	sbr.rel .LBB2_1-.Ltmp0, $4  }
0x1b: {  	s14 =	simm.s32 $0x6;
	s3 =	simm.s32 $0x0;
	[dreg:$0x15] =	wrdreg s28  }
0x1c: {  	v2 =	vlaneseq.u32;
	s21 =	sadd.s32 $0x25800, s17;
	s29 =	sor.u32 $0x20, s16;
	[dreg:$0x17] =	wrdreg s31  }
0x1d: {  	vm0 =	vmmov $0xffff;
	v1 =	vshrl.u32 v2, $0x3;
	s19 =	smov.u32 s16;
	s16 =	simm.s32 $0x100;
	[dreg:$0x12] =	wrdreg s21  }
0x1e: {  	v0 =	vand.u32 $0x7, v2;
	v2 =	vor.u32 $0x8, v2;
	v1 =	vmul.u32 $0x8, v1;
	s17 =	simm.s32 $0x2;
	s12 =	simm.s32 $0x180;
	[dreg:$0x16] =	wrdreg s29  }
.LBB2_8:
0x1f: {  	s0 =	simm.s32 $0x7  }
0x20: {  	_ =	swait.ge [sflag:s0], $0x1000  }
0x21: {  	[sflag:s0] =	ssyncset.done $0x0  }
0x22: {  	s28 =	simm.s32 $0x8;
	[sflag:s0] =	ssyncadd.s32 $0xFFFFF000  }
0x23: {  	_ =	swait.ge [sflag:s28], $0x1000  }
0x24: {  	[sflag:s28] =	ssyncset.done $0x0  }
0x25: {  	[sflag:s28] =	ssyncadd.s32 $0xFFFFF000  }
0x26: {  	[bflag:$0x0] =	sbarrier.arrive $0xFFFF  }
0x27: {  	s1 =	rddreg [dreg:$0x12]  }
0x28: {  	s0 =	simm.s32 @p0 $0x1FC9;
	s3 =	rddreg [dreg:$0x19]  }
0x29: {  	[hbm:s1], [sflag:s0] =	dma.local @p0 [spmem:s3], $0x1900  }
0x2a: {  	s0 =	simm.s32 @p0 $0x9  }
0x2b: {  	_ =	swait.ge @p0 [sflag:s0], $0x1900  }
0x2c: {  	s1 =	rddreg [dreg:$0x1a]  }
0x2d: {  	[sflag:s0] =	ssyncset.done @p0 $0x0;
	s3 =	rddreg [dreg:$0x1b]  }
0x2e: {  	[sflag:s0] =	ssyncadd.s32 @p0 $0xFFFFE700;
	s0 =	rddreg [dreg:$0xe]  }
0x2f: {  	[hbm:s0], [sflag:s1] =	dma.local @!p0 [spmem:s3], $0x2800  }
0x30: {  	s0 =	simm.s32 @!p0 $0x9  }
0x31: {  	_ =	swait.ge @!p0 [sflag:s0], $0x2800  }
0x32: {  	s29 =	rddreg [dreg:$0x18]  }
0x33: {  	s31 =	rddreg [dreg:$0x13];
	s3 =	sadd.s32 $0x1, s29  }
0x34: {  	p1 =	sne.s32 s3, s31  }
.Ltmp1:
0x35: {  	_ = 	snop;
	(pc) =	sbr.rel @!p1 .LBB2_9-.Ltmp1, $3  }
0x36: {  	_ =	sdelay $0x1  }
0x37: {  	[sflag:s0] =	ssyncset.done @!p0 $0x0  }
0x38: {  	[sflag:s0] =	ssyncadd.s32 @!p0 $0xFFFFD800  }
.LBB2_1:
0x39: {  	[dreg:$0x18] =	wrdreg s3  }
0x3a: {  	s0 =	rddreg [dreg:$0x14]  }
0x3b: {  	s3 =	sshrl.u32 @p0 s0, $0x3;
	s0 =	rddreg [dreg:$0x6]  }
0x3c: {  	s1 =	simm.s32 @p0 $0x1FC9;
	[dreg:$0x19] =	wrdreg s3  }
0x3d: {  	[spmem:s3], [sflag:s1] =	dma.local @p0 [hbm:s0], $0x1900  }
0x3e: {  	s1 =	simm.s32 @p0 $0x9  }
0x3f: {  	_ =	swait.ge @p0 [sflag:s1], $0x1900  }
0x40: {  	s0 =	stileid.u32;
	[sflag:s1] =	ssyncset.done @p0 $0x0  }
0x41: {  	s3 =	sshll.u32 @!p0 s0, $0x6;
	s0 =	rddreg [dreg:$0x4];
	[sflag:s1] =	ssyncadd.s32 @p0 $0xFFFFE700  }
0x42: {  	s1 =	sor.u32 @!p0 $0x1C09, s3;
	s3 =	sshrl.u32 @!p0 s0, $0x3;
	s0 =	rddreg [dreg:$0x5]  }
0x43: {  	[dreg:$0x1a] =	wrdreg s1  }
0x44: {  	[dreg:$0x1b] =	wrdreg s3  }
0x45: {  	[spmem:s3], [sflag:s1] =	dma.local @!p0 [hbm:s0], $0x2800  }
0x46: {  	s1 =	simm.s32 @!p0 $0x9  }
0x47: {  	_ =	swait.ge @!p0 [sflag:s1], $0x2800  }
0x48: {  	[sflag:s1] =	ssyncset.done @!p0 $0x0  }
0x49: {  	[sflag:s1] =	ssyncadd.s32 @!p0 $0xFFFFD800  }
0x4a: {  	[bflag:$0x0] =	sbarrier.arrive $0xFFFF  }
0x4b: {  	s22 =	rddreg [dreg:$0x7]  }
0x4c: {  	[tilespmem:s2], [sflag:$0x1] =	stream.linear.gather [hbm4b:s22+s2], $0x20, $0x38;
	[tilespmem:$0x1DE80] =	vst v63  }
0x4d: {  	s28 =	simm.s32 $0x200;
	s23 =	rddreg [dreg:$0x8]  }
0x4e: {  	[tilespmem:s28], [sflag:$0x1] =	stream.linear.gather [hbm4b:s23+s2], $0x20, $0x38;
	[tilespmem:$0x1DE80] =	vst v63  }
0x4f: {  	s31 =	simm.s32 $0x280;
	s29 =	rddreg [dreg:$0x9]  }
0x50: {  	[tilespmem:s31], [sflag:$0x1] =	stream.linear.gather [hbm4b:s29+s2], $0x20, $0x38;
	[tilespmem:$0x1DE80] =	vst v63  }
0x51: {  	s3 =	simm.s32 $0x300;
	s1 =	rddreg [dreg:$0xa]  }
0x52: {  	[tilespmem:s3], [sflag:$0x1] =	stream.linear.gather [hbm4b:s1+s2], $0x20, $0x38;
	[tilespmem:$0x1DE80] =	vst v63  }
0x53: {  	s11 =	simm.s32 $0x380;
	s9 =	rddreg [dreg:$0xb]  }
0x54: {  	[tilespmem:s11], [sflag:$0x1] =	stream.linear.gather [hbm4b:s9+s2], $0x20, $0x38;
	[tilespmem:$0x1DE80] =	vst v63  }
0x55: {  	s20 =	simm.s32 $0x80;
	s18 =	rddreg [dreg:$0xc]  }
0x56: {  	[tilespmem:s20], [sflag:$0x2] =	stream.linear.gather [hbm4b:s18+s2], $0x20, $0x38;
	[tilespmem:$0x1DE80] =	vst v63  }
0x57: {  	s21 =	rddreg [dreg:$0xd];
	s22 =	simm.s32 $0x400  }
0x58: {  	[tilespmem:s22], [sflag:$0x2] =	stream.linear.gather [hbm4b:s21+s2], $0x20, $0x38;
	[tilespmem:$0x1DE80] =	vst v63  }
0x59: {  	s23 =	rddreg [dreg:$0xf];
	s28 =	simm.s32 $0x480  }
0x5a: {  	[tilespmem:s28], [sflag:$0x2] =	stream.linear.gather [hbm4b:s23+s2], $0x20, $0x38;
	[tilespmem:$0x1DE80] =	vst v63  }
0x5b: {  	s29 =	rddreg [dreg:$0x10];
	s31 =	simm.s32 $0x500  }
0x5c: {  	[tilespmem:s31], [sflag:$0x2] =	stream.linear.gather [hbm4b:s29+s2], $0x20, $0x38;
	[tilespmem:$0x1DE80] =	vst v63  }
0x5d: {  	s3 =	rddreg [dreg:$0x11];
	s9 =	simm.s32 $0x580;
	s11 =	simm.s32 $0x1  }
0x5e: {  	[tilespmem:s9], [sflag:$0x2] =	stream.linear.gather [hbm4b:s3+s2], $0x20, $0x38;
	[tilespmem:$0x1DE80] =	vst v63  }
0x5f: {  	_ =	swait.ge [sflag:s11], $0x20  }
0x60: {  	[sflag:s11] =	ssyncset.done $0x0  }
0x61: {  	[sflag:s11] =	ssyncadd.s32 $0xFFFFFFE0  }
0x62: {  	_ =	swait.ge [sflag:s11], $0x20  }
0x63: {  	[sflag:s11] =	ssyncset.done $0x0  }
0x64: {  	[sflag:s11] =	ssyncadd.s32 $0xFFFFFFE0  }
0x65: {  	_ =	swait.ge [sflag:s11], $0x20  }
0x66: {  	[sflag:s11] =	ssyncset.done $0x0  }
0x67: {  	[sflag:s11] =	ssyncadd.s32 $0xFFFFFFE0  }
0x68: {  	_ =	swait.ge [sflag:s11], $0x20  }
0x69: {  	[sflag:s11] =	ssyncset.done $0x0  }
0x6a: {  	[sflag:s11] =	ssyncadd.s32 $0xFFFFFFE0  }
0x6b: {  	_ =	swait.ge [sflag:s11], $0x20  }
0x6c: {  	[sflag:s11] =	ssyncset.done $0x0  }
0x6d: {  	[sflag:s11] =	ssyncadd.s32 $0xFFFFFFE0  }
0x6e: {  	v3 =	vld [tilespmem:$0x0];
	_ =	sdelay $0x4  }
0x6f: {  	v4 =	vshll.u32 v3, $0x2  }
0x70: {  	v3 =	vand.u32 $0x7, v3;
	v4 =	vand.u32 $0xFFFFFFE0, v4  }
0x71: {  	v3 =	vor.u32 v3, v4  }
0x72: {  	v4 =	vperm.xlane v3, v0;
	_ =	sdelay $0x1  }
0x73: {  	v4 =	vadd.s32 v1, v4;
	_ =	sdelay $0x1  }
0x74: {  	v3 =	vperm.xlane v3, v2;
	_ =	sdelay $0x1  }
0x75: {  	s18 =	simm.s32 $0x600;
	v3 =	vadd.s32 v1, v3  }
0x76: {  	[tilespmem:s18], [sflag:$0x3] =	stream.indirect_vreg.gather [hbm4b:s24+s2], $0x80, v4, vm0, $0xb8;
	[tilespmem:$0x1DE80] =	vst v63  }
0x77: {  	s20 =	simm.s32 $0xE00  }
0x78: {  	[tilespmem:s20], [sflag:$0x3] =	stream.indirect_vreg.gather [hbm4b:s26+s2], $0x80, v4, vm0, $0xb8;
	[tilespmem:$0x1DE80] =	vst v63  }
0x79: {  	s21 =	simm.s32 $0x1600  }
0x7a: {  	[tilespmem:s21], [sflag:$0x3] =	stream.indirect_vreg.gather [hbm4b:s24+s2], $0x80, v3, vm0, $0xb8;
	[tilespmem:$0x1DE80] =	vst v63  }
0x7b: {  	s22 =	simm.s32 $0x1E00  }
0x7c: {  	[tilespmem:s22], [sflag:$0x3] =	stream.indirect_vreg.gather [hbm4b:s26+s2], $0x80, v3, vm0, $0xb8;
	[tilespmem:$0x1DE80] =	vst v63  }
0x7d: {  	v3 =	vld [tilespmem:$0x10];
	_ =	sdelay $0x4  }
0x7e: {  	v63 =	vshll.u32 v3, $0x2  }
0x7f: {  	v3 =	vand.u32 $0x7, v3;
	v4 =	vand.u32 $0xFFFFFFE0, v63  }
0x80: {  	v3 =	vor.u32 v3, v4  }
0x81: {  	v4 =	vperm.xlane v3, v0;
	_ =	sdelay $0x1  }
0x82: {  	v4 =	vadd.s32 v1, v4;
	_ =	sdelay $0x1  }
0x83: {  	v3 =	vperm.xlane v3, v2;
	_ =	sdelay $0x1  }
0x84: {  	s23 =	simm.s32 $0x2600;
	v3 =	vadd.s32 v1, v3  }
0x85: {  	[tilespmem:s23], [sflag:$0x3] =	stream.indirect_vreg.gather [hbm4b:s24+s2], $0x80, v4, vm0, $0xb8;
	[tilespmem:$0x1DE80] =	vst v63  }
0x86: {  	s28 =	simm.s32 $0x2E00  }
0x87: {  	[tilespmem:s28], [sflag:$0x3] =	stream.indirect_vreg.gather [hbm4b:s26+s2], $0x80, v4, vm0, $0xb8;
	[tilespmem:$0x1DE80] =	vst v63  }
0x88: {  	s29 =	simm.s32 $0x3600  }
0x89: {  	[tilespmem:s29], [sflag:$0x3] =	stream.indirect_vreg.gather [hbm4b:s24+s2], $0x80, v3, vm0, $0xb8;
	[tilespmem:$0x1DE80] =	vst v63  }
0x8a: {  	s31 =	simm.s32 $0x3E00;
	s20 =	simm.s32 $0x0  }
0x8b: {  	[tilespmem:s31], [sflag:$0x3] =	stream.indirect_vreg.gather [hbm4b:s26+s2], $0x80, v3, vm0, $0xb8;
	[tilespmem:$0x1DE80] =	vst v63  }
.LBB2_2:
0x8c: {  	p1 =	seq.s32 s20, $0x0  }
0x8d: {  	s21 =	sshll.u32 s20, $0x6;
	s1 =	simm.s32 @!p1 $0x7  }
0x8e: {  	s3 =	sadd.s32 s19, s21;
	_ =	swait.ge @!p1 [sflag:s1], $0x1000  }
0x8f: {  	s3 =	sshrl.u32 s3, $0x3;
	[sflag:s1] =	ssyncset.done @!p1 $0x0  }
0x90: {  	s22 =	simm.s32 $0x0;
	s3 =	sadd.s32 s25, s3;
	[sflag:s1] =	ssyncadd.s32 @!p1 $0xFFFFF000  }
0x91: {  	[tilespmem:s16], [sflag:$0x5] =	stream.linear.gather [hbm4b:s3+s22], $0x20, $0x38;
	[tilespmem:$0x1DE80] =	vst v63  }
0x92: {  	_ =	swait.ge [sflag:s17], $0x20  }
0x93: {  	[sflag:s17] =	ssyncset.done $0x0  }
0x94: {  	[sflag:s17] =	ssyncadd.s32 $0xFFFFFFE0  }
0x95: {  	_ =	swait.ge [sflag:s17], $0x20  }
0x96: {  	[sflag:s17] =	ssyncset.done $0x0  }
0x97: {  	[sflag:s17] =	ssyncadd.s32 $0xFFFFFFE0  }
0x98: {  	_ =	swait.ge [sflag:s17], $0x20  }
0x99: {  	[sflag:s17] =	ssyncset.done $0x0  }
0x9a: {  	[sflag:s17] =	ssyncadd.s32 $0xFFFFFFE0  }
0x9b: {  	_ =	swait.ge [sflag:s17], $0x20  }
0x9c: {  	[sflag:s17] =	ssyncset.done $0x0  }
0x9d: {  	[sflag:s17] =	ssyncadd.s32 $0xFFFFFFE0  }
0x9e: {  	_ =	swait.ge [sflag:s17], $0x20  }
0x9f: {  	[sflag:s17] =	ssyncset.done $0x0  }
0xa0: {  	[sflag:s17] =	ssyncadd.s32 $0xFFFFFFE0  }
0xa1: {  	v3 =	vld [tilespmem:$0x80];
	_ =	sdelay $0x4  }
0xa2: {  	v4 =	vshll.u32 v3, $0x2  }
0xa3: {  	v3 =	vand.u32 $0x7, v3;
	v4 =	vand.u32 $0xFFFFFFE0, v4  }
0xa4: {  	v3 =	vor.u32 v3, v4  }
0xa5: {  	v4 =	vperm.xlane v3, v0;
	_ =	sdelay $0x1  }
0xa6: {  	v4 =	vadd.s32 v1, v4;
	_ =	sdelay $0x1  }
0xa7: {  	v3 =	vperm.xlane v3, v2;
	_ =	sdelay $0x1  }
0xa8: {  	s0 =	simm.s32 $0x4600;
	v3 =	vadd.s32 v1, v3  }
0xa9: {  	[tilespmem:s0], [sflag:$0x4] =	stream.indirect_vreg.gather [hbm4b:s24+s22], $0x80, v4, vm0, $0xb8;
	[tilespmem:$0x1DE80] =	vst v63  }
0xaa: {  	s9 =	simm.s32 $0x4E00  }
0xab: {  	[tilespmem:s9], [sflag:$0x4] =	stream.indirect_vreg.gather [hbm4b:s26+s22], $0x80, v4, vm0, $0xb8;
	[tilespmem:$0x1DE80] =	vst v63  }
0xac: {  	s11 =	simm.s32 $0x5600  }
0xad: {  	[tilespmem:s11], [sflag:$0x4] =	stream.indirect_vreg.gather [hbm4b:s24+s22], $0x80, v3, vm0, $0xb8;
	[tilespmem:$0x1DE80] =	vst v63  }
0xae: {  	s18 =	simm.s32 $0x5E00  }
0xaf: {  	[tilespmem:s18], [sflag:$0x4] =	stream.indirect_vreg.gather [hbm4b:s26+s22], $0x80, v3, vm0, $0xb8;
	[tilespmem:$0x1DE80] =	vst v63  }
0xb0: {  	v3 =	vld [tilespmem:$0x90];
	_ =	sdelay $0x4  }
0xb1: {  	v63 =	vshll.u32 v3, $0x2  }
0xb2: {  	v3 =	vand.u32 $0x7, v3;
	v4 =	vand.u32 $0xFFFFFFE0, v63  }
0xb3: {  	v3 =	vor.u32 v3, v4  }
0xb4: {  	v4 =	vperm.xlane v3, v0;
	_ =	sdelay $0x1  }
0xb5: {  	v4 =	vadd.s32 v1, v4;
	_ =	sdelay $0x1  }
0xb6: {  	v3 =	vperm.xlane v3, v2;
	_ =	sdelay $0x1  }
0xb7: {  	s23 =	simm.s32 $0x6600;
	v3 =	vadd.s32 v1, v3  }
0xb8: {  	[tilespmem:s23], [sflag:$0x4] =	stream.indirect_vreg.gather [hbm4b:s24+s22], $0x80, v4, vm0, $0xb8;
	[tilespmem:$0x1DE80] =	vst v63  }
0xb9: {  	s28 =	simm.s32 $0x6E00  }
0xba: {  	[tilespmem:s28], [sflag:$0x4] =	stream.indirect_vreg.gather [hbm4b:s26+s22], $0x80, v4, vm0, $0xb8;
	[tilespmem:$0x1DE80] =	vst v63  }
0xbb: {  	s29 =	simm.s32 $0x7600  }
0xbc: {  	[tilespmem:s29], [sflag:$0x4] =	stream.indirect_vreg.gather [hbm4b:s24+s22], $0x80, v3, vm0, $0xb8;
	[tilespmem:$0x1DE80] =	vst v63  }
0xbd: {  	s31 =	simm.s32 $0x7E00  }
0xbe: {  	[tilespmem:s31], [sflag:$0x4] =	stream.indirect_vreg.gather [hbm4b:s26+s22], $0x80, v3, vm0, $0xb8;
	[tilespmem:$0x1DE80] =	vst v63  }
0xbf: {  	_ =	swait.ge [sflag:s30], $0x4000  }
0xc0: {  	[sflag:s30] =	ssyncset.done $0x0  }
0xc1: {  	[sflag:s30] =	ssyncadd.s32 $0xFFFFC000  }
.LBB2_3:
0xc2: {  	s1 =	sand.u32 $0x10, s22  }
0xc3: {  	v29 =	vld [tilespmem:s1+$0x200]  }
0xc4: {  	s3 =	sshll.u32 s22, $0x9;
	v30 =	vld [tilespmem:s1+$0x280]  }
0xc5: {  	v28 =	vld [tilespmem:s1+$0x300];
	s23 =	sand.u32 $0x3FFFFE00, s3  }
0xc6: {  	v3 =	vld [tilespmem:s23+$0x600]  }
0xc7: {  	v7 =	vld [tilespmem:s23+$0xA00]  }
0xc8: {  	s9 =	sand.u32 $0x8, s22;
	v24 =	vld [tilespmem:s1+$0x380]  }
0xc9: {  	v8 =	vmov s9;
	v9 =	vld [tilespmem:s23+$0xE00]  }
0xca: {  	v5 =	vperm.xlane v29, v8;
	v6 =	vperm.xlane v30, v8  }
0xcb: {  	v10 =	vld [tilespmem:s23+$0x1200];
	v4 =	vperm.xlane v28, v8  }
0xcc: {  	v11 =	vmul.f32 v3, v5;
	v7 =	vmul.f32 v7, v6;
	_ =	sdelay $0x1  }
0xcd: {  	v3 =	vperm.xlane v24, v8;
	v35 =	vmul.f32 v9, v4;
	v7 =	vadd.f32 v7, v11;
	_ =	sdelay $0x1  }
0xce: {  	v36 =	vmul.f32 v10, v3;
	v7 =	vadd.f32 v35, v7;
	_ =	sdelay $0x1  }
0xcf: {  	s11 =	sshll.u32 s22, $0x7;
	v7 =	vadd.f32 v36, v7  }
0xd0: {  	s28 =	sand.u32 $0x3FFFFF80, s11  }
0xd1: {  	[tilespmem:s28+$0x8600] =	vst v7  }
0xd2: {  	v7 =	vld [tilespmem:s23+$0x610]  }
0xd3: {  	v37 =	vld [tilespmem:s23+$0xA10];
	_ =	sdelay $0x1  }
0xd4: {  	v38 =	vld [tilespmem:s23+$0xE10];
	_ =	sdelay $0x1  }
0xd5: {  	v39 =	vld [tilespmem:s23+$0x1210]  }
0xd6: {  	v7 =	vmul.f32 v7, v5;
	v8 =	vmul.f32 v37, v6;
	_ =	sdelay $0x1  }
0xd7: {  	v40 =	vmul.f32 v38, v4;
	v7 =	vadd.f32 v8, v7;
	_ =	sdelay $0x1  }
0xd8: {  	v41 =	vmul.f32 v39, v3;
	v7 =	vadd.f32 v40, v7;
	_ =	sdelay $0x1  }
0xd9: {  	v7 =	vadd.f32 v41, v7;
	_ =	sdelay $0x1  }
0xda: {  	[tilespmem:s28+$0x8610] =	vst v7  }
0xdb: {  	v7 =	vld [tilespmem:s23+$0x620]  }
0xdc: {  	v42 =	vld [tilespmem:s23+$0xA20];
	_ =	sdelay $0x1  }
0xdd: {  	v43 =	vld [tilespmem:s23+$0xE20];
	_ =	sdelay $0x1  }
0xde: {  	v44 =	vld [tilespmem:s23+$0x1220]  }
0xdf: {  	v7 =	vmul.f32 v7, v5;
	v8 =	vmul.f32 v42, v6;
	_ =	sdelay $0x1  }
0xe0: {  	v45 =	vmul.f32 v43, v4;
	v7 =	vadd.f32 v8, v7;
	_ =	sdelay $0x1  }
0xe1: {  	v46 =	vmul.f32 v44, v3;
	v7 =	vadd.f32 v45, v7;
	_ =	sdelay $0x1  }
0xe2: {  	v7 =	vadd.f32 v46, v7;
	_ =	sdelay $0x1  }
0xe3: {  	[tilespmem:s28+$0x8620] =	vst v7  }
0xe4: {  	v7 =	vld [tilespmem:s23+$0x630]  }
0xe5: {  	v47 =	vld [tilespmem:s23+$0xA30]  }
0xe6: {  	v12 =	vld [tilespmem:s23+$0x680]  }
0xe7: {  	v48 =	vld [tilespmem:s23+$0xE30]  }
0xe8: {  	s18 =	sor.u32 $0x1, s22;
	v13 =	vld [tilespmem:s23+$0xA80]  }
0xe9: {  	s29 =	sand.u32 $0x9, s18;
	v49 =	vld [tilespmem:s23+$0x1230]  }
0xea: {  	v14 =	vmov s29;
	v7 =	vmul.f32 v7, v5;
	v8 =	vmul.f32 v47, v6  }
0xeb: {  	v15 =	vld [tilespmem:s23+$0xE80];
	v9 =	vperm.xlane v29, v14;
	v10 =	vperm.xlane v30, v14  }
0xec: {  	v50 =	vmul.f32 v48, v4;
	v7 =	vadd.f32 v8, v7  }
0xed: {  	v16 =	vld [tilespmem:s23+$0x1280];
	v12 =	vmul.f32 v12, v9;
	v13 =	vmul.f32 v13, v10  }
0xee: {  	v11 =	vmul.f32 v49, v3;
	v8 =	vperm.xlane v28, v14;
	v7 =	vadd.f32 v50, v7  }
0xef: {  	v12 =	vadd.f32 v13, v12  }
0xf0: {  	v51 =	vmul.f32 v15, v8;
	v11 =	vadd.f32 v11, v7;
	v7 =	vperm.xlane v24, v14;
	_ =	sdelay $0x1  }
0xf1: {  	v52 =	vadd.f32 v51, v12;
	v53 =	vmul.f32 v16, v7  }
0xf2: {  	v18 =	vld [tilespmem:s23+$0x700];
	[tilespmem:s28+$0x8630] =	vst v11  }
0xf3: {  	s1 =	sshll.u32 s18, $0x7;
	v54 =	vld [tilespmem:s23+$0x640];
	v11 =	vadd.f32 v53, v52  }
0xf4: {  	s29 =	sand.u32 $0x3FFFFF80, s1;
	v55 =	vld [tilespmem:s23+$0xA40]  }
0xf5: {  	v56 =	vld [tilespmem:s23+$0xE40];
	[tilespmem:s29+$0x8600] =	vst v11  }
0xf6: {  	v11 =	vld [tilespmem:s23+$0x690]  }
0xf7: {  	v58 =	vld [tilespmem:s23+$0xA90]  }
0xf8: {  	v19 =	vld [tilespmem:s23+$0xB00]  }
0xf9: {  	v17 =	vld [tilespmem:s23+$0xE90];
	v13 =	vmul.f32 v54, v5;
	v14 =	vmul.f32 v55, v6  }
0xfa: {  	s31 =	sor.u32 $0x2, s22;
	v22 =	vld [tilespmem:s23+$0xF00]  }
0xfb: {  	s0 =	sand.u32 $0xA, s31;
	v20 =	vld [tilespmem:s23+$0x1290];
	v12 =	vmul.f32 v56, v4;
	v13 =	vadd.f32 v14, v13  }
0xfc: {  	v21 =	vmov s0;
	v57 =	vld [tilespmem:s23+$0x1240];
	v11 =	vmul.f32 v11, v9;
	v16 =	vmul.f32 v58, v10  }
0xfd: {  	v14 =	vperm.xlane v30, v21;
	v23 =	vadd.f32 v12, v13  }
0xfe: {  	v13 =	vperm.xlane v29, v21;
	v59 =	vmul.f32 v17, v8;
	v11 =	vadd.f32 v16, v11  }
0xff: {  	v60 =	vld [tilespmem:s23+$0x1300];
	v12 =	vperm.xlane v28, v21;
	v19 =	vmul.f32 v19, v14  }
0x100: {  	v20 =	vmul.f32 v20, v7;
	v18 =	vmul.f32 v18, v13;
	v16 =	vadd.f32 v59, v11  }
0x101: {  	v15 =	vmul.f32 v57, v3;
	v61 =	vmul.f32 v22, v12  }
0x102: {  	v11 =	vperm.xlane v24, v21;
	v18 =	vadd.f32 v19, v18;
	v16 =	vadd.f32 v20, v16;
	_ =	sdelay $0x1  }
0x103: {  	v25 =	vld [tilespmem:s23+$0x780];
	v15 =	vadd.f32 v15, v23;
	v62 =	vadd.f32 v61, v18;
	v17 =	vmul.f32 v60, v11;
	[tilespmem:s29+$0x8610] =	vst v16  }
0x104: {  	v16 =	vld [tilespmem:s23+$0x6A0]  }
0x105: {  	s1 =	sshll.u32 s31, $0x7;
	[tilespmem:s28+$0x8640] =	vst v15;
	v15 =	vadd.f32 v17, v62;
	v32 =	vld [tilespmem:s23+$0xAA0]  }
0x106: {  	s11 =	sand.u32 $0x3FFFFF80, s1;
	v33 =	vld [tilespmem:s23+$0xEA0]  }
0x107: {  	v35 =	vld [tilespmem:s23+$0x12A0];
	[tilespmem:s11+$0x8600] =	vst v15  }
0x108: {  	v15 =	vld [tilespmem:s23+$0x710]  }
0x109: {  	v34 =	vld [tilespmem:s23+$0xB10]  }
0x10a: {  	v27 =	vld [tilespmem:s23+$0xF80];
	v16 =	vmul.f32 v16, v9;
	v17 =	vmul.f32 v32, v10  }
0x10b: {  	s9 =	sor.u32 $0x3, s22;
	v36 =	vld [tilespmem:s23+$0xF10]  }
0x10c: {  	s18 =	sand.u32 $0xB, s9;
	v40 =	vld [tilespmem:s23+$0xB80];
	v38 =	vmul.f32 v33, v8;
	v16 =	vadd.f32 v17, v16  }
0x10d: {  	v43 =	vmov s18;
	v37 =	vld [tilespmem:s23+$0x1310];
	v41 =	vmul.f32 v35, v7  }
0x10e: {  	v63 =	vld [tilespmem:s23+$0x650];
	v15 =	vmul.f32 v15, v13;
	v39 =	vmul.f32 v34, v14;
	v16 =	vadd.f32 v38, v16  }
0x10f: {  	v26 =	vld [tilespmem:s23+$0xA50];
	v18 =	vperm.xlane v30, v43;
	v17 =	vperm.xlane v29, v43  }
0x110: {  	v31 =	vld [tilespmem:s23+$0xE50];
	v42 =	vmul.f32 v36, v12;
	v15 =	vadd.f32 v39, v15;
	v16 =	vadd.f32 v41, v16  }
0x111: {  	v20 =	vmul.f32 v40, v18;
	v32 =	vld [tilespmem:s23+$0x1380];
	v25 =	vmul.f32 v25, v17  }
0x112: {  	v33 =	vld [tilespmem:s23+$0x1250];
	v23 =	vmul.f32 v37, v11;
	v21 =	vadd.f32 v42, v15;
	v15 =	vperm.xlane v28, v43;
	[tilespmem:s29+$0x8620] =	vst v16  }
0x113: {  	v20 =	vadd.f32 v20, v25;
	v34 =	vld [tilespmem:s23+$0x6B0]  }
0x114: {  	v21 =	vadd.f32 v23, v21;
	v16 =	vperm.xlane v24, v43;
	v45 =	vmul.f32 v27, v15;
	v44 =	vld [tilespmem:s23+$0xAB0]  }
0x115: {  	v46 =	vld [tilespmem:s23+$0xEB0]  }
0x116: {  	v52 =	vld [tilespmem:s23+$0x12B0];
	[tilespmem:s11+$0x8610] =	vst v21;
	v20 =	vadd.f32 v45, v20;
	v49 =	vmul.f32 v32, v16  }
0x117: {  	v19 =	vmul.f32 v63, v5;
	v26 =	vmul.f32 v26, v6;
	v48 =	vld [tilespmem:s23+$0x720]  }
0x118: {  	s1 =	sshll.u32 s9, $0x7;
	v50 =	vld [tilespmem:s23+$0xB20];
	v20 =	vadd.f32 v49, v20  }
0x119: {  	s18 =	sand.u32 $0x3FFFFF80, s1;
	v47 =	vmul.f32 v31, v4;
	v19 =	vadd.f32 v26, v19;
	v54 =	vld [tilespmem:s23+$0xF20]  }
0x11a: {  	v55 =	vld [tilespmem:s23+$0x1320];
	[tilespmem:s18+$0x8600] =	vst v20  }
0x11b: {  	v19 =	vadd.f32 v47, v19;
	v51 =	vmul.f32 v33, v3;
	v58 =	vld [tilespmem:s23+$0x790]  }
0x11c: {  	v53 =	vmul.f32 v34, v9;
	v23 =	vmul.f32 v44, v10;
	v61 =	vld [tilespmem:s23+$0xB90]  }
0x11d: {  	v19 =	vadd.f32 v51, v19;
	v59 =	vmul.f32 v48, v13;
	v60 =	vmul.f32 v50, v14  }
0x11e: {  	v57 =	vmul.f32 v46, v8;
	v37 =	vld [tilespmem:s23+$0xF90];
	v56 =	vadd.f32 v23, v53  }
0x11f: {  	v35 =	vld [tilespmem:s23+$0xC00];
	[tilespmem:s28+$0x8650] =	vst v19;
	v36 =	vmul.f32 v54, v12;
	v19 =	vadd.f32 v60, v59  }
0x120: {  	v63 =	vmul.f32 v52, v7;
	v39 =	vld [tilespmem:s23+$0x1390];
	v21 =	vmul.f32 v55, v11;
	v20 =	vadd.f32 v57, v56  }
0x121: {  	v62 =	vld [tilespmem:s23+$0x660];
	v19 =	vadd.f32 v36, v19;
	v23 =	vmul.f32 v58, v17;
	v26 =	vmul.f32 v61, v18  }
0x122: {  	v38 =	vld [tilespmem:s23+$0xA60];
	v20 =	vadd.f32 v63, v20  }
0x123: {  	v40 =	vld [tilespmem:s23+$0xE60];
	v43 =	vmul.f32 v37, v15;
	v19 =	vadd.f32 v21, v19;
	v42 =	vadd.f32 v26, v23  }
0x124: {  	v41 =	vld [tilespmem:s23+$0x1260];
	[tilespmem:s29+$0x8630] =	vst v20  }
0x125: {  	v22 =	vmul.f32 v39, v16;
	v20 =	vld [tilespmem:s23+$0x6C0];
	[tilespmem:s11+$0x8620] =	vst v19;
	v21 =	vadd.f32 v43, v42  }
0x126: {  	v19 =	vld [tilespmem:s23+$0x730]  }
0x127: {  	v45 =	vld [tilespmem:s23+$0xB30];
	v21 =	vadd.f32 v22, v21  }
0x128: {  	v48 =	vld [tilespmem:s23+$0xF30]  }
0x129: {  	v27 =	vmul.f32 v62, v5;
	v46 =	vmul.f32 v38, v6;
	v49 =	vld [tilespmem:s23+$0x1330];
	[tilespmem:s18+$0x8610] =	vst v21  }
0x12a: {  	v51 =	vld [tilespmem:s23+$0x7A0]  }
0x12b: {  	v25 =	vmul.f32 v40, v4;
	v27 =	vadd.f32 v46, v27;
	v52 =	vld [tilespmem:s23+$0xBA0]  }
0x12c: {  	v44 =	vld [tilespmem:s23+$0xAC0];
	v19 =	vmul.f32 v19, v13;
	v23 =	vmul.f32 v45, v14  }
0x12d: {  	v50 =	vmul.f32 v41, v3;
	v25 =	vadd.f32 v25, v27;
	v54 =	vld [tilespmem:s23+$0xFA0]  }
0x12e: {  	v47 =	vld [tilespmem:s23+$0xEC0];
	v22 =	vmul.f32 v48, v12;
	v19 =	vadd.f32 v23, v19  }
0x12f: {  	v21 =	vadd.f32 v50, v25;
	v57 =	vld [tilespmem:s23+$0x13A0];
	v56 =	vmul.f32 v49, v11  }
0x130: {  	v37 =	vld [tilespmem:s23+$0x1000];
	v19 =	vadd.f32 v22, v19;
	v58 =	vmul.f32 v51, v17;
	v59 =	vmul.f32 v52, v18  }
0x131: {  	v53 =	vld [tilespmem:s23+$0x12C0];
	v20 =	vmul.f32 v20, v9;
	v26 =	vmul.f32 v44, v10  }
0x132: {  	v44 =	vld [tilespmem:s23+$0x800];
	[tilespmem:s28+$0x8660] =	vst v21;
	v23 =	vmul.f32 v54, v15;
	v19 =	vadd.f32 v56, v19;
	v60 =	vadd.f32 v59, v58  }
0x133: {  	v55 =	vmul.f32 v47, v8;
	v25 =	vld [tilespmem:s23+$0x670]  }
0x134: {  	v20 =	vadd.f32 v26, v20;
	v26 =	vld [tilespmem:s23+$0xA70];
	v61 =	vmul.f32 v57, v16;
	[tilespmem:s11+$0x8630] =	vst v19;
	v22 =	vadd.f32 v23, v60  }
0x135: {  	v19 =	vld [tilespmem:s23+$0x740]  }
0x136: {  	v34 =	vmul.f32 v53, v7;
	v21 =	vadd.f32 v55, v20;
	v62 =	vld [tilespmem:s23+$0xB40];
	v22 =	vadd.f32 v61, v22  }
0x137: {  	v39 =	vld [tilespmem:s23+$0xF40]  }
0x138: {  	v21 =	vadd.f32 v34, v21;
	v40 =	vld [tilespmem:s23+$0x1340];
	[tilespmem:s18+$0x8620] =	vst v22  }
0x139: {  	v22 =	vld [tilespmem:s23+$0x7B0]  }
0x13a: {  	[tilespmem:s29+$0x8640] =	vst v21;
	v41 =	vld [tilespmem:s23+$0xBB0]  }
0x13b: {  	v63 =	vld [tilespmem:s23+$0x6D0];
	v19 =	vmul.f32 v19, v13;
	v21 =	vmul.f32 v62, v14  }
0x13c: {  	v42 =	vld [tilespmem:s23+$0xFB0]  }
0x13d: {  	v38 =	vld [tilespmem:s23+$0xAD0];
	v43 =	vmul.f32 v39, v12;
	v19 =	vadd.f32 v21, v19  }
0x13e: {  	s31 =	sor.u32 $0x4, s22;
	v46 =	vld [tilespmem:s23+$0x13B0];
	v45 =	vmul.f32 v40, v11  }
0x13f: {  	s0 =	sand.u32 $0xC, s31;
	v27 =	vld [tilespmem:s23+$0xE70];
	v19 =	vadd.f32 v43, v19;
	v22 =	vmul.f32 v22, v17;
	v33 =	vmul.f32 v41, v18  }
0x140: {  	v36 =	vmov s0;
	v31 =	vmul.f32 v63, v9;
	v41 =	vld [tilespmem:s23+$0xED0]  }
0x141: {  	v20 =	vld [tilespmem:s23+$0x1270];
	v34 =	vmul.f32 v42, v15;
	v39 =	vadd.f32 v45, v19;
	v33 =	vadd.f32 v33, v22  }
0x142: {  	v50 =	vmul.f32 v38, v10;
	v21 =	vperm.xlane v29, v36;
	v43 =	vld [tilespmem:s23+$0x12D0]  }
0x143: {  	v40 =	vld [tilespmem:s23+$0x1400];
	v32 =	vmul.f32 v46, v16;
	v19 =	vperm.xlane v30, v36;
	[tilespmem:s11+$0x8640] =	vst v39;
	v33 =	vadd.f32 v34, v33  }
0x144: {  	v31 =	vadd.f32 v50, v31;
	v42 =	vmul.f32 v44, v21;
	v22 =	vperm.xlane v28, v36;
	v47 =	vld [tilespmem:s23+$0x750]  }
0x145: {  	v35 =	vmul.f32 v35, v19;
	v49 =	vld [tilespmem:s23+$0xB50];
	v53 =	vmul.f32 v41, v8;
	v32 =	vadd.f32 v32, v33  }
0x146: {  	v23 =	vperm.xlane v24, v36;
	v48 =	vmul.f32 v37, v22;
	v51 =	vld [tilespmem:s23+$0xF50]  }
0x147: {  	v39 =	vld [tilespmem:s23+$0x1350];
	v56 =	vmul.f32 v43, v7;
	v35 =	vadd.f32 v35, v42;
	v31 =	vadd.f32 v53, v31;
	[tilespmem:s18+$0x8630] =	vst v32  }
0x148: {  	v54 =	vld [tilespmem:s23+$0x7C0]  }
0x149: {  	v52 =	vmul.f32 v40, v23;
	v35 =	vadd.f32 v48, v35;
	v55 =	vld [tilespmem:s23+$0xBC0];
	v31 =	vadd.f32 v56, v31  }
0x14a: {  	v57 =	vld [tilespmem:s23+$0xFC0]  }
0x14b: {  	s1 =	sshll.u32 s31, $0x7;
	v62 =	vld [tilespmem:s23+$0x13C0];
	v35 =	vadd.f32 v52, v35;
	v34 =	vmul.f32 v47, v13;
	v58 =	vmul.f32 v49, v14;
	[tilespmem:s29+$0x8650] =	vst v31  }
0x14c: {  	s3 =	sand.u32 $0x3FFFFF80, s1;
	v46 =	vld [tilespmem:s23+$0x6E0]  }
0x14d: {  	v61 =	vmul.f32 v51, v12;
	[tilespmem:s3+$0x8600] =	vst v35;
	v34 =	vadd.f32 v58, v34;
	v50 =	vld [tilespmem:s23+$0xAE0]  }
0x14e: {  	v47 =	vmul.f32 v39, v11;
	v59 =	vld [tilespmem:s23+$0x810]  }
0x14f: {  	v60 =	vld [tilespmem:s23+$0xC10];
	v63 =	vmul.f32 v54, v17;
	v44 =	vmul.f32 v55, v18;
	v34 =	vadd.f32 v61, v34  }
0x150: {  	v52 =	vld [tilespmem:s23+$0xEE0]  }
0x151: {  	v45 =	vld [tilespmem:s23+$0x1010];
	v48 =	vmul.f32 v57, v15;
	v31 =	vadd.f32 v44, v63;
	v34 =	vadd.f32 v47, v34  }
0x152: {  	v53 =	vld [tilespmem:s23+$0x12E0]  }
0x153: {  	v49 =	vld [tilespmem:s23+$0x1410];
	v54 =	vmul.f32 v62, v16;
	v31 =	vadd.f32 v48, v31;
	[tilespmem:s11+$0x8650] =	vst v34  }
0x154: {  	v51 =	vmul.f32 v59, v21;
	v32 =	vmul.f32 v60, v19;
	v56 =	vld [tilespmem:s23+$0x760]  }
0x155: {  	v40 =	vmul.f32 v50, v10;
	v57 =	vld [tilespmem:s23+$0xB60];
	v31 =	vadd.f32 v54, v31  }
0x156: {  	v55 =	vmul.f32 v45, v22;
	v60 =	vmul.f32 v46, v9;
	v59 =	vld [tilespmem:s23+$0xF60];
	v32 =	vadd.f32 v32, v51  }
0x157: {  	v37 =	vmul.f32 v52, v8;
	v61 =	vld [tilespmem:s23+$0x1360];
	[tilespmem:s18+$0x8640] =	vst v31  }
0x158: {  	v58 =	vmul.f32 v49, v23;
	v44 =	vadd.f32 v40, v60;
	v32 =	vadd.f32 v55, v32;
	v63 =	vld [tilespmem:s23+$0x7D0]  }
0x159: {  	v45 =	vld [tilespmem:s23+$0xBD0]  }
0x15a: {  	v46 =	vmul.f32 v53, v7;
	v34 =	vadd.f32 v37, v44;
	v50 =	vld [tilespmem:s23+$0xFD0];
	v62 =	vadd.f32 v58, v32  }
0x15b: {  	v54 =	vld [tilespmem:s23+$0x13D0]  }
0x15c: {  	v31 =	vadd.f32 v46, v34;
	v46 =	vld [tilespmem:s23+$0xC80];
	[tilespmem:s3+$0x8610] =	vst v62  }
0x15d: {  	v36 =	vmul.f32 v56, v13;
	v48 =	vmul.f32 v57, v14;
	v47 =	vld [tilespmem:s23+$0x820]  }
0x15e: {  	v49 =	vld [tilespmem:s23+$0xC20]  }
0x15f: {  	v51 =	vadd.f32 v48, v36;
	v48 =	vld [tilespmem:s23+$0x1080]  }
0x160: {  	v52 =	vld [tilespmem:s23+$0x1020]  }
0x161: {  	[tilespmem:s29+$0x8660] =	vst v31;
	v57 =	vld [tilespmem:s23+$0x1420]  }
0x162: {  	v42 =	vld [tilespmem:s23+$0x6F0]  }
0x163: {  	v44 =	vld [tilespmem:s23+$0xAF0];
	v33 =	vmul.f32 v47, v21;
	v38 =	vmul.f32 v49, v19  }
0x164: {  	v35 =	vmul.f32 v59, v12;
	v39 =	vld [tilespmem:s23+$0xEF0]  }
0x165: {  	v56 =	vmul.f32 v45, v18;
	v45 =	vld [tilespmem:s23+$0x880];
	v36 =	vmul.f32 v52, v22;
	v33 =	vadd.f32 v38, v33  }
0x166: {  	v55 =	vadd.f32 v35, v51;
	v32 =	vmul.f32 v63, v17;
	v51 =	vld [tilespmem:s23+$0x1480]  }
0x167: {  	v60 =	vmul.f32 v54, v16;
	v54 =	vld [tilespmem:s23+$0x900];
	v35 =	vmul.f32 v57, v23;
	v33 =	vadd.f32 v36, v33  }
0x168: {  	v34 =	vadd.f32 v56, v32;
	v32 =	vld [tilespmem:s23+$0x12F0]  }
0x169: {  	v53 =	vmul.f32 v61, v11;
	v58 =	vmul.f32 v50, v15;
	v56 =	vld [tilespmem:s23+$0xD00];
	v35 =	vadd.f32 v35, v33  }
0x16a: {  	v57 =	vld [tilespmem:s23+$0x1100]  }
0x16b: {  	s1 =	sor.u32 $0x5, s22;
	v31 =	vadd.f32 v53, v55;
	v59 =	vadd.f32 v58, v34;
	v58 =	vld [tilespmem:s23+$0x980];
	[tilespmem:s3+$0x8620] =	vst v35  }
0x16c: {  	s9 =	sand.u32 $0xD, s1;
	v61 =	vld [tilespmem:s23+$0x830]  }
0x16d: {  	[tilespmem:s11+$0x8660] =	vst v31;
	v31 =	vadd.f32 v60, v59;
	v59 =	vmov s9;
	v35 =	vld [tilespmem:s23+$0xC30]  }
0x16e: {  	s9 =	sor.u32 $0x6, s22;
	v37 =	vperm.xlane v30, v59;
	v62 =	vld [tilespmem:s23+$0x1030]  }
0x16f: {  	s0 =	sand.u32 $0xE, s9;
	v36 =	vperm.xlane v29, v59;
	v63 =	vld [tilespmem:s23+$0x1430]  }
0x170: {  	v40 =	vld [tilespmem:s23+$0x770];
	[tilespmem:s18+$0x8650] =	vst v31;
	v31 =	vperm.xlane v24, v59;
	v53 =	vmov s0;
	v46 =	vmul.f32 v46, v37  }
0x171: {  	v41 =	vld [tilespmem:s23+$0xB70];
	v43 =	vperm.xlane v28, v53;
	v45 =	vmul.f32 v45, v36  }
0x172: {  	v34 =	vld [tilespmem:s23+$0xF70];
	v51 =	vmul.f32 v51, v31;
	v49 =	vmul.f32 v61, v21  }
0x173: {  	v47 =	vld [tilespmem:s23+$0x7E0];
	v50 =	vmul.f32 v35, v19;
	v35 =	vperm.xlane v28, v59  }
0x174: {  	s31 =	sor.u32 $0x7, s22;
	v52 =	vld [tilespmem:s23+$0xBE0];
	v38 =	vmul.f32 v62, v22;
	v60 =	vmul.f32 v63, v23  }
0x175: {  	s0 =	sand.u32 $0xF, s31;
	v33 =	vld [tilespmem:s23+$0x1370];
	v61 =	vadd.f32 v46, v45;
	v45 =	vperm.xlane v29, v53;
	v49 =	vadd.f32 v50, v49  }
0x176: {  	v55 =	vmov s0;
	v46 =	vperm.xlane v30, v53;
	v59 =	vld [tilespmem:s23+$0xD80];
	v48 =	vmul.f32 v48, v35  }
0x177: {  	v29 =	vperm.xlane v29, v55;
	v49 =	vadd.f32 v38, v49;
	v38 =	vperm.xlane v24, v53;
	v53 =	vld [tilespmem:s23+$0x1500]  }
0x178: {  	v50 =	vmul.f32 v54, v45;
	v54 =	vmul.f32 v56, v46;
	v56 =	vld [tilespmem:s23+$0x1180];
	v48 =	vadd.f32 v48, v61  }
0x179: {  	v30 =	vperm.xlane v30, v55;
	v62 =	vmul.f32 v57, v43;
	v57 =	vld [tilespmem:s23+$0x13E0];
	v49 =	vadd.f32 v60, v49  }
0x17a: {  	s1 =	sshll.u32 s1, $0x7;
	v28 =	vperm.xlane v28, v55;
	v50 =	vadd.f32 v54, v50;
	v54 =	vld [tilespmem:s23+$0x1580];
	v48 =	vadd.f32 v51, v48  }
0x17b: {  	s1 =	sand.u32 $0x3FFFFF80, s1;
	v63 =	vmul.f32 v59, v30;
	v60 =	vld [tilespmem:s23+$0xFE0];
	[tilespmem:s3+$0x8630] =	vst v49;
	v49 =	vmul.f32 v58, v29  }
0x17c: {  	v61 =	vadd.f32 v62, v50;
	[tilespmem:s1+$0x8600] =	vst v48;
	v59 =	vld [tilespmem:s23+$0x840];
	v62 =	vmul.f32 v53, v38  }
0x17d: {  	v24 =	vperm.xlane v24, v55;
	v51 =	vld [tilespmem:s23+$0x890];
	v49 =	vadd.f32 v63, v49;
	v63 =	vmul.f32 v56, v28  }
0x17e: {  	s9 =	sshll.u32 s9, $0x7;
	v58 =	vld [tilespmem:s23+$0xC90];
	v48 =	vadd.f32 v62, v61  }
0x17f: {  	s9 =	sand.u32 $0x3FFFFF80, s9;
	v50 =	vld [tilespmem:s23+$0x1090];
	v62 =	vmul.f32 v54, v24;
	v49 =	vadd.f32 v63, v49  }
0x180: {  	v63 =	vld [tilespmem:s23+$0x1490];
	[tilespmem:s9+$0x8600] =	vst v48  }
0x181: {  	s31 =	sshll.u32 s31, $0x7;
	v48 =	vld [tilespmem:s23+$0x910];
	v49 =	vadd.f32 v62, v49  }
0x182: {  	s31 =	sand.u32 $0x3FFFFF80, s31;
	v61 =	vld [tilespmem:s23+$0xD10]  }
0x183: {  	v51 =	vmul.f32 v51, v36;
	v55 =	vmul.f32 v58, v37;
	v56 =	vld [tilespmem:s23+$0x1110];
	[tilespmem:s31+$0x8600] =	vst v49  }
0x184: {  	v49 =	vld [tilespmem:s23+$0x990]  }
0x185: {  	v50 =	vmul.f32 v50, v35;
	v51 =	vadd.f32 v55, v51;
	v55 =	vld [tilespmem:s23+$0xD90]  }
0x186: {  	v58 =	vld [tilespmem:s23+$0x1510];
	v54 =	vmul.f32 v63, v31  }
0x187: {  	v53 =	vld [tilespmem:s23+$0x1190];
	v50 =	vadd.f32 v50, v51;
	v48 =	vmul.f32 v48, v45;
	v51 =	vmul.f32 v61, v46  }
0x188: {  	v63 =	vld [tilespmem:s23+$0x1590]  }
0x189: {  	v61 =	vld [tilespmem:s23+$0xC40];
	v62 =	vmul.f32 v56, v43;
	v50 =	vadd.f32 v54, v50;
	v48 =	vadd.f32 v51, v48  }
0x18a: {  	v56 =	vld [tilespmem:s23+$0x1040];
	v49 =	vmul.f32 v49, v29;
	v55 =	vmul.f32 v55, v30  }
0x18b: {  	[tilespmem:s1+$0x8610] =	vst v50;
	v50 =	vld [tilespmem:s23+$0x1440];
	v48 =	vadd.f32 v62, v48;
	v62 =	vmul.f32 v58, v38  }
0x18c: {  	v53 =	vmul.f32 v53, v28;
	v58 =	vld [tilespmem:s23+$0x8A0];
	v49 =	vadd.f32 v55, v49  }
0x18d: {  	v47 =	vmul.f32 v47, v17;
	v52 =	vmul.f32 v52, v18;
	v55 =	vld [tilespmem:s23+$0xCA0];
	v48 =	vadd.f32 v62, v48  }
0x18e: {  	v63 =	vmul.f32 v63, v24;
	v51 =	vld [tilespmem:s23+$0x10A0];
	v49 =	vadd.f32 v53, v49  }
0x18f: {  	v47 =	vadd.f32 v52, v47;
	v52 =	vld [tilespmem:s23+$0x14A0];
	[tilespmem:s9+$0x8610] =	vst v48  }
0x190: {  	v54 =	vmul.f32 v57, v16;
	v48 =	vmul.f32 v60, v15;
	v57 =	vld [tilespmem:s23+$0x920];
	v49 =	vadd.f32 v63, v49  }
0x191: {  	v53 =	vmul.f32 v59, v21;
	v59 =	vmul.f32 v61, v19;
	v60 =	vld [tilespmem:s23+$0xD20]  }
0x192: {  	v62 =	vmul.f32 v58, v36;
	v58 =	vld [tilespmem:s23+$0x1120];
	v47 =	vadd.f32 v48, v47;
	v55 =	vmul.f32 v55, v37;
	[tilespmem:s31+$0x8610] =	vst v49  }
0x193: {  	v61 =	vmul.f32 v56, v22;
	v63 =	vadd.f32 v59, v53;
	v56 =	vld [tilespmem:s23+$0x9A0]  }
0x194: {  	v51 =	vmul.f32 v51, v35;
	v47 =	vadd.f32 v54, v47;
	v48 =	vadd.f32 v55, v62;
	v54 =	vld [tilespmem:s23+$0xDA0]  }
0x195: {  	v50 =	vmul.f32 v50, v23;
	v52 =	vmul.f32 v52, v31;
	v53 =	vld [tilespmem:s23+$0x1520];
	v49 =	vadd.f32 v61, v63  }
0x196: {  	v48 =	vadd.f32 v51, v48;
	v62 =	vmul.f32 v57, v45;
	v63 =	vmul.f32 v60, v46;
	v57 =	vld [tilespmem:s23+$0x11A0]  }
0x197: {  	v55 =	vld [tilespmem:s23+$0x15A0];
	v49 =	vadd.f32 v50, v49;
	[tilespmem:s18+$0x8660] =	vst v47  }
0x198: {  	v61 =	vmul.f32 v58, v43;
	v47 =	vld [tilespmem:s23+$0x7F0];
	v60 =	vadd.f32 v52, v48;
	v51 =	vadd.f32 v63, v62  }
0x199: {  	[tilespmem:s3+$0x8640] =	vst v49;
	v48 =	vld [tilespmem:s23+$0xBF0];
	v62 =	vmul.f32 v56, v29;
	v54 =	vmul.f32 v54, v30  }
0x19a: {  	v63 =	vmul.f32 v53, v38;
	v56 =	vld [tilespmem:s23+$0x850];
	[tilespmem:s1+$0x8620] =	vst v60;
	v60 =	vadd.f32 v61, v51  }
0x19b: {  	v58 =	vld [tilespmem:s23+$0x8B0];
	v49 =	vadd.f32 v54, v62;
	v61 =	vmul.f32 v57, v28  }
0x19c: {  	v62 =	vld [tilespmem:s23+$0xCB0];
	v50 =	vadd.f32 v63, v60  }
0x19d: {  	v59 =	vmul.f32 v55, v24;
	v63 =	vld [tilespmem:s23+$0x10B0];
	v49 =	vadd.f32 v61, v49  }
0x19e: {  	v60 =	vld [tilespmem:s23+$0x14B0];
	[tilespmem:s9+$0x8620] =	vst v50  }
0x19f: {  	v50 =	vld [tilespmem:s23+$0x930];
	v49 =	vadd.f32 v59, v49  }
0x1a0: {  	v61 =	vld [tilespmem:s23+$0xD30]  }
0x1a1: {  	v52 =	vmul.f32 v58, v36;
	v54 =	vmul.f32 v62, v37;
	v62 =	vld [tilespmem:s23+$0x1130];
	[tilespmem:s31+$0x8620] =	vst v49  }
0x1a2: {  	v49 =	vld [tilespmem:s23+$0x9B0]  }
0x1a3: {  	v51 =	vmul.f32 v63, v35;
	v52 =	vadd.f32 v54, v52;
	v63 =	vld [tilespmem:s23+$0xDB0]  }
0x1a4: {  	v58 =	vld [tilespmem:s23+$0x1530];
	v55 =	vmul.f32 v60, v31  }
0x1a5: {  	v53 =	vld [tilespmem:s23+$0x11B0];
	v51 =	vadd.f32 v51, v52;
	v50 =	vmul.f32 v50, v45;
	v60 =	vmul.f32 v61, v46  }
0x1a6: {  	v57 =	vld [tilespmem:s23+$0x1050]  }
0x1a7: {  	v52 =	vmul.f32 v62, v43;
	v51 =	vadd.f32 v55, v51;
	v50 =	vadd.f32 v60, v50;
	v55 =	vld [tilespmem:s23+$0x15B0]  }
0x1a8: {  	v59 =	vld [tilespmem:s23+$0xC50];
	v49 =	vmul.f32 v49, v29;
	v54 =	vmul.f32 v63, v30  }
0x1a9: {  	v61 =	vmul.f32 v58, v38;
	v60 =	vld [tilespmem:s23+$0x1450];
	[tilespmem:s1+$0x8630] =	vst v51;
	v50 =	vadd.f32 v52, v50  }
0x1aa: {  	v53 =	vmul.f32 v53, v28;
	v52 =	vld [tilespmem:s23+$0x8C0];
	v49 =	vadd.f32 v54, v49  }
0x1ab: {  	v54 =	vld [tilespmem:s23+$0xCC0];
	v50 =	vadd.f32 v61, v50  }
0x1ac: {  	v51 =	vld [tilespmem:s23+$0x10C0];
	v49 =	vadd.f32 v53, v49;
	v62 =	vmul.f32 v55, v24  }
0x1ad: {  	v55 =	vld [tilespmem:s23+$0x14C0];
	[tilespmem:s9+$0x8630] =	vst v50  }
0x1ae: {  	v50 =	vld [tilespmem:s23+$0x940];
	v49 =	vadd.f32 v62, v49  }
0x1af: {  	v63 =	vmul.f32 v56, v21;
	v61 =	vmul.f32 v59, v19;
	v62 =	vld [tilespmem:s23+$0xD40]  }
0x1b0: {  	v59 =	vld [tilespmem:s23+$0x1140];
	v52 =	vmul.f32 v52, v36;
	v54 =	vmul.f32 v54, v37;
	[tilespmem:s31+$0x8630] =	vst v49  }
0x1b1: {  	v63 =	vadd.f32 v61, v63;
	v61 =	vmul.f32 v57, v22;
	v56 =	vld [tilespmem:s23+$0x9C0]  }
0x1b2: {  	v51 =	vmul.f32 v51, v35;
	v52 =	vadd.f32 v54, v52;
	v54 =	vld [tilespmem:s23+$0xDC0]  }
0x1b3: {  	v53 =	vmul.f32 v60, v23;
	v57 =	vld [tilespmem:s23+$0x1540];
	v49 =	vadd.f32 v61, v63;
	v55 =	vmul.f32 v55, v31  }
0x1b4: {  	v60 =	vld [tilespmem:s23+$0x11C0];
	v51 =	vadd.f32 v51, v52;
	v52 =	vmul.f32 v50, v45;
	v58 =	vmul.f32 v62, v46  }
0x1b5: {  	v53 =	vadd.f32 v53, v49;
	v49 =	vld [tilespmem:s23+$0x13F0]  }
0x1b6: {  	v62 =	vmul.f32 v59, v43;
	v51 =	vadd.f32 v55, v51;
	v52 =	vadd.f32 v58, v52;
	v58 =	vld [tilespmem:s23+$0x15C0]  }
0x1b7: {  	v50 =	vld [tilespmem:s23+$0xFF0];
	[tilespmem:s3+$0x8650] =	vst v53;
	v63 =	vmul.f32 v56, v29;
	v54 =	vmul.f32 v54, v30  }
0x1b8: {  	v61 =	vmul.f32 v57, v38;
	v56 =	vld [tilespmem:s23+$0x860];
	[tilespmem:s1+$0x8640] =	vst v51;
	v51 =	vadd.f32 v62, v52  }
0x1b9: {  	v62 =	vmul.f32 v60, v28;
	v55 =	vld [tilespmem:s23+$0x8D0];
	v53 =	vadd.f32 v54, v63  }
0x1ba: {  	v63 =	vld [tilespmem:s23+$0xCD0];
	v51 =	vadd.f32 v61, v51  }
0x1bb: {  	v60 =	vld [tilespmem:s23+$0x10D0];
	v53 =	vadd.f32 v62, v53;
	v61 =	vmul.f32 v58, v24  }
0x1bc: {  	v62 =	vld [tilespmem:s23+$0x14D0];
	[tilespmem:s9+$0x8640] =	vst v51  }
0x1bd: {  	v51 =	vld [tilespmem:s23+$0x950];
	v53 =	vadd.f32 v61, v53  }
0x1be: {  	v54 =	vld [tilespmem:s23+$0xD50]  }
0x1bf: {  	v59 =	vld [tilespmem:s23+$0x1150];
	v55 =	vmul.f32 v55, v36;
	v57 =	vmul.f32 v63, v37;
	[tilespmem:s31+$0x8640] =	vst v53  }
0x1c0: {  	v53 =	vld [tilespmem:s23+$0x9D0]  }
0x1c1: {  	v52 =	vmul.f32 v60, v35;
	v55 =	vadd.f32 v57, v55;
	v57 =	vld [tilespmem:s23+$0xDD0]  }
0x1c2: {  	v60 =	vld [tilespmem:s23+$0x1550];
	v58 =	vmul.f32 v62, v31  }
0x1c3: {  	v52 =	vadd.f32 v52, v55;
	v51 =	vmul.f32 v51, v45;
	v54 =	vmul.f32 v54, v46;
	v55 =	vld [tilespmem:s23+$0x11D0]  }
0x1c4: {  	v61 =	vld [tilespmem:s23+$0xC60]  }
0x1c5: {  	v63 =	vmul.f32 v59, v43;
	v52 =	vadd.f32 v58, v52;
	v51 =	vadd.f32 v54, v51;
	v58 =	vld [tilespmem:s23+$0x15D0]  }
0x1c6: {  	v59 =	vld [tilespmem:s23+$0x1060];
	v53 =	vmul.f32 v53, v29;
	v57 =	vmul.f32 v57, v30  }
0x1c7: {  	v62 =	vmul.f32 v60, v38;
	[tilespmem:s1+$0x8650] =	vst v52;
	v51 =	vadd.f32 v63, v51;
	v52 =	vld [tilespmem:s23+$0x1460]  }
0x1c8: {  	v53 =	vadd.f32 v57, v53;
	v57 =	vld [tilespmem:s23+$0x8E0];
	v55 =	vmul.f32 v55, v28  }
0x1c9: {  	v56 =	vmul.f32 v56, v21;
	v54 =	vld [tilespmem:s23+$0xCE0];
	v51 =	vadd.f32 v62, v51  }
0x1ca: {  	v60 =	vmul.f32 v61, v19;
	v53 =	vadd.f32 v55, v53;
	v55 =	vld [tilespmem:s23+$0x10E0];
	v58 =	vmul.f32 v58, v24  }
0x1cb: {  	[tilespmem:s9+$0x8650] =	vst v51;
	v51 =	vld [tilespmem:s23+$0x14E0]  }
0x1cc: {  	v56 =	vadd.f32 v60, v56;
	v59 =	vmul.f32 v59, v22;
	v60 =	vld [tilespmem:s23+$0x960];
	v53 =	vadd.f32 v58, v53  }
0x1cd: {  	v58 =	vld [tilespmem:s23+$0xD60]  }
0x1ce: {  	v56 =	vadd.f32 v59, v56;
	v52 =	vmul.f32 v52, v23;
	v59 =	vld [tilespmem:s23+$0x1160];
	[tilespmem:s31+$0x8650] =	vst v53  }
0x1cf: {  	v63 =	vmul.f32 v57, v36;
	v54 =	vmul.f32 v54, v37;
	v57 =	vld [tilespmem:s23+$0x9E0]  }
0x1d0: {  	v5 =	vmul.f32 v25, v5;
	v6 =	vmul.f32 v26, v6;
	v56 =	vadd.f32 v52, v56;
	v26 =	vld [tilespmem:s23+$0xDE0]  }
0x1d1: {  	v4 =	vmul.f32 v27, v4;
	v53 =	vld [tilespmem:s23+$0x1560];
	v27 =	vadd.f32 v54, v63;
	v61 =	vmul.f32 v55, v35  }
0x1d2: {  	[tilespmem:s3+$0x8660] =	vst v56;
	v62 =	vmul.f32 v60, v45;
	v63 =	vmul.f32 v58, v46;
	v58 =	vld [tilespmem:s23+$0x11E0]  }
0x1d3: {  	v5 =	vadd.f32 v6, v5;
	v51 =	vmul.f32 v51, v31;
	v27 =	vadd.f32 v61, v27;
	v52 =	vld [tilespmem:s23+$0x870]  }
0x1d4: {  	v9 =	vmul.f32 v42, v9;
	v61 =	vmul.f32 v59, v43;
	v60 =	vadd.f32 v63, v62;
	v62 =	vld [tilespmem:s23+$0x15E0]  }
0x1d5: {  	v6 =	vld [tilespmem:s23+$0x1070];
	v27 =	vadd.f32 v51, v27;
	v63 =	vmul.f32 v57, v29;
	v26 =	vmul.f32 v26, v30  }
0x1d6: {  	v4 =	vadd.f32 v4, v5;
	v10 =	vmul.f32 v44, v10;
	v51 =	vld [tilespmem:s23+$0xC70];
	v53 =	vmul.f32 v53, v38  }
0x1d7: {  	v5 =	vadd.f32 v61, v60;
	[tilespmem:s1+$0x8660] =	vst v27;
	v27 =	vld [tilespmem:s23+$0x1470];
	v26 =	vadd.f32 v26, v63;
	v55 =	vmul.f32 v58, v28  }
0x1d8: {  	v3 =	vmul.f32 v20, v3;
	v8 =	vmul.f32 v39, v8;
	v9 =	vadd.f32 v10, v9;
	v56 =	vld [tilespmem:s23+$0x8F0]  }
0x1d9: {  	v58 =	vld [tilespmem:s23+$0xCF0];
	v5 =	vadd.f32 v53, v5;
	v57 =	vadd.f32 v55, v26;
	v25 =	vmul.f32 v62, v24  }
0x1da: {  	v3 =	vadd.f32 v3, v4;
	v17 =	vmul.f32 v47, v17;
	v18 =	vmul.f32 v48, v18;
	v61 =	vld [tilespmem:s23+$0x10F0]  }
0x1db: {  	v7 =	vmul.f32 v32, v7;
	v8 =	vadd.f32 v8, v9;
	v63 =	vld [tilespmem:s23+$0x14F0];
	[tilespmem:s9+$0x8660] =	vst v5;
	v62 =	vadd.f32 v25, v57  }
0x1dc: {  	v12 =	vmul.f32 v34, v12;
	v32 =	vadd.f32 v18, v17;
	v15 =	vmul.f32 v50, v15;
	v25 =	vld [tilespmem:s23+$0x970]  }
0x1dd: {  	v7 =	vadd.f32 v7, v8;
	v59 =	vmul.f32 v40, v13;
	v60 =	vmul.f32 v41, v14;
	v34 =	vld [tilespmem:s23+$0xD70];
	[tilespmem:s31+$0x8660] =	vst v62  }
0x1de: {  	v42 =	vmul.f32 v49, v16;
	v4 =	vadd.f32 v15, v32;
	v40 =	vmul.f32 v33, v11;
	v41 =	vld [tilespmem:s23+$0x9F0]  }
0x1df: {  	v44 =	vmul.f32 v52, v21;
	v6 =	vmul.f32 v6, v22;
	v9 =	vadd.f32 v60, v59;
	v47 =	vld [tilespmem:s23+$0xDF0]  }
0x1e0: {  	v4 =	vadd.f32 v42, v4;
	v48 =	vmul.f32 v51, v19;
	v49 =	vld [tilespmem:s23+$0x1170];
	v52 =	vmul.f32 v27, v23  }
0x1e1: {  	v39 =	vadd.f32 v12, v9;
	v10 =	vmul.f32 v56, v36;
	v50 =	vmul.f32 v58, v37;
	v51 =	vld [tilespmem:s23+$0x11F0]  }
0x1e2: {  	v9 =	vadd.f32 v48, v44;
	v53 =	vld [tilespmem:s23+$0x1570];
	v14 =	vmul.f32 v61, v35;
	v59 =	vmul.f32 v63, v31  }
0x1e3: {  	v8 =	vadd.f32 v40, v39;
	v54 =	vld [tilespmem:s23+$0x15F0];
	v55 =	vmul.f32 v25, v45;
	v5 =	vmul.f32 v34, v46  }
0x1e4: {  	v10 =	vadd.f32 v50, v10;
	v56 =	vmul.f32 v41, v29;
	v57 =	vmul.f32 v47, v30  }
0x1e5: {  	[tilespmem:s28+$0x8670] =	vst v3;
	v6 =	vadd.f32 v6, v9;
	v58 =	vmul.f32 v49, v43;
	v5 =	vadd.f32 v5, v55  }
0x1e6: {  	[tilespmem:s29+$0x8670] =	vst v7;
	v3 =	vadd.f32 v14, v10;
	v60 =	vmul.f32 v51, v28;
	v9 =	vadd.f32 v57, v56  }
0x1e7: {  	p1 =	slt.u32 s22, $0x18;
	[tilespmem:s18+$0x8670] =	vst v4;
	v6 =	vadd.f32 v52, v6;
	v61 =	vmul.f32 v53, v38;
	v5 =	vadd.f32 v58, v5  }
.Ltmp2:
0x1e8: {  	[tilespmem:s11+$0x8670] =	vst v8;
	v3 =	vadd.f32 v59, v3;
	v63 =	vmul.f32 v54, v24;
	v62 =	vadd.f32 v60, v9;
	(pc) =	sbr.rel @p1 .LBB2_3-.Ltmp2, $4  }
0x1e9: {  	[tilespmem:s3+$0x8670] =	vst v6;
	v5 =	vadd.f32 v61, v5  }
0x1ea: {  	[tilespmem:s1+$0x8670] =	vst v3;
	v3 =	vadd.f32 v63, v62  }
0x1eb: {  	s29 =	sadd.s32 $0x8, s22;
	[tilespmem:s9+$0x8670] =	vst v5  }
0x1ec: {  	s22 =	smov.u32 s29;
	[tilespmem:s31+$0x8670] =	vst v3  }
0x1ed: {  	_ =	swait.ge [sflag:s15], $0x20  }
0x1ee: {  	[sflag:s15] =	ssyncset.done $0x0  }
0x1ef: {  	[sflag:s15] =	ssyncadd.s32 $0xFFFFFFE0  }
0x1f0: {  	s1 =	simm.s32 $0x8600;
	s0 =	rddreg [dreg:$0x2]  }
0x1f1: {  	[spmem:s0] =	stream.indirect.scatter.add.f32 [tilespmem:s1], [sflag:$0x7], $0x80, s16, s10, $0xb8;
	[tilespmem:$0x1DE80] =	vst v63  }
0x1f2: {  	p1 =	seq.s32 s20, $0x9F;
	s0 =	rddreg [dreg:$0x15]  }
0x1f3: {  	s0 =	sadd.s32 @!p1 s21, s0  }
0x1f4: {  	s0 =	sshrl.u32 @!p1 s0, $0x3  }
0x1f5: {  	s1 =	simm.s32 @!p1 $0x0;
	s3 =	sadd.s32 @!p1 s4, s0  }
0x1f6: {  	[tilespmem:s1], [sflag:$0x1] =	stream.linear.gather @!p1 [hbm4b:s3+s1], $0x20, $0x38;
	[tilespmem:$0x1DE80] =	vst v63  }
0x1f7: {  	s9 =	simm.s32 @!p1 $0x200;
	s3 =	sadd.s32 @!p1 s5, s0  }
0x1f8: {  	[tilespmem:s9], [sflag:$0x1] =	stream.linear.gather @!p1 [hbm4b:s3+s1], $0x20, $0x38;
	[tilespmem:$0x1DE80] =	vst v63  }
0x1f9: {  	s3 =	sadd.s32 @!p1 s6, s0;
	s9 =	simm.s32 @!p1 $0x280  }
0x1fa: {  	[tilespmem:s9], [sflag:$0x1] =	stream.linear.gather @!p1 [hbm4b:s3+s1], $0x20, $0x38;
	[tilespmem:$0x1DE80] =	vst v63  }
0x1fb: {  	p2 =	seq.s32 @!p1 s20, $0x0;
	s3 =	sadd.s32 @!p1 s7, s0;
	s9 =	simm.s32 @!p1 $0x300  }
0x1fc: {  	[tilespmem:s9], [sflag:$0x1] =	stream.linear.gather @!p1 [hbm4b:s3+s1], $0x20, $0x38;
	[tilespmem:$0x1DE80] =	vst v63  }
0x1fd: {  	p2 =	por p1, !p2;
	s0 =	sadd.s32 @!p1 s8, s0;
	s3 =	simm.s32 @!p1 $0x380  }
0x1fe: {  	[tilespmem:s3], [sflag:$0x1] =	stream.linear.gather @!p1 [hbm4b:s0+s1], $0x20, $0x38;
	[tilespmem:$0x1DE80] =	vst v63  }
0x1ff: {  	s0 =	simm.s32 @p2 $0x8  }
0x200: {  	_ =	swait.ge @p2 [sflag:s0], $0x1000  }
0x201: {  	[sflag:s0] =	ssyncset.done @p2 $0x0;
	s31 =	rddreg [dreg:$0x16]  }
0x202: {  	[sflag:s0] =	ssyncadd.s32 @p2 $0xFFFFF000;
	s0 =	sadd.s32 s21, s31  }
0x203: {  	s0 =	sshrl.u32 s0, $0x3  }
0x204: {  	s0 =	sadd.s32 s25, s0  }
0x205: {  	[tilespmem:s12], [sflag:$0x6] =	stream.linear.gather [hbm4b:s0+s2], $0x20, $0x38;
	[tilespmem:$0x1DE80] =	vst v63  }
0x206: {  	s0 =	simm.s32 @!p1 $0x1  }
0x207: {  	_ =	swait.ge @!p1 [sflag:s0], $0x20  }
0x208: {  	[sflag:s0] =	ssyncset.done @!p1 $0x0  }
0x209: {  	[sflag:s0] =	ssyncadd.s32 @!p1 $0xFFFFFFE0  }
0x20a: {  	_ =	swait.ge @!p1 [sflag:s0], $0x20  }
0x20b: {  	[sflag:s0] =	ssyncset.done @!p1 $0x0  }
0x20c: {  	[sflag:s0] =	ssyncadd.s32 @!p1 $0xFFFFFFE0  }
0x20d: {  	_ =	swait.ge @!p1 [sflag:s0], $0x20  }
0x20e: {  	[sflag:s0] =	ssyncset.done @!p1 $0x0  }
0x20f: {  	[sflag:s0] =	ssyncadd.s32 @!p1 $0xFFFFFFE0  }
0x210: {  	_ =	swait.ge @!p1 [sflag:s0], $0x20  }
0x211: {  	[sflag:s0] =	ssyncset.done @!p1 $0x0  }
0x212: {  	[sflag:s0] =	ssyncadd.s32 @!p1 $0xFFFFFFE0  }
0x213: {  	_ =	swait.ge @!p1 [sflag:s0], $0x20  }
0x214: {  	[sflag:s0] =	ssyncset.done @!p1 $0x0  }
0x215: {  	[sflag:s0] =	ssyncadd.s32 @!p1 $0xFFFFFFE0  }
0x216: {  	v3 =	vld @!p1 [tilespmem:$0x0];
	_ =	sdelay $0x4  }
0x217: {  	v4 =	vshll.u32 @!p1 v3, $0x2  }
0x218: {  	v5 =	vlaneseq.u32 @!p1;
	v3 =	vand.u32 @!p1 $0x7, v3;
	v4 =	vand.u32 @!p1 $0xFFFFFFE0, v4  }
0x219: {  	v6 =	vshrl.u32 @!p1 v5, $0x3;
	v3 =	vor.u32 @!p1 v3, v4;
	v4 =	vand.u32 @!p1 $0x7, v5  }
0x21a: {  	v6 =	vmul.u32 @!p1 $0x8, v6;
	v7 =	vperm.xlane @!p1 v3, v4;
	_ =	sdelay $0x1  }
0x21b: {  	v7 =	vadd.s32 @!p1 v6, v7  }
0x21c: {  	v5 =	vor.u32 @!p1 $0x8, v5  }
0x21d: {  	v3 =	vperm.xlane @!p1 v3, v5;
	_ =	sdelay $0x1  }
0x21e: {  	vm1 =	vmmov @!p1 $0xffff;
	s0 =	simm.s32 @!p1 $0x600;
	v3 =	vadd.s32 @!p1 v6, v3  }
0x21f: {  	[tilespmem:s0], [sflag:$0x3] =	stream.indirect_vreg.gather @!p1 [hbm4b:s24+s1], $0x80, v7, vm1, $0xb8;
	[tilespmem:$0x1DE80] =	vst v63  }
0x220: {  	s0 =	simm.s32 @!p1 $0xE00  }
0x221: {  	[tilespmem:s0], [sflag:$0x3] =	stream.indirect_vreg.gather @!p1 [hbm4b:s26+s1], $0x80, v7, vm1, $0xb8;
	[tilespmem:$0x1DE80] =	vst v63  }
0x222: {  	s0 =	simm.s32 @!p1 $0x1600  }
0x223: {  	[tilespmem:s0], [sflag:$0x3] =	stream.indirect_vreg.gather @!p1 [hbm4b:s24+s1], $0x80, v3, vm1, $0xb8;
	[tilespmem:$0x1DE80] =	vst v63  }
0x224: {  	s0 =	simm.s32 @!p1 $0x1E00  }
0x225: {  	[tilespmem:s0], [sflag:$0x3] =	stream.indirect_vreg.gather @!p1 [hbm4b:s26+s1], $0x80, v3, vm1, $0xb8;
	[tilespmem:$0x1DE80] =	vst v63  }
0x226: {  	v3 =	vld @!p1 [tilespmem:$0x10];
	_ =	sdelay $0x4  }
0x227: {  	v7 =	vshll.u32 @!p1 v3, $0x2  }
0x228: {  	v3 =	vand.u32 @!p1 $0x7, v3;
	v7 =	vand.u32 @!p1 $0xFFFFFFE0, v7  }
0x229: {  	v3 =	vor.u32 @!p1 v3, v7  }
0x22a: {  	v4 =	vperm.xlane @!p1 v3, v4;
	_ =	sdelay $0x1  }
0x22b: {  	v4 =	vadd.s32 @!p1 v6, v4;
	_ =	sdelay $0x1  }
0x22c: {  	v3 =	vperm.xlane @!p1 v3, v5;
	_ =	sdelay $0x1  }
0x22d: {  	s0 =	simm.s32 @!p1 $0x2600;
	v3 =	vadd.s32 @!p1 v6, v3  }
0x22e: {  	[tilespmem:s0], [sflag:$0x3] =	stream.indirect_vreg.gather @!p1 [hbm4b:s24+s1], $0x80, v4, vm1, $0xb8;
	[tilespmem:$0x1DE80] =	vst v63  }
0x22f: {  	s0 =	simm.s32 @!p1 $0x2E00  }
0x230: {  	[tilespmem:s0], [sflag:$0x3] =	stream.indirect_vreg.gather @!p1 [hbm4b:s26+s1], $0x80, v4, vm1, $0xb8;
	[tilespmem:$0x1DE80] =	vst v63  }
0x231: {  	s0 =	simm.s32 @!p1 $0x3600  }
0x232: {  	[tilespmem:s0], [sflag:$0x3] =	stream.indirect_vreg.gather @!p1 [hbm4b:s24+s1], $0x80, v3, vm1, $0xb8;
	[tilespmem:$0x1DE80] =	vst v63  }
0x233: {  	s0 =	simm.s32 @!p1 $0x3E00  }
0x234: {  	[tilespmem:s0], [sflag:$0x3] =	stream.indirect_vreg.gather @!p1 [hbm4b:s26+s1], $0x80, v3, vm1, $0xb8;
	[tilespmem:$0x1DE80] =	vst v63  }
0x235: {  	_ =	swait.ge [sflag:s13], $0x4000  }
0x236: {  	[sflag:s13] =	ssyncset.done $0x0  }
0x237: {  	s22 =	simm.s32 $0x0;
	[sflag:s13] =	ssyncadd.s32 $0xFFFFC000  }
.LBB2_5:
0x238: {  	s0 =	sand.u32 $0x10, s22  }
0x239: {  	v29 =	vld [tilespmem:s0+$0x400]  }
0x23a: {  	s1 =	sshll.u32 s22, $0x9;
	v30 =	vld [tilespmem:s0+$0x480]  }
0x23b: {  	v28 =	vld [tilespmem:s0+$0x500];
	s23 =	sand.u32 $0x3FFFFE00, s1  }
0x23c: {  	v3 =	vld [tilespmem:s23+$0x4600]  }
0x23d: {  	v7 =	vld [tilespmem:s23+$0x4A00]  }
0x23e: {  	s28 =	sand.u32 $0x8, s22;
	v24 =	vld [tilespmem:s0+$0x580]  }
0x23f: {  	v8 =	vmov s28;
	v9 =	vld [tilespmem:s23+$0x4E00]  }
0x240: {  	v5 =	vperm.xlane v29, v8;
	v6 =	vperm.xlane v30, v8  }
0x241: {  	v10 =	vld [tilespmem:s23+$0x5200];
	v4 =	vperm.xlane v28, v8  }
0x242: {  	v11 =	vmul.f32 v3, v5;
	v7 =	vmul.f32 v7, v6;
	_ =	sdelay $0x1  }
0x243: {  	v3 =	vperm.xlane v24, v8;
	v35 =	vmul.f32 v9, v4;
	v7 =	vadd.f32 v7, v11;
	_ =	sdelay $0x1  }
0x244: {  	v36 =	vmul.f32 v10, v3;
	v7 =	vadd.f32 v35, v7;
	_ =	sdelay $0x1  }
0x245: {  	s29 =	sshll.u32 s22, $0x7;
	v7 =	vadd.f32 v36, v7  }
0x246: {  	s28 =	sand.u32 $0x3FFFFF80, s29  }
0x247: {  	[tilespmem:s28+$0x9600] =	vst v7  }
0x248: {  	v7 =	vld [tilespmem:s23+$0x4610]  }
0x249: {  	v37 =	vld [tilespmem:s23+$0x4A10];
	_ =	sdelay $0x1  }
0x24a: {  	v38 =	vld [tilespmem:s23+$0x4E10];
	_ =	sdelay $0x1  }
0x24b: {  	v39 =	vld [tilespmem:s23+$0x5210]  }
0x24c: {  	v7 =	vmul.f32 v7, v5;
	v8 =	vmul.f32 v37, v6;
	_ =	sdelay $0x1  }
0x24d: {  	v40 =	vmul.f32 v38, v4;
	v7 =	vadd.f32 v8, v7;
	_ =	sdelay $0x1  }
0x24e: {  	v41 =	vmul.f32 v39, v3;
	v7 =	vadd.f32 v40, v7;
	_ =	sdelay $0x1  }
0x24f: {  	v7 =	vadd.f32 v41, v7;
	_ =	sdelay $0x1  }
0x250: {  	[tilespmem:s28+$0x9610] =	vst v7  }
0x251: {  	v7 =	vld [tilespmem:s23+$0x4620]  }
0x252: {  	v42 =	vld [tilespmem:s23+$0x4A20];
	_ =	sdelay $0x1  }
0x253: {  	v43 =	vld [tilespmem:s23+$0x4E20];
	_ =	sdelay $0x1  }
0x254: {  	v44 =	vld [tilespmem:s23+$0x5220]  }
0x255: {  	v7 =	vmul.f32 v7, v5;
	v8 =	vmul.f32 v42, v6;
	_ =	sdelay $0x1  }
0x256: {  	v45 =	vmul.f32 v43, v4;
	v7 =	vadd.f32 v8, v7;
	_ =	sdelay $0x1  }
0x257: {  	v46 =	vmul.f32 v44, v3;
	v7 =	vadd.f32 v45, v7;
	_ =	sdelay $0x1  }
0x258: {  	v7 =	vadd.f32 v46, v7;
	_ =	sdelay $0x1  }
0x259: {  	[tilespmem:s28+$0x9620] =	vst v7  }
0x25a: {  	v7 =	vld [tilespmem:s23+$0x4630]  }
0x25b: {  	v47 =	vld [tilespmem:s23+$0x4A30]  }
0x25c: {  	v12 =	vld [tilespmem:s23+$0x4680]  }
0x25d: {  	v48 =	vld [tilespmem:s23+$0x4E30]  }
0x25e: {  	s31 =	sor.u32 $0x1, s22;
	v13 =	vld [tilespmem:s23+$0x4A80]  }
0x25f: {  	s3 =	sand.u32 $0x9, s31;
	v49 =	vld [tilespmem:s23+$0x5230]  }
0x260: {  	v14 =	vmov s3;
	v7 =	vmul.f32 v7, v5;
	v8 =	vmul.f32 v47, v6  }
0x261: {  	v15 =	vld [tilespmem:s23+$0x4E80];
	v9 =	vperm.xlane v29, v14;
	v10 =	vperm.xlane v30, v14  }
0x262: {  	v50 =	vmul.f32 v48, v4;
	v7 =	vadd.f32 v8, v7  }
0x263: {  	v16 =	vld [tilespmem:s23+$0x5280];
	v12 =	vmul.f32 v12, v9;
	v13 =	vmul.f32 v13, v10  }
0x264: {  	v11 =	vmul.f32 v49, v3;
	v8 =	vperm.xlane v28, v14;
	v7 =	vadd.f32 v50, v7  }
0x265: {  	v12 =	vadd.f32 v13, v12  }
0x266: {  	v51 =	vmul.f32 v15, v8;
	v11 =	vadd.f32 v11, v7;
	v7 =	vperm.xlane v24, v14;
	_ =	sdelay $0x1  }
0x267: {  	v52 =	vadd.f32 v51, v12;
	v53 =	vmul.f32 v16, v7  }
0x268: {  	v18 =	vld [tilespmem:s23+$0x4700];
	[tilespmem:s28+$0x9630] =	vst v11  }
0x269: {  	s0 =	sshll.u32 s31, $0x7;
	v54 =	vld [tilespmem:s23+$0x4640];
	v11 =	vadd.f32 v53, v52  }
0x26a: {  	s29 =	sand.u32 $0x3FFFFF80, s0;
	v55 =	vld [tilespmem:s23+$0x4A40]  }
0x26b: {  	v56 =	vld [tilespmem:s23+$0x4E40];
	[tilespmem:s29+$0x9600] =	vst v11  }
0x26c: {  	v11 =	vld [tilespmem:s23+$0x4690]  }
0x26d: {  	v58 =	vld [tilespmem:s23+$0x4A90]  }
0x26e: {  	v19 =	vld [tilespmem:s23+$0x4B00]  }
0x26f: {  	v17 =	vld [tilespmem:s23+$0x4E90];
	v13 =	vmul.f32 v54, v5;
	v14 =	vmul.f32 v55, v6  }
0x270: {  	s9 =	sor.u32 $0x2, s22;
	v22 =	vld [tilespmem:s23+$0x4F00]  }
0x271: {  	s11 =	sand.u32 $0xA, s9;
	v20 =	vld [tilespmem:s23+$0x5290];
	v12 =	vmul.f32 v56, v4;
	v13 =	vadd.f32 v14, v13  }
0x272: {  	v21 =	vmov s11;
	v57 =	vld [tilespmem:s23+$0x5240];
	v11 =	vmul.f32 v11, v9;
	v16 =	vmul.f32 v58, v10  }
0x273: {  	v14 =	vperm.xlane v30, v21;
	v23 =	vadd.f32 v12, v13  }
0x274: {  	v13 =	vperm.xlane v29, v21;
	v59 =	vmul.f32 v17, v8;
	v11 =	vadd.f32 v16, v11  }
0x275: {  	v60 =	vld [tilespmem:s23+$0x5300];
	v12 =	vperm.xlane v28, v21;
	v19 =	vmul.f32 v19, v14  }
0x276: {  	v20 =	vmul.f32 v20, v7;
	v18 =	vmul.f32 v18, v13;
	v16 =	vadd.f32 v59, v11  }
0x277: {  	v15 =	vmul.f32 v57, v3;
	v61 =	vmul.f32 v22, v12  }
0x278: {  	v11 =	vperm.xlane v24, v21;
	v18 =	vadd.f32 v19, v18;
	v16 =	vadd.f32 v20, v16;
	_ =	sdelay $0x1  }
0x279: {  	v25 =	vld [tilespmem:s23+$0x4780];
	v15 =	vadd.f32 v15, v23;
	v62 =	vadd.f32 v61, v18;
	v17 =	vmul.f32 v60, v11;
	[tilespmem:s29+$0x9610] =	vst v16  }
0x27a: {  	v16 =	vld [tilespmem:s23+$0x46A0]  }
0x27b: {  	s0 =	sshll.u32 s9, $0x7;
	[tilespmem:s28+$0x9640] =	vst v15;
	v15 =	vadd.f32 v17, v62;
	v32 =	vld [tilespmem:s23+$0x4AA0]  }
0x27c: {  	s11 =	sand.u32 $0x3FFFFF80, s0;
	v33 =	vld [tilespmem:s23+$0x4EA0]  }
0x27d: {  	v35 =	vld [tilespmem:s23+$0x52A0];
	[tilespmem:s11+$0x9600] =	vst v15  }
0x27e: {  	v15 =	vld [tilespmem:s23+$0x4710]  }
0x27f: {  	v34 =	vld [tilespmem:s23+$0x4B10]  }
0x280: {  	v27 =	vld [tilespmem:s23+$0x4F80];
	v16 =	vmul.f32 v16, v9;
	v17 =	vmul.f32 v32, v10  }
0x281: {  	s18 =	sor.u32 $0x3, s22;
	v36 =	vld [tilespmem:s23+$0x4F10]  }
0x282: {  	s31 =	sand.u32 $0xB, s18;
	v40 =	vld [tilespmem:s23+$0x4B80];
	v38 =	vmul.f32 v33, v8;
	v16 =	vadd.f32 v17, v16  }
0x283: {  	v43 =	vmov s31;
	v37 =	vld [tilespmem:s23+$0x5310];
	v41 =	vmul.f32 v35, v7  }
0x284: {  	v63 =	vld [tilespmem:s23+$0x4650];
	v15 =	vmul.f32 v15, v13;
	v39 =	vmul.f32 v34, v14;
	v16 =	vadd.f32 v38, v16  }
0x285: {  	v26 =	vld [tilespmem:s23+$0x4A50];
	v18 =	vperm.xlane v30, v43;
	v17 =	vperm.xlane v29, v43  }
0x286: {  	v31 =	vld [tilespmem:s23+$0x4E50];
	v42 =	vmul.f32 v36, v12;
	v15 =	vadd.f32 v39, v15;
	v16 =	vadd.f32 v41, v16  }
0x287: {  	v20 =	vmul.f32 v40, v18;
	v32 =	vld [tilespmem:s23+$0x5380];
	v25 =	vmul.f32 v25, v17  }
0x288: {  	v33 =	vld [tilespmem:s23+$0x5250];
	v23 =	vmul.f32 v37, v11;
	v21 =	vadd.f32 v42, v15;
	v15 =	vperm.xlane v28, v43;
	[tilespmem:s29+$0x9620] =	vst v16  }
0x289: {  	v20 =	vadd.f32 v20, v25;
	v34 =	vld [tilespmem:s23+$0x46B0]  }
0x28a: {  	v21 =	vadd.f32 v23, v21;
	v16 =	vperm.xlane v24, v43;
	v45 =	vmul.f32 v27, v15;
	v44 =	vld [tilespmem:s23+$0x4AB0]  }
0x28b: {  	v46 =	vld [tilespmem:s23+$0x4EB0]  }
0x28c: {  	v52 =	vld [tilespmem:s23+$0x52B0];
	[tilespmem:s11+$0x9610] =	vst v21;
	v20 =	vadd.f32 v45, v20;
	v49 =	vmul.f32 v32, v16  }
0x28d: {  	v19 =	vmul.f32 v63, v5;
	v26 =	vmul.f32 v26, v6;
	v48 =	vld [tilespmem:s23+$0x4720]  }
0x28e: {  	s0 =	sshll.u32 s18, $0x7;
	v50 =	vld [tilespmem:s23+$0x4B20];
	v20 =	vadd.f32 v49, v20  }
0x28f: {  	s18 =	sand.u32 $0x3FFFFF80, s0;
	v47 =	vmul.f32 v31, v4;
	v19 =	vadd.f32 v26, v19;
	v54 =	vld [tilespmem:s23+$0x4F20]  }
0x290: {  	v55 =	vld [tilespmem:s23+$0x5320];
	[tilespmem:s18+$0x9600] =	vst v20  }
0x291: {  	v19 =	vadd.f32 v47, v19;
	v51 =	vmul.f32 v33, v3;
	v58 =	vld [tilespmem:s23+$0x4790]  }
0x292: {  	v53 =	vmul.f32 v34, v9;
	v23 =	vmul.f32 v44, v10;
	v61 =	vld [tilespmem:s23+$0x4B90]  }
0x293: {  	v19 =	vadd.f32 v51, v19;
	v59 =	vmul.f32 v48, v13;
	v60 =	vmul.f32 v50, v14  }
0x294: {  	v57 =	vmul.f32 v46, v8;
	v37 =	vld [tilespmem:s23+$0x4F90];
	v56 =	vadd.f32 v23, v53  }
0x295: {  	v35 =	vld [tilespmem:s23+$0x4C00];
	[tilespmem:s28+$0x9650] =	vst v19;
	v36 =	vmul.f32 v54, v12;
	v19 =	vadd.f32 v60, v59  }
0x296: {  	v63 =	vmul.f32 v52, v7;
	v39 =	vld [tilespmem:s23+$0x5390];
	v21 =	vmul.f32 v55, v11;
	v20 =	vadd.f32 v57, v56  }
0x297: {  	v62 =	vld [tilespmem:s23+$0x4660];
	v19 =	vadd.f32 v36, v19;
	v23 =	vmul.f32 v58, v17;
	v26 =	vmul.f32 v61, v18  }
0x298: {  	v38 =	vld [tilespmem:s23+$0x4A60];
	v20 =	vadd.f32 v63, v20  }
0x299: {  	v40 =	vld [tilespmem:s23+$0x4E60];
	v43 =	vmul.f32 v37, v15;
	v19 =	vadd.f32 v21, v19;
	v42 =	vadd.f32 v26, v23  }
0x29a: {  	v41 =	vld [tilespmem:s23+$0x5260];
	[tilespmem:s29+$0x9630] =	vst v20  }
0x29b: {  	v22 =	vmul.f32 v39, v16;
	v20 =	vld [tilespmem:s23+$0x46C0];
	[tilespmem:s11+$0x9620] =	vst v19;
	v21 =	vadd.f32 v43, v42  }
0x29c: {  	v19 =	vld [tilespmem:s23+$0x4730]  }
0x29d: {  	v45 =	vld [tilespmem:s23+$0x4B30];
	v21 =	vadd.f32 v22, v21  }
0x29e: {  	v48 =	vld [tilespmem:s23+$0x4F30]  }
0x29f: {  	v27 =	vmul.f32 v62, v5;
	v46 =	vmul.f32 v38, v6;
	v49 =	vld [tilespmem:s23+$0x5330];
	[tilespmem:s18+$0x9610] =	vst v21  }
0x2a0: {  	v51 =	vld [tilespmem:s23+$0x47A0]  }
0x2a1: {  	v25 =	vmul.f32 v40, v4;
	v27 =	vadd.f32 v46, v27;
	v52 =	vld [tilespmem:s23+$0x4BA0]  }
0x2a2: {  	v44 =	vld [tilespmem:s23+$0x4AC0];
	v19 =	vmul.f32 v19, v13;
	v23 =	vmul.f32 v45, v14  }
0x2a3: {  	v50 =	vmul.f32 v41, v3;
	v25 =	vadd.f32 v25, v27;
	v54 =	vld [tilespmem:s23+$0x4FA0]  }
0x2a4: {  	v47 =	vld [tilespmem:s23+$0x4EC0];
	v22 =	vmul.f32 v48, v12;
	v19 =	vadd.f32 v23, v19  }
0x2a5: {  	v21 =	vadd.f32 v50, v25;
	v57 =	vld [tilespmem:s23+$0x53A0];
	v56 =	vmul.f32 v49, v11  }
0x2a6: {  	v37 =	vld [tilespmem:s23+$0x5000];
	v19 =	vadd.f32 v22, v19;
	v58 =	vmul.f32 v51, v17;
	v59 =	vmul.f32 v52, v18  }
0x2a7: {  	v53 =	vld [tilespmem:s23+$0x52C0];
	v20 =	vmul.f32 v20, v9;
	v26 =	vmul.f32 v44, v10  }
0x2a8: {  	v44 =	vld [tilespmem:s23+$0x4800];
	[tilespmem:s28+$0x9660] =	vst v21;
	v23 =	vmul.f32 v54, v15;
	v19 =	vadd.f32 v56, v19;
	v60 =	vadd.f32 v59, v58  }
0x2a9: {  	v55 =	vmul.f32 v47, v8;
	v25 =	vld [tilespmem:s23+$0x4670]  }
0x2aa: {  	v20 =	vadd.f32 v26, v20;
	v26 =	vld [tilespmem:s23+$0x4A70];
	v61 =	vmul.f32 v57, v16;
	[tilespmem:s11+$0x9630] =	vst v19;
	v22 =	vadd.f32 v23, v60  }
0x2ab: {  	v19 =	vld [tilespmem:s23+$0x4740]  }
0x2ac: {  	v34 =	vmul.f32 v53, v7;
	v21 =	vadd.f32 v55, v20;
	v62 =	vld [tilespmem:s23+$0x4B40];
	v22 =	vadd.f32 v61, v22  }
0x2ad: {  	v39 =	vld [tilespmem:s23+$0x4F40]  }
0x2ae: {  	v21 =	vadd.f32 v34, v21;
	v40 =	vld [tilespmem:s23+$0x5340];
	[tilespmem:s18+$0x9620] =	vst v22  }
0x2af: {  	v22 =	vld [tilespmem:s23+$0x47B0]  }
0x2b0: {  	[tilespmem:s29+$0x9640] =	vst v21;
	v41 =	vld [tilespmem:s23+$0x4BB0]  }
0x2b1: {  	v63 =	vld [tilespmem:s23+$0x46D0];
	v19 =	vmul.f32 v19, v13;
	v21 =	vmul.f32 v62, v14  }
0x2b2: {  	v42 =	vld [tilespmem:s23+$0x4FB0]  }
0x2b3: {  	v38 =	vld [tilespmem:s23+$0x4AD0];
	v43 =	vmul.f32 v39, v12;
	v19 =	vadd.f32 v21, v19  }
0x2b4: {  	s3 =	sor.u32 $0x4, s22;
	v46 =	vld [tilespmem:s23+$0x53B0];
	v45 =	vmul.f32 v40, v11  }
0x2b5: {  	s9 =	sand.u32 $0xC, s3;
	v27 =	vld [tilespmem:s23+$0x4E70];
	v19 =	vadd.f32 v43, v19;
	v22 =	vmul.f32 v22, v17;
	v33 =	vmul.f32 v41, v18  }
0x2b6: {  	v36 =	vmov s9;
	v31 =	vmul.f32 v63, v9;
	v41 =	vld [tilespmem:s23+$0x4ED0]  }
0x2b7: {  	v20 =	vld [tilespmem:s23+$0x5270];
	v34 =	vmul.f32 v42, v15;
	v39 =	vadd.f32 v45, v19;
	v33 =	vadd.f32 v33, v22  }
0x2b8: {  	v50 =	vmul.f32 v38, v10;
	v21 =	vperm.xlane v29, v36;
	v43 =	vld [tilespmem:s23+$0x52D0]  }
0x2b9: {  	v40 =	vld [tilespmem:s23+$0x5400];
	v32 =	vmul.f32 v46, v16;
	v19 =	vperm.xlane v30, v36;
	[tilespmem:s11+$0x9640] =	vst v39;
	v33 =	vadd.f32 v34, v33  }
0x2ba: {  	v31 =	vadd.f32 v50, v31;
	v42 =	vmul.f32 v44, v21;
	v22 =	vperm.xlane v28, v36;
	v47 =	vld [tilespmem:s23+$0x4750]  }
0x2bb: {  	v35 =	vmul.f32 v35, v19;
	v49 =	vld [tilespmem:s23+$0x4B50];
	v53 =	vmul.f32 v41, v8;
	v32 =	vadd.f32 v32, v33  }
0x2bc: {  	v23 =	vperm.xlane v24, v36;
	v48 =	vmul.f32 v37, v22;
	v51 =	vld [tilespmem:s23+$0x4F50]  }
0x2bd: {  	v39 =	vld [tilespmem:s23+$0x5350];
	v56 =	vmul.f32 v43, v7;
	v35 =	vadd.f32 v35, v42;
	v31 =	vadd.f32 v53, v31;
	[tilespmem:s18+$0x9630] =	vst v32  }
0x2be: {  	v54 =	vld [tilespmem:s23+$0x47C0]  }
0x2bf: {  	v52 =	vmul.f32 v40, v23;
	v35 =	vadd.f32 v48, v35;
	v55 =	vld [tilespmem:s23+$0x4BC0];
	v31 =	vadd.f32 v56, v31  }
0x2c0: {  	v57 =	vld [tilespmem:s23+$0x4FC0]  }
0x2c1: {  	s0 =	sshll.u32 s3, $0x7;
	v62 =	vld [tilespmem:s23+$0x53C0];
	v35 =	vadd.f32 v52, v35;
	v34 =	vmul.f32 v47, v13;
	v58 =	vmul.f32 v49, v14;
	[tilespmem:s29+$0x9650] =	vst v31  }
0x2c2: {  	s3 =	sand.u32 $0x3FFFFF80, s0;
	v46 =	vld [tilespmem:s23+$0x46E0]  }
0x2c3: {  	v61 =	vmul.f32 v51, v12;
	[tilespmem:s3+$0x9600] =	vst v35;
	v34 =	vadd.f32 v58, v34;
	v50 =	vld [tilespmem:s23+$0x4AE0]  }
0x2c4: {  	v47 =	vmul.f32 v39, v11;
	v59 =	vld [tilespmem:s23+$0x4810]  }
0x2c5: {  	v60 =	vld [tilespmem:s23+$0x4C10];
	v63 =	vmul.f32 v54, v17;
	v44 =	vmul.f32 v55, v18;
	v34 =	vadd.f32 v61, v34  }
0x2c6: {  	v52 =	vld [tilespmem:s23+$0x4EE0]  }
0x2c7: {  	v45 =	vld [tilespmem:s23+$0x5010];
	v48 =	vmul.f32 v57, v15;
	v31 =	vadd.f32 v44, v63;
	v34 =	vadd.f32 v47, v34  }
0x2c8: {  	v53 =	vld [tilespmem:s23+$0x52E0]  }
0x2c9: {  	v49 =	vld [tilespmem:s23+$0x5410];
	v54 =	vmul.f32 v62, v16;
	v31 =	vadd.f32 v48, v31;
	[tilespmem:s11+$0x9650] =	vst v34  }
0x2ca: {  	v51 =	vmul.f32 v59, v21;
	v32 =	vmul.f32 v60, v19;
	v56 =	vld [tilespmem:s23+$0x4760]  }
0x2cb: {  	v40 =	vmul.f32 v50, v10;
	v57 =	vld [tilespmem:s23+$0x4B60];
	v31 =	vadd.f32 v54, v31  }
0x2cc: {  	v55 =	vmul.f32 v45, v22;
	v60 =	vmul.f32 v46, v9;
	v59 =	vld [tilespmem:s23+$0x4F60];
	v32 =	vadd.f32 v32, v51  }
0x2cd: {  	v37 =	vmul.f32 v52, v8;
	v61 =	vld [tilespmem:s23+$0x5360];
	[tilespmem:s18+$0x9640] =	vst v31  }
0x2ce: {  	v58 =	vmul.f32 v49, v23;
	v44 =	vadd.f32 v40, v60;
	v32 =	vadd.f32 v55, v32;
	v63 =	vld [tilespmem:s23+$0x47D0]  }
0x2cf: {  	v45 =	vld [tilespmem:s23+$0x4BD0]  }
0x2d0: {  	v46 =	vmul.f32 v53, v7;
	v34 =	vadd.f32 v37, v44;
	v50 =	vld [tilespmem:s23+$0x4FD0];
	v62 =	vadd.f32 v58, v32  }
0x2d1: {  	v54 =	vld [tilespmem:s23+$0x53D0]  }
0x2d2: {  	v31 =	vadd.f32 v46, v34;
	v46 =	vld [tilespmem:s23+$0x4C80];
	[tilespmem:s3+$0x9610] =	vst v62  }
0x2d3: {  	v36 =	vmul.f32 v56, v13;
	v48 =	vmul.f32 v57, v14;
	v47 =	vld [tilespmem:s23+$0x4820]  }
0x2d4: {  	v49 =	vld [tilespmem:s23+$0x4C20]  }
0x2d5: {  	v51 =	vadd.f32 v48, v36;
	v48 =	vld [tilespmem:s23+$0x5080]  }
0x2d6: {  	v52 =	vld [tilespmem:s23+$0x5020]  }
0x2d7: {  	[tilespmem:s29+$0x9660] =	vst v31;
	v57 =	vld [tilespmem:s23+$0x5420]  }
0x2d8: {  	v42 =	vld [tilespmem:s23+$0x46F0]  }
0x2d9: {  	v44 =	vld [tilespmem:s23+$0x4AF0];
	v33 =	vmul.f32 v47, v21;
	v38 =	vmul.f32 v49, v19  }
0x2da: {  	v35 =	vmul.f32 v59, v12;
	v39 =	vld [tilespmem:s23+$0x4EF0]  }
0x2db: {  	v56 =	vmul.f32 v45, v18;
	v45 =	vld [tilespmem:s23+$0x4880];
	v36 =	vmul.f32 v52, v22;
	v33 =	vadd.f32 v38, v33  }
0x2dc: {  	v55 =	vadd.f32 v35, v51;
	v32 =	vmul.f32 v63, v17;
	v51 =	vld [tilespmem:s23+$0x5480]  }
0x2dd: {  	v60 =	vmul.f32 v54, v16;
	v54 =	vld [tilespmem:s23+$0x4900];
	v35 =	vmul.f32 v57, v23;
	v33 =	vadd.f32 v36, v33  }
0x2de: {  	v34 =	vadd.f32 v56, v32;
	v32 =	vld [tilespmem:s23+$0x52F0]  }
0x2df: {  	v58 =	vmul.f32 v50, v15;
	v56 =	vld [tilespmem:s23+$0x4D00];
	v35 =	vadd.f32 v35, v33  }
0x2e0: {  	v53 =	vmul.f32 v61, v11;
	v57 =	vld [tilespmem:s23+$0x5100]  }
0x2e1: {  	v59 =	vadd.f32 v58, v34;
	v58 =	vld [tilespmem:s23+$0x4980];
	[tilespmem:s3+$0x9620] =	vst v35  }
0x2e2: {  	s0 =	sor.u32 $0x5, s22;
	v31 =	vadd.f32 v53, v55;
	v61 =	vld [tilespmem:s23+$0x4830]  }
0x2e3: {  	s31 =	sand.u32 $0xD, s0;
	s9 =	sor.u32 $0x6, s22;
	v35 =	vld [tilespmem:s23+$0x4C30]  }
0x2e4: {  	s1 =	sand.u32 $0xE, s9;
	[tilespmem:s11+$0x9660] =	vst v31;
	v31 =	vadd.f32 v60, v59;
	v59 =	vmov s31;
	v62 =	vld [tilespmem:s23+$0x5030]  }
0x2e5: {  	v53 =	vmov s1;
	v37 =	vperm.xlane v30, v59;
	v36 =	vperm.xlane v29, v59;
	v63 =	vld [tilespmem:s23+$0x5430]  }
0x2e6: {  	v43 =	vperm.xlane v28, v53;
	v40 =	vld [tilespmem:s23+$0x4770];
	[tilespmem:s18+$0x9650] =	vst v31;
	v31 =	vperm.xlane v24, v59  }
0x2e7: {  	v41 =	vld [tilespmem:s23+$0x4B70];
	v46 =	vmul.f32 v46, v37;
	v45 =	vmul.f32 v45, v36  }
0x2e8: {  	v34 =	vld [tilespmem:s23+$0x4F70];
	v51 =	vmul.f32 v51, v31;
	v49 =	vmul.f32 v61, v21  }
0x2e9: {  	v47 =	vld [tilespmem:s23+$0x47E0];
	v50 =	vmul.f32 v35, v19;
	v35 =	vperm.xlane v28, v59  }
0x2ea: {  	s31 =	sor.u32 $0x7, s22;
	v52 =	vld [tilespmem:s23+$0x4BE0];
	v38 =	vmul.f32 v62, v22;
	v60 =	vmul.f32 v63, v23  }
0x2eb: {  	s1 =	sand.u32 $0xF, s31;
	v33 =	vld [tilespmem:s23+$0x5370];
	v61 =	vadd.f32 v46, v45;
	v45 =	vperm.xlane v29, v53;
	v49 =	vadd.f32 v50, v49  }
0x2ec: {  	v55 =	vmov s1;
	v46 =	vperm.xlane v30, v53;
	v59 =	vld [tilespmem:s23+$0x4D80];
	v48 =	vmul.f32 v48, v35  }
0x2ed: {  	v29 =	vperm.xlane v29, v55;
	v49 =	vadd.f32 v38, v49;
	v38 =	vperm.xlane v24, v53;
	v53 =	vld [tilespmem:s23+$0x5500]  }
0x2ee: {  	v50 =	vmul.f32 v54, v45;
	v54 =	vmul.f32 v56, v46;
	v56 =	vld [tilespmem:s23+$0x5180];
	v48 =	vadd.f32 v48, v61  }
0x2ef: {  	v30 =	vperm.xlane v30, v55;
	v62 =	vmul.f32 v57, v43;
	v57 =	vld [tilespmem:s23+$0x53E0];
	v49 =	vadd.f32 v60, v49  }
0x2f0: {  	s0 =	sshll.u32 s0, $0x7;
	v28 =	vperm.xlane v28, v55;
	v50 =	vadd.f32 v54, v50;
	v54 =	vld [tilespmem:s23+$0x5580];
	v48 =	vadd.f32 v51, v48  }
0x2f1: {  	s1 =	sand.u32 $0x3FFFFF80, s0;
	v63 =	vmul.f32 v59, v30;
	v60 =	vld [tilespmem:s23+$0x4FE0];
	[tilespmem:s3+$0x9630] =	vst v49;
	v49 =	vmul.f32 v58, v29  }
0x2f2: {  	v61 =	vadd.f32 v62, v50;
	[tilespmem:s1+$0x9600] =	vst v48;
	v59 =	vld [tilespmem:s23+$0x4840];
	v62 =	vmul.f32 v53, v38  }
0x2f3: {  	v24 =	vperm.xlane v24, v55;
	v51 =	vld [tilespmem:s23+$0x4890];
	v49 =	vadd.f32 v63, v49;
	v63 =	vmul.f32 v56, v28  }
0x2f4: {  	s9 =	sshll.u32 s9, $0x7;
	v58 =	vld [tilespmem:s23+$0x4C90];
	v48 =	vadd.f32 v62, v61  }
0x2f5: {  	s9 =	sand.u32 $0x3FFFFF80, s9;
	v50 =	vld [tilespmem:s23+$0x5090];
	v62 =	vmul.f32 v54, v24;
	v49 =	vadd.f32 v63, v49  }
0x2f6: {  	v63 =	vld [tilespmem:s23+$0x5490];
	[tilespmem:s9+$0x9600] =	vst v48  }
0x2f7: {  	s31 =	sshll.u32 s31, $0x7;
	v48 =	vld [tilespmem:s23+$0x4910];
	v49 =	vadd.f32 v62, v49  }
0x2f8: {  	s31 =	sand.u32 $0x3FFFFF80, s31;
	v61 =	vld [tilespmem:s23+$0x4D10]  }
0x2f9: {  	v51 =	vmul.f32 v51, v36;
	v55 =	vmul.f32 v58, v37;
	v56 =	vld [tilespmem:s23+$0x5110];
	[tilespmem:s31+$0x9600] =	vst v49  }
0x2fa: {  	v49 =	vld [tilespmem:s23+$0x4990]  }
0x2fb: {  	v50 =	vmul.f32 v50, v35;
	v51 =	vadd.f32 v55, v51;
	v55 =	vld [tilespmem:s23+$0x4D90]  }
0x2fc: {  	v58 =	vld [tilespmem:s23+$0x5510];
	v54 =	vmul.f32 v63, v31  }
0x2fd: {  	v53 =	vld [tilespmem:s23+$0x5190];
	v50 =	vadd.f32 v50, v51;
	v48 =	vmul.f32 v48, v45;
	v51 =	vmul.f32 v61, v46  }
0x2fe: {  	v63 =	vld [tilespmem:s23+$0x5590]  }
0x2ff: {  	v61 =	vld [tilespmem:s23+$0x4C40];
	v62 =	vmul.f32 v56, v43;
	v50 =	vadd.f32 v54, v50;
	v48 =	vadd.f32 v51, v48  }
0x300: {  	v56 =	vld [tilespmem:s23+$0x5040];
	v49 =	vmul.f32 v49, v29;
	v55 =	vmul.f32 v55, v30  }
0x301: {  	[tilespmem:s1+$0x9610] =	vst v50;
	v50 =	vld [tilespmem:s23+$0x5440];
	v48 =	vadd.f32 v62, v48;
	v62 =	vmul.f32 v58, v38  }
0x302: {  	v53 =	vmul.f32 v53, v28;
	v58 =	vld [tilespmem:s23+$0x48A0];
	v49 =	vadd.f32 v55, v49  }
0x303: {  	v47 =	vmul.f32 v47, v17;
	v52 =	vmul.f32 v52, v18;
	v55 =	vld [tilespmem:s23+$0x4CA0];
	v48 =	vadd.f32 v62, v48  }
0x304: {  	v63 =	vmul.f32 v63, v24;
	v51 =	vld [tilespmem:s23+$0x50A0];
	v49 =	vadd.f32 v53, v49  }
0x305: {  	v47 =	vadd.f32 v52, v47;
	v52 =	vld [tilespmem:s23+$0x54A0];
	[tilespmem:s9+$0x9610] =	vst v48  }
0x306: {  	v54 =	vmul.f32 v57, v16;
	v48 =	vmul.f32 v60, v15;
	v57 =	vld [tilespmem:s23+$0x4920];
	v49 =	vadd.f32 v63, v49  }
0x307: {  	v53 =	vmul.f32 v59, v21;
	v59 =	vmul.f32 v61, v19;
	v60 =	vld [tilespmem:s23+$0x4D20]  }
0x308: {  	v62 =	vmul.f32 v58, v36;
	v58 =	vld [tilespmem:s23+$0x5120];
	v47 =	vadd.f32 v48, v47;
	v55 =	vmul.f32 v55, v37;
	[tilespmem:s31+$0x9610] =	vst v49  }
0x309: {  	v61 =	vmul.f32 v56, v22;
	v63 =	vadd.f32 v59, v53;
	v56 =	vld [tilespmem:s23+$0x49A0]  }
0x30a: {  	v51 =	vmul.f32 v51, v35;
	v47 =	vadd.f32 v54, v47;
	v48 =	vadd.f32 v55, v62;
	v54 =	vld [tilespmem:s23+$0x4DA0]  }
0x30b: {  	v50 =	vmul.f32 v50, v23;
	v52 =	vmul.f32 v52, v31;
	v53 =	vld [tilespmem:s23+$0x5520];
	v49 =	vadd.f32 v61, v63  }
0x30c: {  	v48 =	vadd.f32 v51, v48;
	v62 =	vmul.f32 v57, v45;
	v63 =	vmul.f32 v60, v46;
	v57 =	vld [tilespmem:s23+$0x51A0]  }
0x30d: {  	v55 =	vld [tilespmem:s23+$0x55A0];
	v49 =	vadd.f32 v50, v49;
	[tilespmem:s18+$0x9660] =	vst v47  }
0x30e: {  	v61 =	vmul.f32 v58, v43;
	v47 =	vld [tilespmem:s23+$0x47F0];
	v60 =	vadd.f32 v52, v48;
	v51 =	vadd.f32 v63, v62  }
0x30f: {  	[tilespmem:s3+$0x9640] =	vst v49;
	v48 =	vld [tilespmem:s23+$0x4BF0];
	v62 =	vmul.f32 v56, v29;
	v54 =	vmul.f32 v54, v30  }
0x310: {  	v63 =	vmul.f32 v53, v38;
	v56 =	vld [tilespmem:s23+$0x4850];
	[tilespmem:s1+$0x9620] =	vst v60;
	v60 =	vadd.f32 v61, v51  }
0x311: {  	v58 =	vld [tilespmem:s23+$0x48B0];
	v49 =	vadd.f32 v54, v62;
	v61 =	vmul.f32 v57, v28  }
0x312: {  	v62 =	vld [tilespmem:s23+$0x4CB0];
	v50 =	vadd.f32 v63, v60  }
0x313: {  	v59 =	vmul.f32 v55, v24;
	v63 =	vld [tilespmem:s23+$0x50B0];
	v49 =	vadd.f32 v61, v49  }
0x314: {  	v60 =	vld [tilespmem:s23+$0x54B0];
	[tilespmem:s9+$0x9620] =	vst v50  }
0x315: {  	v50 =	vld [tilespmem:s23+$0x4930];
	v49 =	vadd.f32 v59, v49  }
0x316: {  	v61 =	vld [tilespmem:s23+$0x4D30]  }
0x317: {  	v52 =	vmul.f32 v58, v36;
	v54 =	vmul.f32 v62, v37;
	v62 =	vld [tilespmem:s23+$0x5130];
	[tilespmem:s31+$0x9620] =	vst v49  }
0x318: {  	v49 =	vld [tilespmem:s23+$0x49B0]  }
0x319: {  	v51 =	vmul.f32 v63, v35;
	v52 =	vadd.f32 v54, v52;
	v63 =	vld [tilespmem:s23+$0x4DB0]  }
0x31a: {  	v58 =	vld [tilespmem:s23+$0x5530];
	v55 =	vmul.f32 v60, v31  }
0x31b: {  	v53 =	vld [tilespmem:s23+$0x51B0];
	v51 =	vadd.f32 v51, v52;
	v50 =	vmul.f32 v50, v45;
	v60 =	vmul.f32 v61, v46  }
0x31c: {  	v57 =	vld [tilespmem:s23+$0x5050]  }
0x31d: {  	v52 =	vmul.f32 v62, v43;
	v51 =	vadd.f32 v55, v51;
	v50 =	vadd.f32 v60, v50;
	v55 =	vld [tilespmem:s23+$0x55B0]  }
0x31e: {  	v59 =	vld [tilespmem:s23+$0x4C50];
	v49 =	vmul.f32 v49, v29;
	v54 =	vmul.f32 v63, v30  }
0x31f: {  	v61 =	vmul.f32 v58, v38;
	v60 =	vld [tilespmem:s23+$0x5450];
	[tilespmem:s1+$0x9630] =	vst v51;
	v50 =	vadd.f32 v52, v50  }
0x320: {  	v53 =	vmul.f32 v53, v28;
	v52 =	vld [tilespmem:s23+$0x48C0];
	v49 =	vadd.f32 v54, v49  }
0x321: {  	v54 =	vld [tilespmem:s23+$0x4CC0];
	v50 =	vadd.f32 v61, v50  }
0x322: {  	v51 =	vld [tilespmem:s23+$0x50C0];
	v49 =	vadd.f32 v53, v49;
	v62 =	vmul.f32 v55, v24  }
0x323: {  	v55 =	vld [tilespmem:s23+$0x54C0];
	[tilespmem:s9+$0x9630] =	vst v50  }
0x324: {  	v50 =	vld [tilespmem:s23+$0x4940];
	v49 =	vadd.f32 v62, v49  }
0x325: {  	v63 =	vmul.f32 v56, v21;
	v61 =	vmul.f32 v59, v19;
	v62 =	vld [tilespmem:s23+$0x4D40]  }
0x326: {  	v59 =	vld [tilespmem:s23+$0x5140];
	v52 =	vmul.f32 v52, v36;
	v54 =	vmul.f32 v54, v37;
	[tilespmem:s31+$0x9630] =	vst v49  }
0x327: {  	v63 =	vadd.f32 v61, v63;
	v61 =	vmul.f32 v57, v22;
	v56 =	vld [tilespmem:s23+$0x49C0]  }
0x328: {  	v51 =	vmul.f32 v51, v35;
	v52 =	vadd.f32 v54, v52;
	v54 =	vld [tilespmem:s23+$0x4DC0]  }
0x329: {  	v53 =	vmul.f32 v60, v23;
	v57 =	vld [tilespmem:s23+$0x5540];
	v49 =	vadd.f32 v61, v63;
	v55 =	vmul.f32 v55, v31  }
0x32a: {  	v60 =	vld [tilespmem:s23+$0x51C0];
	v51 =	vadd.f32 v51, v52;
	v52 =	vmul.f32 v50, v45;
	v58 =	vmul.f32 v62, v46  }
0x32b: {  	v53 =	vadd.f32 v53, v49;
	v49 =	vld [tilespmem:s23+$0x53F0]  }
0x32c: {  	v62 =	vmul.f32 v59, v43;
	v51 =	vadd.f32 v55, v51;
	v52 =	vadd.f32 v58, v52;
	v58 =	vld [tilespmem:s23+$0x55C0]  }
0x32d: {  	v50 =	vld [tilespmem:s23+$0x4FF0];
	[tilespmem:s3+$0x9650] =	vst v53;
	v63 =	vmul.f32 v56, v29;
	v54 =	vmul.f32 v54, v30  }
0x32e: {  	v61 =	vmul.f32 v57, v38;
	v56 =	vld [tilespmem:s23+$0x4860];
	[tilespmem:s1+$0x9640] =	vst v51;
	v51 =	vadd.f32 v62, v52  }
0x32f: {  	v62 =	vmul.f32 v60, v28;
	v55 =	vld [tilespmem:s23+$0x48D0];
	v53 =	vadd.f32 v54, v63  }
0x330: {  	v63 =	vld [tilespmem:s23+$0x4CD0];
	v51 =	vadd.f32 v61, v51  }
0x331: {  	v60 =	vld [tilespmem:s23+$0x50D0];
	v53 =	vadd.f32 v62, v53;
	v61 =	vmul.f32 v58, v24  }
0x332: {  	v62 =	vld [tilespmem:s23+$0x54D0];
	[tilespmem:s9+$0x9640] =	vst v51  }
0x333: {  	v51 =	vld [tilespmem:s23+$0x4950];
	v53 =	vadd.f32 v61, v53  }
0x334: {  	v54 =	vld [tilespmem:s23+$0x4D50]  }
0x335: {  	v59 =	vld [tilespmem:s23+$0x5150];
	v55 =	vmul.f32 v55, v36;
	v57 =	vmul.f32 v63, v37;
	[tilespmem:s31+$0x9640] =	vst v53  }
0x336: {  	v53 =	vld [tilespmem:s23+$0x49D0]  }
0x337: {  	v52 =	vmul.f32 v60, v35;
	v55 =	vadd.f32 v57, v55;
	v57 =	vld [tilespmem:s23+$0x4DD0]  }
0x338: {  	v60 =	vld [tilespmem:s23+$0x5550];
	v58 =	vmul.f32 v62, v31  }
0x339: {  	v52 =	vadd.f32 v52, v55;
	v51 =	vmul.f32 v51, v45;
	v54 =	vmul.f32 v54, v46;
	v55 =	vld [tilespmem:s23+$0x51D0]  }
0x33a: {  	v61 =	vld [tilespmem:s23+$0x4C60]  }
0x33b: {  	v63 =	vmul.f32 v59, v43;
	v52 =	vadd.f32 v58, v52;
	v51 =	vadd.f32 v54, v51;
	v58 =	vld [tilespmem:s23+$0x55D0]  }
0x33c: {  	v59 =	vld [tilespmem:s23+$0x5060];
	v53 =	vmul.f32 v53, v29;
	v57 =	vmul.f32 v57, v30  }
0x33d: {  	v62 =	vmul.f32 v60, v38;
	[tilespmem:s1+$0x9650] =	vst v52;
	v51 =	vadd.f32 v63, v51;
	v52 =	vld [tilespmem:s23+$0x5460]  }
0x33e: {  	v53 =	vadd.f32 v57, v53;
	v57 =	vld [tilespmem:s23+$0x48E0];
	v55 =	vmul.f32 v55, v28  }
0x33f: {  	v56 =	vmul.f32 v56, v21;
	v54 =	vld [tilespmem:s23+$0x4CE0];
	v51 =	vadd.f32 v62, v51  }
0x340: {  	v60 =	vmul.f32 v61, v19;
	v53 =	vadd.f32 v55, v53;
	v55 =	vld [tilespmem:s23+$0x50E0];
	v58 =	vmul.f32 v58, v24  }
0x341: {  	[tilespmem:s9+$0x9650] =	vst v51;
	v51 =	vld [tilespmem:s23+$0x54E0]  }
0x342: {  	v56 =	vadd.f32 v60, v56;
	v59 =	vmul.f32 v59, v22;
	v60 =	vld [tilespmem:s23+$0x4960];
	v53 =	vadd.f32 v58, v53  }
0x343: {  	v58 =	vld [tilespmem:s23+$0x4D60]  }
0x344: {  	v56 =	vadd.f32 v59, v56;
	v52 =	vmul.f32 v52, v23;
	v59 =	vld [tilespmem:s23+$0x5160];
	[tilespmem:s31+$0x9650] =	vst v53  }
0x345: {  	v63 =	vmul.f32 v57, v36;
	v54 =	vmul.f32 v54, v37;
	v57 =	vld [tilespmem:s23+$0x49E0]  }
0x346: {  	v5 =	vmul.f32 v25, v5;
	v6 =	vmul.f32 v26, v6;
	v56 =	vadd.f32 v52, v56;
	v26 =	vld [tilespmem:s23+$0x4DE0]  }
0x347: {  	v4 =	vmul.f32 v27, v4;
	v53 =	vld [tilespmem:s23+$0x5560];
	v27 =	vadd.f32 v54, v63;
	v61 =	vmul.f32 v55, v35  }
0x348: {  	[tilespmem:s3+$0x9660] =	vst v56;
	v62 =	vmul.f32 v60, v45;
	v63 =	vmul.f32 v58, v46;
	v58 =	vld [tilespmem:s23+$0x51E0]  }
0x349: {  	v5 =	vadd.f32 v6, v5;
	v51 =	vmul.f32 v51, v31;
	v27 =	vadd.f32 v61, v27;
	v52 =	vld [tilespmem:s23+$0x4870]  }
0x34a: {  	v9 =	vmul.f32 v42, v9;
	v61 =	vmul.f32 v59, v43;
	v60 =	vadd.f32 v63, v62;
	v62 =	vld [tilespmem:s23+$0x55E0]  }
0x34b: {  	v6 =	vld [tilespmem:s23+$0x5070];
	v27 =	vadd.f32 v51, v27;
	v63 =	vmul.f32 v57, v29;
	v26 =	vmul.f32 v26, v30  }
0x34c: {  	v4 =	vadd.f32 v4, v5;
	v10 =	vmul.f32 v44, v10;
	v51 =	vld [tilespmem:s23+$0x4C70];
	v53 =	vmul.f32 v53, v38  }
0x34d: {  	v5 =	vadd.f32 v61, v60;
	[tilespmem:s1+$0x9660] =	vst v27;
	v27 =	vld [tilespmem:s23+$0x5470];
	v26 =	vadd.f32 v26, v63;
	v55 =	vmul.f32 v58, v28  }
0x34e: {  	v3 =	vmul.f32 v20, v3;
	v8 =	vmul.f32 v39, v8;
	v9 =	vadd.f32 v10, v9;
	v56 =	vld [tilespmem:s23+$0x48F0]  }
0x34f: {  	v58 =	vld [tilespmem:s23+$0x4CF0];
	v5 =	vadd.f32 v53, v5;
	v57 =	vadd.f32 v55, v26;
	v25 =	vmul.f32 v62, v24  }
0x350: {  	v3 =	vadd.f32 v3, v4;
	v17 =	vmul.f32 v47, v17;
	v18 =	vmul.f32 v48, v18;
	v61 =	vld [tilespmem:s23+$0x50F0]  }
0x351: {  	v7 =	vmul.f32 v32, v7;
	v8 =	vadd.f32 v8, v9;
	v63 =	vld [tilespmem:s23+$0x54F0];
	[tilespmem:s9+$0x9660] =	vst v5;
	v62 =	vadd.f32 v25, v57  }
0x352: {  	v12 =	vmul.f32 v34, v12;
	v32 =	vadd.f32 v18, v17;
	v15 =	vmul.f32 v50, v15;
	v25 =	vld [tilespmem:s23+$0x4970]  }
0x353: {  	v7 =	vadd.f32 v7, v8;
	v59 =	vmul.f32 v40, v13;
	v60 =	vmul.f32 v41, v14;
	v34 =	vld [tilespmem:s23+$0x4D70];
	[tilespmem:s31+$0x9660] =	vst v62  }
0x354: {  	v42 =	vmul.f32 v49, v16;
	v4 =	vadd.f32 v15, v32;
	v40 =	vmul.f32 v33, v11;
	v41 =	vld [tilespmem:s23+$0x49F0]  }
0x355: {  	v44 =	vmul.f32 v52, v21;
	v6 =	vmul.f32 v6, v22;
	v9 =	vadd.f32 v60, v59;
	v47 =	vld [tilespmem:s23+$0x4DF0]  }
0x356: {  	v4 =	vadd.f32 v42, v4;
	v48 =	vmul.f32 v51, v19;
	v49 =	vld [tilespmem:s23+$0x5170];
	v52 =	vmul.f32 v27, v23  }
0x357: {  	v39 =	vadd.f32 v12, v9;
	v10 =	vmul.f32 v56, v36;
	v50 =	vmul.f32 v58, v37;
	v51 =	vld [tilespmem:s23+$0x51F0]  }
0x358: {  	v9 =	vadd.f32 v48, v44;
	v53 =	vld [tilespmem:s23+$0x5570];
	v14 =	vmul.f32 v61, v35;
	v59 =	vmul.f32 v63, v31  }
0x359: {  	v8 =	vadd.f32 v40, v39;
	v54 =	vld [tilespmem:s23+$0x55F0];
	v55 =	vmul.f32 v25, v45;
	v5 =	vmul.f32 v34, v46  }
0x35a: {  	v10 =	vadd.f32 v50, v10;
	v56 =	vmul.f32 v41, v29;
	v57 =	vmul.f32 v47, v30  }
0x35b: {  	[tilespmem:s28+$0x9670] =	vst v3;
	v6 =	vadd.f32 v6, v9;
	v58 =	vmul.f32 v49, v43;
	v5 =	vadd.f32 v5, v55  }
0x35c: {  	[tilespmem:s29+$0x9670] =	vst v7;
	v3 =	vadd.f32 v14, v10;
	v60 =	vmul.f32 v51, v28;
	v9 =	vadd.f32 v57, v56  }
0x35d: {  	p2 =	slt.u32 s22, $0x18;
	[tilespmem:s18+$0x9670] =	vst v4;
	v6 =	vadd.f32 v52, v6;
	v61 =	vmul.f32 v53, v38;
	v5 =	vadd.f32 v58, v5  }
.Ltmp3:
0x35e: {  	[tilespmem:s11+$0x9670] =	vst v8;
	v3 =	vadd.f32 v59, v3;
	v63 =	vmul.f32 v54, v24;
	v62 =	vadd.f32 v60, v9;
	(pc) =	sbr.rel @p2 .LBB2_5-.Ltmp3, $4  }
0x35f: {  	[tilespmem:s3+$0x9670] =	vst v6;
	v5 =	vadd.f32 v61, v5  }
0x360: {  	[tilespmem:s1+$0x9670] =	vst v3;
	v3 =	vadd.f32 v63, v62  }
0x361: {  	s29 =	sadd.s32 $0x8, s22;
	[tilespmem:s9+$0x9670] =	vst v5  }
0x362: {  	s22 =	smov.u32 s29;
	[tilespmem:s31+$0x9670] =	vst v3  }
.Ltmp4:
0x363: {  	_ =	swait.ge [sflag:s14], $0x20;
	(pc) =	sbr.rel @p1 .LBB2_8-.Ltmp4, $4  }
0x364: {  	[sflag:s14] =	ssyncset.done $0x0  }
0x365: {  	[sflag:s14] =	ssyncadd.s32 $0xFFFFFFE0  }
0x366: {  	s1 =	simm.s32 $0x9600;
	s0 =	rddreg [dreg:$0x2]  }
0x367: {  	[spmem:s0] =	stream.indirect.scatter.add.f32 [tilespmem:s1], [sflag:$0x8], $0x80, s12, s10, $0xb8;
	[tilespmem:$0x1DE80] =	vst v63  }
0x368: {  	s0 =	rddreg [dreg:$0x17]  }
0x369: {  	s0 =	sadd.s32 s21, s0  }
0x36a: {  	s0 =	sshrl.u32 s0, $0x3  }
0x36b: {  	s3 =	simm.s32 $0x80;
	s1 =	sadd.s32 s4, s0  }
0x36c: {  	[tilespmem:s3], [sflag:$0x2] =	stream.linear.gather [hbm4b:s1+s2], $0x20, $0x38;
	[tilespmem:$0x1DE80] =	vst v63  }
0x36d: {  	s21 =	simm.s32 $0x400;
	s18 =	sadd.s32 s5, s0  }
0x36e: {  	[tilespmem:s21], [sflag:$0x2] =	stream.linear.gather [hbm4b:s18+s2], $0x20, $0x38;
	[tilespmem:$0x1DE80] =	vst v63  }
0x36f: {  	s23 =	simm.s32 $0x480;
	s22 =	sadd.s32 s6, s0  }
0x370: {  	[tilespmem:s23], [sflag:$0x2] =	stream.linear.gather [hbm4b:s22+s2], $0x20, $0x38;
	[tilespmem:$0x1DE80] =	vst v63  }
.Ltmp5:
0x371: {  	_ = 	snop;
	(pc) =	sbr.rel .LBB2_2-.Ltmp5, $4  }
0x372: {  	s29 =	simm.s32 $0x500;
	s28 =	sadd.s32 s7, s0  }
0x373: {  	[tilespmem:s29], [sflag:$0x2] =	stream.linear.gather [hbm4b:s28+s2], $0x20, $0x38;
	[tilespmem:$0x1DE80] =	vst v63  }
0x374: {  	s31 =	simm.s32 $0x580;
	s20 =	sadd.s32 $0x1, s20;
	s0 =	sadd.s32 s8, s0  }
0x375: {  	[tilespmem:s31], [sflag:$0x2] =	stream.linear.gather [hbm4b:s0+s2], $0x20, $0x38;
	[tilespmem:$0x1DE80] =	vst v63  }
.LBB2_9:
0x376: {  	_ =	sfence.sel $0x180000  }
0x377: {  	[bflag:$0x0] =	sbarrier.arrive $0xFFFF  }
0x378: {  	_ =	strace $0x90000047  }
0x379: {  	s0 =	stileid.u32;
	[bflag:$0x2] =	sbarrier.arrive $0xFFFF  }
0x37a: {  	p0 =	sne.s32 s0, $0x0;
	s0 =	rddreg [dreg:$0x3]  }
0x37b: {  	s0 =	sadd.s32 @!p0 $0x100000, s0  }
0x37c: {  	[sflag:s0] =	ssyncadd.tile.s32 @!p0 $0x1;
	_ =	shalt  }
.Lfunc_end2:
_tile_overlayer_lowered:
.L_overlay_start_2:
0x37d: {  	(tag) =	ssettag $0x2  }
0x37e: {  	s0 =	rddreg [dreg:$0x0];
	s2 =	stileid.u32  }
0x37f: {  	s1 =	rddreg [dreg:$0x1];
	p0 =	sne.s32 s2, $0x0  }
0x380: {  	s3 =	rddreg [dreg:$0x2];
	[bflag:$0x3] =	sbarrier.arrive $0xFFFF;
	s2 =	simm.s32 @!p0 $0x1C09  }
0x381: {  	[timem:s3], [sflag:s2] =	dma.local @!p0 [hbm:s0], s1  }
0x382: {  	s0 =	simm.s32 @!p0 $0x9  }
0x383: {  	_ =	swait.ge @!p0 [sflag:s0], s1  }
0x384: {  	s1 =	ssub.s32 @!p0 $0x0, s1;
	[sflag:s0] =	ssyncset.done @!p0 $0x0  }
0x385: {  	[sflag:s0] =	ssyncadd.s32 @!p0 s1  }
0x386: {  	[bflag:$0x3] =	sbarrier.arrive $0xFFFF  }
0x387: {  	_ =	shalt  }

</sc_bundles>
